<compile_context>
chip_gen: v7x
topology: tpu7x:2x2x1
jax: 0.10.2.dev20260603
libtpu: 0.0.44.dev20260713+nightly
codegen_flags: <defaults>
</compile_context>

<pallas_src>
import jax
import jax.numpy as jnp
from jax import lax
from jax.experimental import pallas as pl
from jax.experimental.pallas import tpu as pltpu
from jax.experimental.pallas import tpu_sc as plsc

B, S = 2, 2048
DIM = 1024
INTER = 512
E = 8
K = 2
NG = 4
T = B * S
A_TOT = T * K
BLK = 256
G = A_TOT + E * BLK
NB = G // BLK
TB = 512
TBS = 512
NEG = -1e30

NC = 2
NS = 16
NWK = NC * NS
A_PER_W = A_TOT // NWK
CH = 64
NCH = A_PER_W // CH


def _router_body(lg_ref, er_ref, rr_ref, vv_ref, cnt_ref):
    i = pl.program_id(0)

    @pl.when(i == 0)
    def _():
        cnt_ref[...] = jnp.zeros((8, 8), jnp.float32)

    lane = lax.broadcasted_iota(jnp.int32, (TB, E), 1)
    lg = lg_ref[...]
    m = jnp.max(lg, axis=1, keepdims=True)
    ex = jnp.exp(lg - m)
    s = ex / jnp.sum(ex, axis=1, keepdims=True)

    row = lax.broadcasted_iota(jnp.int32, (E, E), 0)
    col = lax.broadcasted_iota(jnp.int32, (E, E), 1)
    gm = jnp.where((col < NG) & (row // 2 == col), 1.0, 0.0)
    gmt = jnp.where((row < NG) & (col // 2 == row), 1.0, 0.0)
    gs = jnp.dot(s, gm, preferred_element_type=jnp.float32,
                 precision=lax.Precision.HIGHEST)
    gsm = jnp.where(lane < NG, gs, NEG)

    g1 = jnp.max(gsm, axis=1, keepdims=True)
    i1 = jnp.min(jnp.where(gsm == g1, lane, 128), axis=1, keepdims=True)
    gsm2 = jnp.where(lane == i1, NEG, gsm)
    g2 = jnp.max(gsm2, axis=1, keepdims=True)
    i2 = jnp.min(jnp.where(gsm2 == g2, lane, 128), axis=1, keepdims=True)
    selg = jnp.where((lane == i1) | (lane == i2), 1.0, 0.0)
    sele = jnp.dot(selg, gmt, preferred_element_type=jnp.float32,
                   precision=lax.Precision.HIGHEST)

    sp = jnp.where(sele > 0.5, s, NEG)
    v1 = jnp.max(sp, axis=1, keepdims=True)
    e1 = jnp.min(jnp.where(sp == v1, lane, 128), axis=1, keepdims=True)
    sp2 = jnp.where(lane == e1, NEG, sp)
    v2 = jnp.max(sp2, axis=1, keepdims=True)
    e2 = jnp.min(jnp.where(sp2 == v2, lane, 128), axis=1, keepdims=True)

    oh1 = jnp.where(lane == e1, 1.0, 0.0)
    oh2 = jnp.where(lane == e2, 1.0, 0.0)
    h = oh1 + oh2
    rr = lax.broadcasted_iota(jnp.int32, (TB, TB), 0)
    cc = lax.broadcasted_iota(jnp.int32, (TB, TB), 1)
    lf = jnp.where(cc < rr, 1.0, 0.0)
    p = jnp.dot(lf, h, preferred_element_type=jnp.float32)
    cb = cnt_ref[0:1, :]
    r1 = jnp.sum((p + cb) * oh1, axis=1, keepdims=True)
    r2 = jnp.sum((p + cb) * oh2, axis=1, keepdims=True)
    cnt_ref[0:1, :] = cb + jnp.sum(h, axis=0, keepdims=True)

    er_ref[...] = jnp.concatenate([e1, e2], axis=1)
    rr_ref[...] = jnp.concatenate([r1.astype(jnp.int32),
                                   r2.astype(jnp.int32)], axis=1)
    vv_ref[...] = jnp.concatenate([v1, v2], axis=1)


def _gmm_body(be_ref, x_ref, w1_ref, b1_ref, w2_ref, b2_ref, w3_ref, b3_ref,
              o_ref):
    a = x_ref[...]
    h1 = jnp.dot(a, w1_ref[0], preferred_element_type=jnp.float32) + b1_ref[0]
    h2 = jnp.dot(a, w2_ref[0], preferred_element_type=jnp.float32) + b2_ref[0]
    h = h1 * h2
    hs = h * jax.nn.sigmoid(h)
    o_ref[...] = jnp.dot(hs, w3_ref[0],
                         preferred_element_type=jnp.float32) + b3_ref[0]


def _shared_body(x_ref, ws1_ref, bs1_ref, ws2_ref, bs2_ref, ws3_ref, bs3_ref,
                 z_ref):
    a = x_ref[...]
    h1 = jnp.dot(a, ws1_ref[...], preferred_element_type=jnp.float32) + bs1_ref[...]
    h2 = jnp.dot(a, ws2_ref[...], preferred_element_type=jnp.float32) + bs2_ref[...]
    h = h1 * h2
    hs = h * jax.nn.sigmoid(h)
    z_ref[...] = jnp.dot(hs, ws3_ref[...],
                         preferred_element_type=jnp.float32) + bs3_ref[...]


def _combine_body(z_ref, og_ref, vv_ref, y_ref):
    vv = vv_ref[...]
    v1 = vv[:, 0:1]
    v2 = vv[:, 1:2]
    og = og_ref[...]
    y_ref[...] = z_ref[...] + v1 * og[:, :DIM] + v2 * og[:, DIM:]


def _sc_dispatch_body(x_hbm, src_hbm, pos_hbm, xg_hbm, src_v, pos_v,
                      rows_a, sga, ssa):
    wid = lax.axis_index("s") * NC + lax.axis_index("c")
    base = wid * NCH
    pltpu.sync_copy(src_hbm.at[pl.ds(base, NCH)], src_v)
    pltpu.sync_copy(pos_hbm.at[pl.ds(base, NCH)], pos_v)
    for j in range(NCH):
        pltpu.async_copy(x_hbm.at[src_v.at[j]], rows_a, sga).wait()
        pltpu.async_copy(rows_a, xg_hbm.at[pos_v.at[j]], ssa).wait()


def _sc_gather_body(og_hbm, pos_hbm, out_hbm, pos_v, rows_a, sga, ssa):
    wid = lax.axis_index("s") * NC + lax.axis_index("c")
    base = wid * NCH
    abase = wid * A_PER_W
    pltpu.sync_copy(pos_hbm.at[pl.ds(base, NCH)], pos_v)
    for j in range(NCH):
        pltpu.async_copy(og_hbm.at[pos_v.at[j]], rows_a, sga).wait()
        pltpu.async_copy(rows_a, out_hbm.at[pl.ds(abase + j * CH, CH)],
                         ssa).wait()


def _make_sc_kernels():
    mesh = plsc.VectorSubcoreMesh(core_axis_name="c", subcore_axis_name="s",
                                  num_cores=NC, num_subcores=NS)
    dispatch = pl.kernel(
        _sc_dispatch_body,
        out_type=jax.ShapeDtypeStruct((G, DIM), jnp.float32),
        mesh=mesh,
        scratch_types=[
            pltpu.VMEM((NCH, CH), jnp.int32),
            pltpu.VMEM((NCH, CH), jnp.int32),
            pltpu.VMEM((CH, DIM), jnp.float32),
            pltpu.SemaphoreType.DMA,
            pltpu.SemaphoreType.DMA,
        ],
    )
    gather = pl.kernel(
        _sc_gather_body,
        out_type=jax.ShapeDtypeStruct((A_TOT, DIM), jnp.float32),
        mesh=mesh,
        scratch_types=[
            pltpu.VMEM((NCH, CH), jnp.int32),
            pltpu.VMEM((CH, DIM), jnp.float32),
            pltpu.SemaphoreType.DMA,
            pltpu.SemaphoreType.DMA,
        ],
    )
    return dispatch, gather


def kernel(x, Wr, br, We1, be1, We2, be2, We3, be3, Ws1, bs1, Ws2, bs2, Ws3,
           bs3):
    xf = x.reshape(T, DIM)
    logits = xf @ Wr + br

    er, rr, vv, cnts = pl.pallas_call(
        _router_body,
        grid=(T // TB,),
        in_specs=[
            pl.BlockSpec((TB, E), lambda i: (i, 0)),
        ],
        out_specs=[
            pl.BlockSpec((TB, 2), lambda i: (i, 0)),
            pl.BlockSpec((TB, 2), lambda i: (i, 0)),
            pl.BlockSpec((TB, 2), lambda i: (i, 0)),
            pl.BlockSpec((8, 8), lambda i: (0, 0)),
        ],
        out_shape=[
            jax.ShapeDtypeStruct((T, 2), jnp.int32),
            jax.ShapeDtypeStruct((T, 2), jnp.int32),
            jax.ShapeDtypeStruct((T, 2), jnp.float32),
            jax.ShapeDtypeStruct((8, 8), jnp.float32),
        ],
    )(logits)

    z = pl.pallas_call(
        _shared_body,
        grid=(T // TBS,),
        in_specs=[
            pl.BlockSpec((TBS, DIM), lambda i: (i, 0)),
            pl.BlockSpec((DIM, 2 * INTER), lambda i: (0, 0)),
            pl.BlockSpec((1, 2 * INTER), lambda i: (0, 0)),
            pl.BlockSpec((DIM, 2 * INTER), lambda i: (0, 0)),
            pl.BlockSpec((1, 2 * INTER), lambda i: (0, 0)),
            pl.BlockSpec((2 * INTER, DIM), lambda i: (0, 0)),
            pl.BlockSpec((1, DIM), lambda i: (0, 0)),
        ],
        out_specs=pl.BlockSpec((TBS, DIM), lambda i: (i, 0)),
        out_shape=jax.ShapeDtypeStruct((T, DIM), jnp.float32),
    )(xf, Ws1, bs1.reshape(1, -1), Ws2, bs2.reshape(1, -1), Ws3,
      bs3.reshape(1, -1))

    counts = cnts[0, :E].astype(jnp.int32)
    nblk = (counts + BLK - 1) // BLK
    blk_cum = jnp.cumsum(nblk)
    starts = (blk_cum - nblk) * BLK
    pos = jnp.take(starts, er.reshape(-1)) + rr.reshape(-1)
    blk_expert = jnp.minimum(
        jnp.searchsorted(blk_cum, jnp.arange(NB, dtype=jnp.int32),
                         side="right"),
        E - 1).astype(jnp.int32)

    pos2d = pos.reshape(NWK * NCH, CH)
    src2d = (jnp.arange(A_TOT, dtype=jnp.int32) // K).reshape(NWK * NCH, CH)

    sc_dispatch, sc_gather = _make_sc_kernels()
    x_g = sc_dispatch(xf, src2d, pos2d)

    og = pl.pallas_call(
        _gmm_body,
        grid_spec=pltpu.PrefetchScalarGridSpec(
            num_scalar_prefetch=1,
            grid=(NB,),
            in_specs=[
                pl.BlockSpec((BLK, DIM), lambda i, be: (i, 0)),
                pl.BlockSpec((1, DIM, INTER), lambda i, be: (be[i], 0, 0)),
                pl.BlockSpec((1, 1, INTER), lambda i, be: (be[i], 0, 0)),
                pl.BlockSpec((1, DIM, INTER), lambda i, be: (be[i], 0, 0)),
                pl.BlockSpec((1, 1, INTER), lambda i, be: (be[i], 0, 0)),
                pl.BlockSpec((1, INTER, DIM), lambda i, be: (be[i], 0, 0)),
                pl.BlockSpec((1, 1, DIM), lambda i, be: (be[i], 0, 0)),
            ],
            out_specs=pl.BlockSpec((BLK, DIM), lambda i, be: (i, 0)),
        ),
        out_shape=jax.ShapeDtypeStruct((G, DIM), jnp.float32),
    )(blk_expert, x_g, We1, be1.reshape(E, 1, INTER), We2,
      be2.reshape(E, 1, INTER), We3, be3.reshape(E, 1, DIM))

    og_tok = sc_gather(og, pos2d).reshape(T, 2 * DIM)

    y = pl.pallas_call(
        _combine_body,
        grid=(T // TBS,),
        in_specs=[
            pl.BlockSpec((TBS, DIM), lambda i: (i, 0)),
            pl.BlockSpec((TBS, 2 * DIM), lambda i: (i, 0)),
            pl.BlockSpec((TBS, 2), lambda i: (i, 0)),
        ],
        out_specs=pl.BlockSpec((TBS, DIM), lambda i: (i, 0)),
        out_shape=jax.ShapeDtypeStruct((T, DIM), jnp.float32),
    )(z, og_tok, vv)

    return y.reshape(x.shape)

# --- scband reference (transcript-rebuilt; emitter-appended) ---
"""Pipeline reference for scband-moe-70626442215504 (READ-ONLY COPY).

The authoritative reference and input builder live on the scoring server;
editing this copy changes nothing except your own understanding.
"""

import jax, jax.numpy as jnp
import numpy as np

B, S = 2, 2048
DIM = 1024
INTER = 512
E = 8
K = 2
NG = 4
NLG = 2
NSH = 2
ROUTE_SCALE = 1.0


def setup_inputs(seed: int = 0) -> dict:
    key = jax.random.key(seed)
    ks = jax.random.split(key, 10)
    std = 0.02
    inp = {
        "x": jax.random.normal(ks[0], (B, S, DIM), dtype=jnp.float32),
        "Wr": jax.random.normal(ks[1], (DIM, E), dtype=jnp.float32) * std,
        "br": jnp.zeros((E,), dtype=jnp.float32),
        "We1": jax.random.normal(ks[2], (E, DIM, INTER), dtype=jnp.float32) * std,
        "be1": jnp.zeros((E, INTER), dtype=jnp.float32),
        "We2": jax.random.normal(ks[3], (E, DIM, INTER), dtype=jnp.float32) * std,
        "be2": jnp.zeros((E, INTER), dtype=jnp.float32),
        "We3": jax.random.normal(ks[4], (E, INTER, DIM), dtype=jnp.float32) * std,
        "be3": jnp.zeros((E, DIM), dtype=jnp.float32),
        "Ws1": jax.random.normal(ks[5], (DIM, NSH * INTER), dtype=jnp.float32) * std,
        "bs1": jnp.zeros((NSH * INTER,), dtype=jnp.float32),
        "Ws2": jax.random.normal(ks[6], (DIM, NSH * INTER), dtype=jnp.float32) * std,
        "bs2": jnp.zeros((NSH * INTER,), dtype=jnp.float32),
        "Ws3": jax.random.normal(ks[7], (NSH * INTER, DIM), dtype=jnp.float32) * std,
        "bs3": jnp.zeros((DIM,), dtype=jnp.float32),
    }
    return inp


def reference(x, Wr, br, We1, be1, We2, be2, We3, be3, Ws1, bs1, Ws2, bs2, Ws3, bs3):
    shape = x.shape
    xf = x.reshape(-1, DIM)
    T = xf.shape[0]
    # Router
    logits = xf @ Wr + br
    scores = jax.nn.softmax(logits.astype(jnp.float32), axis=-1)
    original_scores = scores
    # group-limited routing (n_groups > 1, bias is None -> topk(2).sum group score)
    sg = scores.reshape(T, NG, -1)
    group_scores = jnp.sum(jax.lax.top_k(sg, 2)[0], axis=-1)
    gidx = jax.lax.top_k(group_scores, NLG)[1]
    mask = jnp.ones((T, NG), dtype=bool).at[jnp.arange(T)[:, None], gidx].set(False)
    sg = jnp.where(mask[:, :, None], -jnp.inf, sg).reshape(T, -1)
    idx = jax.lax.top_k(sg, K)[1]
    values = jnp.take_along_axis(original_scores, idx, axis=1) * ROUTE_SCALE
    values = values.astype(x.dtype)
    # scatter top-k routing weights into a dense [T, E] combine matrix
    weight = jnp.zeros((T, E), dtype=x.dtype).at[jnp.arange(T)[:, None], idx].add(values)
    # routed experts: Expert(x) = W3(silu(W1(x) * W2(x)))
    y = jnp.zeros_like(xf)
    for e in range(E):
        h = jax.nn.silu((xf @ We1[e] + be1[e]) * (xf @ We2[e] + be2[e]))
        y = y + (h @ We3[e] + be3[e]) * weight[:, e:e + 1]
    # shared expert
    z = jax.nn.silu((xf @ Ws1 + bs1) * (xf @ Ws2 + bs2)) @ Ws3 + bs3
    return (y + z).reshape(shape)

if __name__ == "__main__":
    import jax
    _d = setup_inputs()
    print(jax.jit(kernel)(*tuple(_d.values())))

</pallas_src>

<mosaic_0001>
#map = affine_map<(d0, d1) -> (0, 0)>
module attributes {stable_mosaic.version = 14 : i64} {
  func.func @_sc_dispatch_body(%arg0: i32, %arg1: i32, %arg2: memref<4096x1024xf32, #tpu.memory_space<hbm>>, %arg3: memref<128x64xi32, #tpu.memory_space<hbm>>, %arg4: memref<128x64xi32, #tpu.memory_space<hbm>>, %arg5: memref<10240x1024xf32, #tpu.memory_space<hbm>>, %arg6: memref<4x64xi32, #tpu.memory_space<vmem>>, %arg7: memref<4x64xi32, #tpu.memory_space<vmem>>, %arg8: memref<64x1024xf32, #tpu.memory_space<vmem>>, %arg9: memref<!tpu.dma_semaphore, #tpu.memory_space<semaphore_mem>>, %arg10: memref<!tpu.dma_semaphore, #tpu.memory_space<semaphore_mem>>) attributes {dimension_semantics = [#tpu.dimension_semantics<core_parallel>, #tpu.dimension_semantics<subcore_parallel>], iteration_bounds = array<i64: 2, 16>, scalar_prefetch = 0 : i64, scratch_operands = 5 : i64, tpu.core_type = #tpu.core_type<sc_vector_subcore>, window_params = [{transform_indices = #map}, {transform_indices = #map}, {transform_indices = #map}, {transform_indices = #map}]} {
    %mul3A = arith.constant 2 : i32
    %mul3A_0 = arith.muli %arg1, %mul3A : i32
    %add3A = arith.addi %mul3A_0, %arg0 : i32
    %mul3A_1 = arith.constant 4 : i32
    %mul3A_2 = arith.muli %add3A, %mul3A_1 : i32
    "tpu.region"() ({
      %run_scoped3A = tpu.sem_alloc : memref<!tpu.dma_semaphore, #tpu.memory_space<semaphore_mem>>
      %dma_start3A_113 = arith.constant 0 : i32
      %dma_start3A_114 = tpu.memref_slice %arg3[%mul3A_2, %dma_start3A_113] : memref<128x64xi32, #tpu.memory_space<hbm>> -> memref<4x64xi32, #tpu.memory_space<hbm>>
      %dma_start3A_115 = arith.constant 0 : i32
      %dma_start3A_116 = tpu.memref_slice %arg3[%mul3A_2, %dma_start3A_115] : memref<128x64xi32, #tpu.memory_space<hbm>> -> memref<4x64xi32, #tpu.memory_space<hbm>>
      tpu.enqueue_dma source(%dma_start3A_116 : memref<4x64xi32, #tpu.memory_space<hbm>>) target(%arg6 : memref<4x64xi32, #tpu.memory_space<vmem>>) target_semaphore(%run_scoped3A : memref<!tpu.dma_semaphore, #tpu.memory_space<semaphore_mem>>)
      %dma_wait3A_117 = arith.constant 0 : i32
      %dma_wait3A_118 = tpu.memref_slice %arg3[%mul3A_2, %dma_wait3A_117] : memref<128x64xi32, #tpu.memory_space<hbm>> -> memref<4x64xi32, #tpu.memory_space<hbm>>
      %dma_wait3A_119 = arith.constant 0 : i32
      %dma_wait3A_120 = tpu.memref_slice %arg3[%mul3A_2, %dma_wait3A_119] : memref<128x64xi32, #tpu.memory_space<hbm>> -> memref<4x64xi32, #tpu.memory_space<hbm>>
      tpu.wait_dma2 semaphore(%run_scoped3A : memref<!tpu.dma_semaphore, #tpu.memory_space<semaphore_mem>>) src(%dma_wait3A_120 : memref<4x64xi32, #tpu.memory_space<hbm>>) dst(%arg6 : memref<4x64xi32, #tpu.memory_space<vmem>>)
      tpu.yield
    }) : () -> ()
    "tpu.region"() ({
      %run_scoped3A = tpu.sem_alloc : memref<!tpu.dma_semaphore, #tpu.memory_space<semaphore_mem>>
      %dma_start3A_113 = arith.constant 0 : i32
      %dma_start3A_114 = tpu.memref_slice %arg4[%mul3A_2, %dma_start3A_113] : memref<128x64xi32, #tpu.memory_space<hbm>> -> memref<4x64xi32, #tpu.memory_space<hbm>>
      %dma_start3A_115 = arith.constant 0 : i32
      %dma_start3A_116 = tpu.memref_slice %arg4[%mul3A_2, %dma_start3A_115] : memref<128x64xi32, #tpu.memory_space<hbm>> -> memref<4x64xi32, #tpu.memory_space<hbm>>
      tpu.enqueue_dma source(%dma_start3A_116 : memref<4x64xi32, #tpu.memory_space<hbm>>) target(%arg7 : memref<4x64xi32, #tpu.memory_space<vmem>>) target_semaphore(%run_scoped3A : memref<!tpu.dma_semaphore, #tpu.memory_space<semaphore_mem>>)
      %dma_wait3A_117 = arith.constant 0 : i32
      %dma_wait3A_118 = tpu.memref_slice %arg4[%mul3A_2, %dma_wait3A_117] : memref<128x64xi32, #tpu.memory_space<hbm>> -> memref<4x64xi32, #tpu.memory_space<hbm>>
      %dma_wait3A_119 = arith.constant 0 : i32
      %dma_wait3A_120 = tpu.memref_slice %arg4[%mul3A_2, %dma_wait3A_119] : memref<128x64xi32, #tpu.memory_space<hbm>> -> memref<4x64xi32, #tpu.memory_space<hbm>>
      tpu.wait_dma2 semaphore(%run_scoped3A : memref<!tpu.dma_semaphore, #tpu.memory_space<semaphore_mem>>) src(%dma_wait3A_120 : memref<4x64xi32, #tpu.memory_space<hbm>>) dst(%arg7 : memref<4x64xi32, #tpu.memory_space<vmem>>)
      tpu.yield
    }) : () -> ()
    %dma_start3A = arith.constant 0 : i32
    %dma_start3A_3 = arith.constant 0 : i32
    %dma_start3A_4 = tpu.memref_slice %arg6[%dma_start3A, %dma_start3A_3] : memref<4x64xi32, #tpu.memory_space<vmem>> -> memref<1x64xi32, #tpu.memory_space<vmem>>
    %dma_start3A_5 = tpu.memref_squeeze %dma_start3A_4 : memref<1x64xi32, #tpu.memory_space<vmem>> -> memref<64xi32, #tpu.memory_space<vmem>>
    %dma_start3A_6 = arith.constant 0 : i32
    %dma_start3A_7 = arith.constant 0 : i32
    %dma_start3A_8 = tpu.memref_slice %arg2[%dma_start3A_6, %dma_start3A_7] : memref<4096x1024xf32, #tpu.memory_space<hbm>> -> memref<4096x1024xf32, #tpu.memory_space<hbm>>
    tpu.enqueue_indirect_dma source(%dma_start3A_8 : memref<4096x1024xf32, #tpu.memory_space<hbm>>) target(%arg8 : memref<64x1024xf32, #tpu.memory_space<vmem>>) offsets(%dma_start3A_5 : memref<64xi32, #tpu.memory_space<vmem>>) semaphore(%arg9 : memref<!tpu.dma_semaphore, #tpu.memory_space<semaphore_mem>>)
    %dma_wait3A = arith.constant 0 : i32
    %dma_wait3A_9 = arith.constant 0 : i32
    %dma_wait3A_10 = tpu.memref_slice %arg6[%dma_wait3A, %dma_wait3A_9] : memref<4x64xi32, #tpu.memory_space<vmem>> -> memref<1x64xi32, #tpu.memory_space<vmem>>
    %dma_wait3A_11 = tpu.memref_squeeze %dma_wait3A_10 : memref<1x64xi32, #tpu.memory_space<vmem>> -> memref<64xi32, #tpu.memory_space<vmem>>
    %dma_wait3A_12 = arith.constant 0 : i32
    %dma_wait3A_13 = arith.constant 0 : i32
    %dma_wait3A_14 = tpu.memref_slice %arg2[%dma_wait3A_12, %dma_wait3A_13] : memref<4096x1024xf32, #tpu.memory_space<hbm>> -> memref<4096x1024xf32, #tpu.memory_space<hbm>>
    tpu.wait_indirect_dma semaphore(%arg9 : memref<!tpu.dma_semaphore, #tpu.memory_space<semaphore_mem>>) src(%dma_wait3A_14 : memref<4096x1024xf32, #tpu.memory_space<hbm>>) dst(%arg8 : memref<64x1024xf32, #tpu.memory_space<vmem>>)
    %dma_start3A_15 = arith.constant 0 : i32
    %dma_start3A_16 = arith.constant 0 : i32
    %dma_start3A_17 = tpu.memref_slice %arg7[%dma_start3A_15, %dma_start3A_16] : memref<4x64xi32, #tpu.memory_space<vmem>> -> memref<1x64xi32, #tpu.memory_space<vmem>>
    %dma_start3A_18 = tpu.memref_squeeze %dma_start3A_17 : memref<1x64xi32, #tpu.memory_space<vmem>> -> memref<64xi32, #tpu.memory_space<vmem>>
    %dma_start3A_19 = arith.constant 0 : i32
    %dma_start3A_20 = arith.constant 0 : i32
    %dma_start3A_21 = tpu.memref_slice %arg5[%dma_start3A_19, %dma_start3A_20] : memref<10240x1024xf32, #tpu.memory_space<hbm>> -> memref<10240x1024xf32, #tpu.memory_space<hbm>>
    tpu.enqueue_indirect_dma source(%arg8 : memref<64x1024xf32, #tpu.memory_space<vmem>>) target(%dma_start3A_21 : memref<10240x1024xf32, #tpu.memory_space<hbm>>) offsets(%dma_start3A_18 : memref<64xi32, #tpu.memory_space<vmem>>) semaphore(%arg10 : memref<!tpu.dma_semaphore, #tpu.memory_space<semaphore_mem>>)
    %dma_wait3A_22 = arith.constant 0 : i32
    %dma_wait3A_23 = arith.constant 0 : i32
    %dma_wait3A_24 = tpu.memref_slice %arg7[%dma_wait3A_22, %dma_wait3A_23] : memref<4x64xi32, #tpu.memory_space<vmem>> -> memref<1x64xi32, #tpu.memory_space<vmem>>
    %dma_wait3A_25 = tpu.memref_squeeze %dma_wait3A_24 : memref<1x64xi32, #tpu.memory_space<vmem>> -> memref<64xi32, #tpu.memory_space<vmem>>
    %dma_wait3A_26 = arith.constant 0 : i32
    %dma_wait3A_27 = arith.constant 0 : i32
    %dma_wait3A_28 = tpu.memref_slice %arg5[%dma_wait3A_26, %dma_wait3A_27] : memref<10240x1024xf32, #tpu.memory_space<hbm>> -> memref<10240x1024xf32, #tpu.memory_space<hbm>>
    tpu.wait_indirect_dma semaphore(%arg10 : memref<!tpu.dma_semaphore, #tpu.memory_space<semaphore_mem>>) src(%arg8 : memref<64x1024xf32, #tpu.memory_space<vmem>>) dst(%dma_wait3A_28 : memref<10240x1024xf32, #tpu.memory_space<hbm>>)
    %dma_start3A_29 = arith.constant 1 : i32
    %dma_start3A_30 = arith.constant 0 : i32
    %dma_start3A_31 = tpu.memref_slice %arg6[%dma_start3A_29, %dma_start3A_30] : memref<4x64xi32, #tpu.memory_space<vmem>> -> memref<1x64xi32, #tpu.memory_space<vmem>>
    %dma_start3A_32 = tpu.memref_squeeze %dma_start3A_31 : memref<1x64xi32, #tpu.memory_space<vmem>> -> memref<64xi32, #tpu.memory_space<vmem>>
    %dma_start3A_33 = arith.constant 0 : i32
    %dma_start3A_34 = arith.constant 0 : i32
    %dma_start3A_35 = tpu.memref_slice %arg2[%dma_start3A_33, %dma_start3A_34] : memref<4096x1024xf32, #tpu.memory_space<hbm>> -> memref<4096x1024xf32, #tpu.memory_space<hbm>>
    tpu.enqueue_indirect_dma source(%dma_start3A_35 : memref<4096x1024xf32, #tpu.memory_space<hbm>>) target(%arg8 : memref<64x1024xf32, #tpu.memory_space<vmem>>) offsets(%dma_start3A_32 : memref<64xi32, #tpu.memory_space<vmem>>) semaphore(%arg9 : memref<!tpu.dma_semaphore, #tpu.memory_space<semaphore_mem>>)
    %dma_wait3A_36 = arith.constant 1 : i32
    %dma_wait3A_37 = arith.constant 0 : i32
    %dma_wait3A_38 = tpu.memref_slice %arg6[%dma_wait3A_36, %dma_wait3A_37] : memref<4x64xi32, #tpu.memory_space<vmem>> -> memref<1x64xi32, #tpu.memory_space<vmem>>
    %dma_wait3A_39 = tpu.memref_squeeze %dma_wait3A_38 : memref<1x64xi32, #tpu.memory_space<vmem>> -> memref<64xi32, #tpu.memory_space<vmem>>
    %dma_wait3A_40 = arith.constant 0 : i32
    %dma_wait3A_41 = arith.constant 0 : i32
    %dma_wait3A_42 = tpu.memref_slice %arg2[%dma_wait3A_40, %dma_wait3A_41] : memref<4096x1024xf32, #tpu.memory_space<hbm>> -> memref<4096x1024xf32, #tpu.memory_space<hbm>>
    tpu.wait_indirect_dma semaphore(%arg9 : memref<!tpu.dma_semaphore, #tpu.memory_space<semaphore_mem>>) src(%dma_wait3A_42 : memref<4096x1024xf32, #tpu.memory_space<hbm>>) dst(%arg8 : memref<64x1024xf32, #tpu.memory_space<vmem>>)
    %dma_start3A_43 = arith.constant 1 : i32
    %dma_start3A_44 = arith.constant 0 : i32
    %dma_start3A_45 = tpu.memref_slice %arg7[%dma_start3A_43, %dma_start3A_44] : memref<4x64xi32, #tpu.memory_space<vmem>> -> memref<1x64xi32, #tpu.memory_space<vmem>>
    %dma_start3A_46 = tpu.memref_squeeze %dma_start3A_45 : memref<1x64xi32, #tpu.memory_space<vmem>> -> memref<64xi32, #tpu.memory_space<vmem>>
    %dma_start3A_47 = arith.constant 0 : i32
    %dma_start3A_48 = arith.constant 0 : i32
    %dma_start3A_49 = tpu.memref_slice %arg5[%dma_start3A_47, %dma_start3A_48] : memref<10240x1024xf32, #tpu.memory_space<hbm>> -> memref<10240x1024xf32, #tpu.memory_space<hbm>>
    tpu.enqueue_indirect_dma source(%arg8 : memref<64x1024xf32, #tpu.memory_space<vmem>>) target(%dma_start3A_49 : memref<10240x1024xf32, #tpu.memory_space<hbm>>) offsets(%dma_start3A_46 : memref<64xi32, #tpu.memory_space<vmem>>) semaphore(%arg10 : memref<!tpu.dma_semaphore, #tpu.memory_space<semaphore_mem>>)
    %dma_wait3A_50 = arith.constant 1 : i32
    %dma_wait3A_51 = arith.constant 0 : i32
    %dma_wait3A_52 = tpu.memref_slice %arg7[%dma_wait3A_50, %dma_wait3A_51] : memref<4x64xi32, #tpu.memory_space<vmem>> -> memref<1x64xi32, #tpu.memory_space<vmem>>
    %dma_wait3A_53 = tpu.memref_squeeze %dma_wait3A_52 : memref<1x64xi32, #tpu.memory_space<vmem>> -> memref<64xi32, #tpu.memory_space<vmem>>
    %dma_wait3A_54 = arith.constant 0 : i32
    %dma_wait3A_55 = arith.constant 0 : i32
    %dma_wait3A_56 = tpu.memref_slice %arg5[%dma_wait3A_54, %dma_wait3A_55] : memref<10240x1024xf32, #tpu.memory_space<hbm>> -> memref<10240x1024xf32, #tpu.memory_space<hbm>>
    tpu.wait_indirect_dma semaphore(%arg10 : memref<!tpu.dma_semaphore, #tpu.memory_space<semaphore_mem>>) src(%arg8 : memref<64x1024xf32, #tpu.memory_space<vmem>>) dst(%dma_wait3A_56 : memref<10240x1024xf32, #tpu.memory_space<hbm>>)
    %dma_start3A_57 = arith.constant 2 : i32
    %dma_start3A_58 = arith.constant 0 : i32
    %dma_start3A_59 = tpu.memref_slice %arg6[%dma_start3A_57, %dma_start3A_58] : memref<4x64xi32, #tpu.memory_space<vmem>> -> memref<1x64xi32, #tpu.memory_space<vmem>>
    %dma_start3A_60 = tpu.memref_squeeze %dma_start3A_59 : memref<1x64xi32, #tpu.memory_space<vmem>> -> memref<64xi32, #tpu.memory_space<vmem>>
    %dma_start3A_61 = arith.constant 0 : i32
    %dma_start3A_62 = arith.constant 0 : i32
    %dma_start3A_63 = tpu.memref_slice %arg2[%dma_start3A_61, %dma_start3A_62] : memref<4096x1024xf32, #tpu.memory_space<hbm>> -> memref<4096x1024xf32, #tpu.memory_space<hbm>>
    tpu.enqueue_indirect_dma source(%dma_start3A_63 : memref<4096x1024xf32, #tpu.memory_space<hbm>>) target(%arg8 : memref<64x1024xf32, #tpu.memory_space<vmem>>) offsets(%dma_start3A_60 : memref<64xi32, #tpu.memory_space<vmem>>) semaphore(%arg9 : memref<!tpu.dma_semaphore, #tpu.memory_space<semaphore_mem>>)
    %dma_wait3A_64 = arith.constant 2 : i32
    %dma_wait3A_65 = arith.constant 0 : i32
    %dma_wait3A_66 = tpu.memref_slice %arg6[%dma_wait3A_64, %dma_wait3A_65] : memref<4x64xi32, #tpu.memory_space<vmem>> -> memref<1x64xi32, #tpu.memory_space<vmem>>
    %dma_wait3A_67 = tpu.memref_squeeze %dma_wait3A_66 : memref<1x64xi32, #tpu.memory_space<vmem>> -> memref<64xi32, #tpu.memory_space<vmem>>
    %dma_wait3A_68 = arith.constant 0 : i32
    %dma_wait3A_69 = arith.constant 0 : i32
    %dma_wait3A_70 = tpu.memref_slice %arg2[%dma_wait3A_68, %dma_wait3A_69] : memref<4096x1024xf32, #tpu.memory_space<hbm>> -> memref<4096x1024xf32, #tpu.memory_space<hbm>>
    tpu.wait_indirect_dma semaphore(%arg9 : memref<!tpu.dma_semaphore, #tpu.memory_space<semaphore_mem>>) src(%dma_wait3A_70 : memref<4096x1024xf32, #tpu.memory_space<hbm>>) dst(%arg8 : memref<64x1024xf32, #tpu.memory_space<vmem>>)
    %dma_start3A_71 = arith.constant 2 : i32
    %dma_start3A_72 = arith.constant 0 : i32
    %dma_start3A_73 = tpu.memref_slice %arg7[%dma_start3A_71, %dma_start3A_72] : memref<4x64xi32, #tpu.memory_space<vmem>> -> memref<1x64xi32, #tpu.memory_space<vmem>>
    %dma_start3A_74 = tpu.memref_squeeze %dma_start3A_73 : memref<1x64xi32, #tpu.memory_space<vmem>> -> memref<64xi32, #tpu.memory_space<vmem>>
    %dma_start3A_75 = arith.constant 0 : i32
    %dma_start3A_76 = arith.constant 0 : i32
    %dma_start3A_77 = tpu.memref_slice %arg5[%dma_start3A_75, %dma_start3A_76] : memref<10240x1024xf32, #tpu.memory_space<hbm>> -> memref<10240x1024xf32, #tpu.memory_space<hbm>>
    tpu.enqueue_indirect_dma source(%arg8 : memref<64x1024xf32, #tpu.memory_space<vmem>>) target(%dma_start3A_77 : memref<10240x1024xf32, #tpu.memory_space<hbm>>) offsets(%dma_start3A_74 : memref<64xi32, #tpu.memory_space<vmem>>) semaphore(%arg10 : memref<!tpu.dma_semaphore, #tpu.memory_space<semaphore_mem>>)
    %dma_wait3A_78 = arith.constant 2 : i32
    %dma_wait3A_79 = arith.constant 0 : i32
    %dma_wait3A_80 = tpu.memref_slice %arg7[%dma_wait3A_78, %dma_wait3A_79] : memref<4x64xi32, #tpu.memory_space<vmem>> -> memref<1x64xi32, #tpu.memory_space<vmem>>
    %dma_wait3A_81 = tpu.memref_squeeze %dma_wait3A_80 : memref<1x64xi32, #tpu.memory_space<vmem>> -> memref<64xi32, #tpu.memory_space<vmem>>
    %dma_wait3A_82 = arith.constant 0 : i32
    %dma_wait3A_83 = arith.constant 0 : i32
    %dma_wait3A_84 = tpu.memref_slice %arg5[%dma_wait3A_82, %dma_wait3A_83] : memref<10240x1024xf32, #tpu.memory_space<hbm>> -> memref<10240x1024xf32, #tpu.memory_space<hbm>>
    tpu.wait_indirect_dma semaphore(%arg10 : memref<!tpu.dma_semaphore, #tpu.memory_space<semaphore_mem>>) src(%arg8 : memref<64x1024xf32, #tpu.memory_space<vmem>>) dst(%dma_wait3A_84 : memref<10240x1024xf32, #tpu.memory_space<hbm>>)
    %dma_start3A_85 = arith.constant 3 : i32
    %dma_start3A_86 = arith.constant 0 : i32
    %dma_start3A_87 = tpu.memref_slice %arg6[%dma_start3A_85, %dma_start3A_86] : memref<4x64xi32, #tpu.memory_space<vmem>> -> memref<1x64xi32, #tpu.memory_space<vmem>>
    %dma_start3A_88 = tpu.memref_squeeze %dma_start3A_87 : memref<1x64xi32, #tpu.memory_space<vmem>> -> memref<64xi32, #tpu.memory_space<vmem>>
    %dma_start3A_89 = arith.constant 0 : i32
    %dma_start3A_90 = arith.constant 0 : i32
    %dma_start3A_91 = tpu.memref_slice %arg2[%dma_start3A_89, %dma_start3A_90] : memref<4096x1024xf32, #tpu.memory_space<hbm>> -> memref<4096x1024xf32, #tpu.memory_space<hbm>>
    tpu.enqueue_indirect_dma source(%dma_start3A_91 : memref<4096x1024xf32, #tpu.memory_space<hbm>>) target(%arg8 : memref<64x1024xf32, #tpu.memory_space<vmem>>) offsets(%dma_start3A_88 : memref<64xi32, #tpu.memory_space<vmem>>) semaphore(%arg9 : memref<!tpu.dma_semaphore, #tpu.memory_space<semaphore_mem>>)
    %dma_wait3A_92 = arith.constant 3 : i32
    %dma_wait3A_93 = arith.constant 0 : i32
    %dma_wait3A_94 = tpu.memref_slice %arg6[%dma_wait3A_92, %dma_wait3A_93] : memref<4x64xi32, #tpu.memory_space<vmem>> -> memref<1x64xi32, #tpu.memory_space<vmem>>
    %dma_wait3A_95 = tpu.memref_squeeze %dma_wait3A_94 : memref<1x64xi32, #tpu.memory_space<vmem>> -> memref<64xi32, #tpu.memory_space<vmem>>
    %dma_wait3A_96 = arith.constant 0 : i32
    %dma_wait3A_97 = arith.constant 0 : i32
    %dma_wait3A_98 = tpu.memref_slice %arg2[%dma_wait3A_96, %dma_wait3A_97] : memref<4096x1024xf32, #tpu.memory_space<hbm>> -> memref<4096x1024xf32, #tpu.memory_space<hbm>>
    tpu.wait_indirect_dma semaphore(%arg9 : memref<!tpu.dma_semaphore, #tpu.memory_space<semaphore_mem>>) src(%dma_wait3A_98 : memref<4096x1024xf32, #tpu.memory_space<hbm>>) dst(%arg8 : memref<64x1024xf32, #tpu.memory_space<vmem>>)
    %dma_start3A_99 = arith.constant 3 : i32
    %dma_start3A_100 = arith.constant 0 : i32
    %dma_start3A_101 = tpu.memref_slice %arg7[%dma_start3A_99, %dma_start3A_100] : memref<4x64xi32, #tpu.memory_space<vmem>> -> memref<1x64xi32, #tpu.memory_space<vmem>>
    %dma_start3A_102 = tpu.memref_squeeze %dma_start3A_101 : memref<1x64xi32, #tpu.memory_space<vmem>> -> memref<64xi32, #tpu.memory_space<vmem>>
    %dma_start3A_103 = arith.constant 0 : i32
    %dma_start3A_104 = arith.constant 0 : i32
    %dma_start3A_105 = tpu.memref_slice %arg5[%dma_start3A_103, %dma_start3A_104] : memref<10240x1024xf32, #tpu.memory_space<hbm>> -> memref<10240x1024xf32, #tpu.memory_space<hbm>>
    tpu.enqueue_indirect_dma source(%arg8 : memref<64x1024xf32, #tpu.memory_space<vmem>>) target(%dma_start3A_105 : memref<10240x1024xf32, #tpu.memory_space<hbm>>) offsets(%dma_start3A_102 : memref<64xi32, #tpu.memory_space<vmem>>) semaphore(%arg10 : memref<!tpu.dma_semaphore, #tpu.memory_space<semaphore_mem>>)
    %dma_wait3A_106 = arith.constant 3 : i32
    %dma_wait3A_107 = arith.constant 0 : i32
    %dma_wait3A_108 = tpu.memref_slice %arg7[%dma_wait3A_106, %dma_wait3A_107] : memref<4x64xi32, #tpu.memory_space<vmem>> -> memref<1x64xi32, #tpu.memory_space<vmem>>
    %dma_wait3A_109 = tpu.memref_squeeze %dma_wait3A_108 : memref<1x64xi32, #tpu.memory_space<vmem>> -> memref<64xi32, #tpu.memory_space<vmem>>
    %dma_wait3A_110 = arith.constant 0 : i32
    %dma_wait3A_111 = arith.constant 0 : i32
    %dma_wait3A_112 = tpu.memref_slice %arg5[%dma_wait3A_110, %dma_wait3A_111] : memref<10240x1024xf32, #tpu.memory_space<hbm>> -> memref<10240x1024xf32, #tpu.memory_space<hbm>>
    tpu.wait_indirect_dma semaphore(%arg10 : memref<!tpu.dma_semaphore, #tpu.memory_space<semaphore_mem>>) src(%arg8 : memref<64x1024xf32, #tpu.memory_space<vmem>>) dst(%dma_wait3A_112 : memref<10240x1024xf32, #tpu.memory_space<hbm>>)
    return
  }
}

#map = affine_map<(d0, d1) -> (0, 0)>
module attributes {stable_mosaic.version = 14 : i64} {
  func.func @_sc_gather_body(%arg0: i32, %arg1: i32, %arg2: memref<10240x1024xf32, #tpu.memory_space<hbm>>, %arg3: memref<128x64xi32, #tpu.memory_space<hbm>>, %arg4: memref<8192x1024xf32, #tpu.memory_space<hbm>>, %arg5: memref<4x64xi32, #tpu.memory_space<vmem>>, %arg6: memref<64x1024xf32, #tpu.memory_space<vmem>>, %arg7: memref<!tpu.dma_semaphore, #tpu.memory_space<semaphore_mem>>, %arg8: memref<!tpu.dma_semaphore, #tpu.memory_space<semaphore_mem>>) attributes {dimension_semantics = [#tpu.dimension_semantics<core_parallel>, #tpu.dimension_semantics<subcore_parallel>], iteration_bounds = array<i64: 2, 16>, scalar_prefetch = 0 : i64, scratch_operands = 4 : i64, tpu.core_type = #tpu.core_type<sc_vector_subcore>, window_params = [{transform_indices = #map}, {transform_indices = #map}, {transform_indices = #map}]} {
    %mul3A = arith.constant 2 : i32
    %mul3A_0 = arith.muli %arg1, %mul3A : i32
    %add3A = arith.addi %mul3A_0, %arg0 : i32
    %mul3A_1 = arith.constant 4 : i32
    %mul3A_2 = arith.muli %add3A, %mul3A_1 : i32
    %mul3A_3 = arith.constant 256 : i32
    %mul3A_4 = arith.muli %add3A, %mul3A_3 : i32
    "tpu.region"() ({
      %run_scoped3A = tpu.sem_alloc : memref<!tpu.dma_semaphore, #tpu.memory_space<semaphore_mem>>
      %dma_start3A_99 = arith.constant 0 : i32
      %dma_start3A_100 = tpu.memref_slice %arg3[%mul3A_2, %dma_start3A_99] : memref<128x64xi32, #tpu.memory_space<hbm>> -> memref<4x64xi32, #tpu.memory_space<hbm>>
      %dma_start3A_101 = arith.constant 0 : i32
      %dma_start3A_102 = tpu.memref_slice %arg3[%mul3A_2, %dma_start3A_101] : memref<128x64xi32, #tpu.memory_space<hbm>> -> memref<4x64xi32, #tpu.memory_space<hbm>>
      tpu.enqueue_dma source(%dma_start3A_102 : memref<4x64xi32, #tpu.memory_space<hbm>>) target(%arg5 : memref<4x64xi32, #tpu.memory_space<vmem>>) target_semaphore(%run_scoped3A : memref<!tpu.dma_semaphore, #tpu.memory_space<semaphore_mem>>)
      %dma_wait3A_103 = arith.constant 0 : i32
      %dma_wait3A_104 = tpu.memref_slice %arg3[%mul3A_2, %dma_wait3A_103] : memref<128x64xi32, #tpu.memory_space<hbm>> -> memref<4x64xi32, #tpu.memory_space<hbm>>
      %dma_wait3A_105 = arith.constant 0 : i32
      %dma_wait3A_106 = tpu.memref_slice %arg3[%mul3A_2, %dma_wait3A_105] : memref<128x64xi32, #tpu.memory_space<hbm>> -> memref<4x64xi32, #tpu.memory_space<hbm>>
      tpu.wait_dma2 semaphore(%run_scoped3A : memref<!tpu.dma_semaphore, #tpu.memory_space<semaphore_mem>>) src(%dma_wait3A_106 : memref<4x64xi32, #tpu.memory_space<hbm>>) dst(%arg5 : memref<4x64xi32, #tpu.memory_space<vmem>>)
      tpu.yield
    }) : () -> ()
    %dma_start3A = arith.constant 0 : i32
    %dma_start3A_5 = arith.constant 0 : i32
    %dma_start3A_6 = tpu.memref_slice %arg5[%dma_start3A, %dma_start3A_5] : memref<4x64xi32, #tpu.memory_space<vmem>> -> memref<1x64xi32, #tpu.memory_space<vmem>>
    %dma_start3A_7 = tpu.memref_squeeze %dma_start3A_6 : memref<1x64xi32, #tpu.memory_space<vmem>> -> memref<64xi32, #tpu.memory_space<vmem>>
    %dma_start3A_8 = arith.constant 0 : i32
    %dma_start3A_9 = arith.constant 0 : i32
    %dma_start3A_10 = tpu.memref_slice %arg2[%dma_start3A_8, %dma_start3A_9] : memref<10240x1024xf32, #tpu.memory_space<hbm>> -> memref<10240x1024xf32, #tpu.memory_space<hbm>>
    tpu.enqueue_indirect_dma source(%dma_start3A_10 : memref<10240x1024xf32, #tpu.memory_space<hbm>>) target(%arg6 : memref<64x1024xf32, #tpu.memory_space<vmem>>) offsets(%dma_start3A_7 : memref<64xi32, #tpu.memory_space<vmem>>) semaphore(%arg7 : memref<!tpu.dma_semaphore, #tpu.memory_space<semaphore_mem>>)
    %dma_wait3A = arith.constant 0 : i32
    %dma_wait3A_11 = arith.constant 0 : i32
    %dma_wait3A_12 = tpu.memref_slice %arg5[%dma_wait3A, %dma_wait3A_11] : memref<4x64xi32, #tpu.memory_space<vmem>> -> memref<1x64xi32, #tpu.memory_space<vmem>>
    %dma_wait3A_13 = tpu.memref_squeeze %dma_wait3A_12 : memref<1x64xi32, #tpu.memory_space<vmem>> -> memref<64xi32, #tpu.memory_space<vmem>>
    %dma_wait3A_14 = arith.constant 0 : i32
    %dma_wait3A_15 = arith.constant 0 : i32
    %dma_wait3A_16 = tpu.memref_slice %arg2[%dma_wait3A_14, %dma_wait3A_15] : memref<10240x1024xf32, #tpu.memory_space<hbm>> -> memref<10240x1024xf32, #tpu.memory_space<hbm>>
    tpu.wait_indirect_dma semaphore(%arg7 : memref<!tpu.dma_semaphore, #tpu.memory_space<semaphore_mem>>) src(%dma_wait3A_16 : memref<10240x1024xf32, #tpu.memory_space<hbm>>) dst(%arg6 : memref<64x1024xf32, #tpu.memory_space<vmem>>)
    %add3A_17 = arith.constant 0 : i32
    %add3A_18 = arith.addi %mul3A_4, %add3A_17 : i32
    %dma_start3A_19 = arith.constant 0 : i32
    %dma_start3A_20 = tpu.memref_slice %arg4[%add3A_18, %dma_start3A_19] : memref<8192x1024xf32, #tpu.memory_space<hbm>> -> memref<64x1024xf32, #tpu.memory_space<hbm>>
    %dma_start3A_21 = arith.constant 0 : i32
    %dma_start3A_22 = tpu.memref_slice %arg4[%add3A_18, %dma_start3A_21] : memref<8192x1024xf32, #tpu.memory_space<hbm>> -> memref<64x1024xf32, #tpu.memory_space<hbm>>
    tpu.enqueue_dma source(%arg6 : memref<64x1024xf32, #tpu.memory_space<vmem>>) target(%dma_start3A_22 : memref<64x1024xf32, #tpu.memory_space<hbm>>) target_semaphore(%arg8 : memref<!tpu.dma_semaphore, #tpu.memory_space<semaphore_mem>>)
    %dma_wait3A_23 = arith.constant 0 : i32
    %dma_wait3A_24 = tpu.memref_slice %arg4[%add3A_18, %dma_wait3A_23] : memref<8192x1024xf32, #tpu.memory_space<hbm>> -> memref<64x1024xf32, #tpu.memory_space<hbm>>
    %dma_wait3A_25 = arith.constant 0 : i32
    %dma_wait3A_26 = tpu.memref_slice %arg4[%add3A_18, %dma_wait3A_25] : memref<8192x1024xf32, #tpu.memory_space<hbm>> -> memref<64x1024xf32, #tpu.memory_space<hbm>>
    tpu.wait_dma2 semaphore(%arg8 : memref<!tpu.dma_semaphore, #tpu.memory_space<semaphore_mem>>) src(%arg6 : memref<64x1024xf32, #tpu.memory_space<vmem>>) dst(%dma_wait3A_26 : memref<64x1024xf32, #tpu.memory_space<hbm>>)
    %dma_start3A_27 = arith.constant 1 : i32
    %dma_start3A_28 = arith.constant 0 : i32
    %dma_start3A_29 = tpu.memref_slice %arg5[%dma_start3A_27, %dma_start3A_28] : memref<4x64xi32, #tpu.memory_space<vmem>> -> memref<1x64xi32, #tpu.memory_space<vmem>>
    %dma_start3A_30 = tpu.memref_squeeze %dma_start3A_29 : memref<1x64xi32, #tpu.memory_space<vmem>> -> memref<64xi32, #tpu.memory_space<vmem>>
    %dma_start3A_31 = arith.constant 0 : i32
    %dma_start3A_32 = arith.constant 0 : i32
    %dma_start3A_33 = tpu.memref_slice %arg2[%dma_start3A_31, %dma_start3A_32] : memref<10240x1024xf32, #tpu.memory_space<hbm>> -> memref<10240x1024xf32, #tpu.memory_space<hbm>>
    tpu.enqueue_indirect_dma source(%dma_start3A_33 : memref<10240x1024xf32, #tpu.memory_space<hbm>>) target(%arg6 : memref<64x1024xf32, #tpu.memory_space<vmem>>) offsets(%dma_start3A_30 : memref<64xi32, #tpu.memory_space<vmem>>) semaphore(%arg7 : memref<!tpu.dma_semaphore, #tpu.memory_space<semaphore_mem>>)
    %dma_wait3A_34 = arith.constant 1 : i32
    %dma_wait3A_35 = arith.constant 0 : i32
    %dma_wait3A_36 = tpu.memref_slice %arg5[%dma_wait3A_34, %dma_wait3A_35] : memref<4x64xi32, #tpu.memory_space<vmem>> -> memref<1x64xi32, #tpu.memory_space<vmem>>
    %dma_wait3A_37 = tpu.memref_squeeze %dma_wait3A_36 : memref<1x64xi32, #tpu.memory_space<vmem>> -> memref<64xi32, #tpu.memory_space<vmem>>
    %dma_wait3A_38 = arith.constant 0 : i32
    %dma_wait3A_39 = arith.constant 0 : i32
    %dma_wait3A_40 = tpu.memref_slice %arg2[%dma_wait3A_38, %dma_wait3A_39] : memref<10240x1024xf32, #tpu.memory_space<hbm>> -> memref<10240x1024xf32, #tpu.memory_space<hbm>>
    tpu.wait_indirect_dma semaphore(%arg7 : memref<!tpu.dma_semaphore, #tpu.memory_space<semaphore_mem>>) src(%dma_wait3A_40 : memref<10240x1024xf32, #tpu.memory_space<hbm>>) dst(%arg6 : memref<64x1024xf32, #tpu.memory_space<vmem>>)
    %add3A_41 = arith.constant 64 : i32
    %add3A_42 = arith.addi %mul3A_4, %add3A_41 : i32
    %dma_start3A_43 = arith.constant 0 : i32
    %dma_start3A_44 = tpu.memref_slice %arg4[%add3A_42, %dma_start3A_43] : memref<8192x1024xf32, #tpu.memory_space<hbm>> -> memref<64x1024xf32, #tpu.memory_space<hbm>>
    %dma_start3A_45 = arith.constant 0 : i32
    %dma_start3A_46 = tpu.memref_slice %arg4[%add3A_42, %dma_start3A_45] : memref<8192x1024xf32, #tpu.memory_space<hbm>> -> memref<64x1024xf32, #tpu.memory_space<hbm>>
    tpu.enqueue_dma source(%arg6 : memref<64x1024xf32, #tpu.memory_space<vmem>>) target(%dma_start3A_46 : memref<64x1024xf32, #tpu.memory_space<hbm>>) target_semaphore(%arg8 : memref<!tpu.dma_semaphore, #tpu.memory_space<semaphore_mem>>)
    %dma_wait3A_47 = arith.constant 0 : i32
    %dma_wait3A_48 = tpu.memref_slice %arg4[%add3A_42, %dma_wait3A_47] : memref<8192x1024xf32, #tpu.memory_space<hbm>> -> memref<64x1024xf32, #tpu.memory_space<hbm>>
    %dma_wait3A_49 = arith.constant 0 : i32
    %dma_wait3A_50 = tpu.memref_slice %arg4[%add3A_42, %dma_wait3A_49] : memref<8192x1024xf32, #tpu.memory_space<hbm>> -> memref<64x1024xf32, #tpu.memory_space<hbm>>
    tpu.wait_dma2 semaphore(%arg8 : memref<!tpu.dma_semaphore, #tpu.memory_space<semaphore_mem>>) src(%arg6 : memref<64x1024xf32, #tpu.memory_space<vmem>>) dst(%dma_wait3A_50 : memref<64x1024xf32, #tpu.memory_space<hbm>>)
    %dma_start3A_51 = arith.constant 2 : i32
    %dma_start3A_52 = arith.constant 0 : i32
    %dma_start3A_53 = tpu.memref_slice %arg5[%dma_start3A_51, %dma_start3A_52] : memref<4x64xi32, #tpu.memory_space<vmem>> -> memref<1x64xi32, #tpu.memory_space<vmem>>
    %dma_start3A_54 = tpu.memref_squeeze %dma_start3A_53 : memref<1x64xi32, #tpu.memory_space<vmem>> -> memref<64xi32, #tpu.memory_space<vmem>>
    %dma_start3A_55 = arith.constant 0 : i32
    %dma_start3A_56 = arith.constant 0 : i32
    %dma_start3A_57 = tpu.memref_slice %arg2[%dma_start3A_55, %dma_start3A_56] : memref<10240x1024xf32, #tpu.memory_space<hbm>> -> memref<10240x1024xf32, #tpu.memory_space<hbm>>
    tpu.enqueue_indirect_dma source(%dma_start3A_57 : memref<10240x1024xf32, #tpu.memory_space<hbm>>) target(%arg6 : memref<64x1024xf32, #tpu.memory_space<vmem>>) offsets(%dma_start3A_54 : memref<64xi32, #tpu.memory_space<vmem>>) semaphore(%arg7 : memref<!tpu.dma_semaphore, #tpu.memory_space<semaphore_mem>>)
    %dma_wait3A_58 = arith.constant 2 : i32
    %dma_wait3A_59 = arith.constant 0 : i32
    %dma_wait3A_60 = tpu.memref_slice %arg5[%dma_wait3A_58, %dma_wait3A_59] : memref<4x64xi32, #tpu.memory_space<vmem>> -> memref<1x64xi32, #tpu.memory_space<vmem>>
    %dma_wait3A_61 = tpu.memref_squeeze %dma_wait3A_60 : memref<1x64xi32, #tpu.memory_space<vmem>> -> memref<64xi32, #tpu.memory_space<vmem>>
    %dma_wait3A_62 = arith.constant 0 : i32
    %dma_wait3A_63 = arith.constant 0 : i32
    %dma_wait3A_64 = tpu.memref_slice %arg2[%dma_wait3A_62, %dma_wait3A_63] : memref<10240x1024xf32, #tpu.memory_space<hbm>> -> memref<10240x1024xf32, #tpu.memory_space<hbm>>
    tpu.wait_indirect_dma semaphore(%arg7 : memref<!tpu.dma_semaphore, #tpu.memory_space<semaphore_mem>>) src(%dma_wait3A_64 : memref<10240x1024xf32, #tpu.memory_space<hbm>>) dst(%arg6 : memref<64x1024xf32, #tpu.memory_space<vmem>>)
    %add3A_65 = arith.constant 128 : i32
    %add3A_66 = arith.addi %mul3A_4, %add3A_65 : i32
    %dma_start3A_67 = arith.constant 0 : i32
    %dma_start3A_68 = tpu.memref_slice %arg4[%add3A_66, %dma_start3A_67] : memref<8192x1024xf32, #tpu.memory_space<hbm>> -> memref<64x1024xf32, #tpu.memory_space<hbm>>
    %dma_start3A_69 = arith.constant 0 : i32
    %dma_start3A_70 = tpu.memref_slice %arg4[%add3A_66, %dma_start3A_69] : memref<8192x1024xf32, #tpu.memory_space<hbm>> -> memref<64x1024xf32, #tpu.memory_space<hbm>>
    tpu.enqueue_dma source(%arg6 : memref<64x1024xf32, #tpu.memory_space<vmem>>) target(%dma_start3A_70 : memref<64x1024xf32, #tpu.memory_space<hbm>>) target_semaphore(%arg8 : memref<!tpu.dma_semaphore, #tpu.memory_space<semaphore_mem>>)
    %dma_wait3A_71 = arith.constant 0 : i32
    %dma_wait3A_72 = tpu.memref_slice %arg4[%add3A_66, %dma_wait3A_71] : memref<8192x1024xf32, #tpu.memory_space<hbm>> -> memref<64x1024xf32, #tpu.memory_space<hbm>>
    %dma_wait3A_73 = arith.constant 0 : i32
    %dma_wait3A_74 = tpu.memref_slice %arg4[%add3A_66, %dma_wait3A_73] : memref<8192x1024xf32, #tpu.memory_space<hbm>> -> memref<64x1024xf32, #tpu.memory_space<hbm>>
    tpu.wait_dma2 semaphore(%arg8 : memref<!tpu.dma_semaphore, #tpu.memory_space<semaphore_mem>>) src(%arg6 : memref<64x1024xf32, #tpu.memory_space<vmem>>) dst(%dma_wait3A_74 : memref<64x1024xf32, #tpu.memory_space<hbm>>)
    %dma_start3A_75 = arith.constant 3 : i32
    %dma_start3A_76 = arith.constant 0 : i32
    %dma_start3A_77 = tpu.memref_slice %arg5[%dma_start3A_75, %dma_start3A_76] : memref<4x64xi32, #tpu.memory_space<vmem>> -> memref<1x64xi32, #tpu.memory_space<vmem>>
    %dma_start3A_78 = tpu.memref_squeeze %dma_start3A_77 : memref<1x64xi32, #tpu.memory_space<vmem>> -> memref<64xi32, #tpu.memory_space<vmem>>
    %dma_start3A_79 = arith.constant 0 : i32
    %dma_start3A_80 = arith.constant 0 : i32
    %dma_start3A_81 = tpu.memref_slice %arg2[%dma_start3A_79, %dma_start3A_80] : memref<10240x1024xf32, #tpu.memory_space<hbm>> -> memref<10240x1024xf32, #tpu.memory_space<hbm>>
    tpu.enqueue_indirect_dma source(%dma_start3A_81 : memref<10240x1024xf32, #tpu.memory_space<hbm>>) target(%arg6 : memref<64x1024xf32, #tpu.memory_space<vmem>>) offsets(%dma_start3A_78 : memref<64xi32, #tpu.memory_space<vmem>>) semaphore(%arg7 : memref<!tpu.dma_semaphore, #tpu.memory_space<semaphore_mem>>)
    %dma_wait3A_82 = arith.constant 3 : i32
    %dma_wait3A_83 = arith.constant 0 : i32
    %dma_wait3A_84 = tpu.memref_slice %arg5[%dma_wait3A_82, %dma_wait3A_83] : memref<4x64xi32, #tpu.memory_space<vmem>> -> memref<1x64xi32, #tpu.memory_space<vmem>>
    %dma_wait3A_85 = tpu.memref_squeeze %dma_wait3A_84 : memref<1x64xi32, #tpu.memory_space<vmem>> -> memref<64xi32, #tpu.memory_space<vmem>>
    %dma_wait3A_86 = arith.constant 0 : i32
    %dma_wait3A_87 = arith.constant 0 : i32
    %dma_wait3A_88 = tpu.memref_slice %arg2[%dma_wait3A_86, %dma_wait3A_87] : memref<10240x1024xf32, #tpu.memory_space<hbm>> -> memref<10240x1024xf32, #tpu.memory_space<hbm>>
    tpu.wait_indirect_dma semaphore(%arg7 : memref<!tpu.dma_semaphore, #tpu.memory_space<semaphore_mem>>) src(%dma_wait3A_88 : memref<10240x1024xf32, #tpu.memory_space<hbm>>) dst(%arg6 : memref<64x1024xf32, #tpu.memory_space<vmem>>)
    %add3A_89 = arith.constant 192 : i32
    %add3A_90 = arith.addi %mul3A_4, %add3A_89 : i32
    %dma_start3A_91 = arith.constant 0 : i32
    %dma_start3A_92 = tpu.memref_slice %arg4[%add3A_90, %dma_start3A_91] : memref<8192x1024xf32, #tpu.memory_space<hbm>> -> memref<64x1024xf32, #tpu.memory_space<hbm>>
    %dma_start3A_93 = arith.constant 0 : i32
    %dma_start3A_94 = tpu.memref_slice %arg4[%add3A_90, %dma_start3A_93] : memref<8192x1024xf32, #tpu.memory_space<hbm>> -> memref<64x1024xf32, #tpu.memory_space<hbm>>
    tpu.enqueue_dma source(%arg6 : memref<64x1024xf32, #tpu.memory_space<vmem>>) target(%dma_start3A_94 : memref<64x1024xf32, #tpu.memory_space<hbm>>) target_semaphore(%arg8 : memref<!tpu.dma_semaphore, #tpu.memory_space<semaphore_mem>>)
    %dma_wait3A_95 = arith.constant 0 : i32
    %dma_wait3A_96 = tpu.memref_slice %arg4[%add3A_90, %dma_wait3A_95] : memref<8192x1024xf32, #tpu.memory_space<hbm>> -> memref<64x1024xf32, #tpu.memory_space<hbm>>
    %dma_wait3A_97 = arith.constant 0 : i32
    %dma_wait3A_98 = tpu.memref_slice %arg4[%add3A_90, %dma_wait3A_97] : memref<8192x1024xf32, #tpu.memory_space<hbm>> -> memref<64x1024xf32, #tpu.memory_space<hbm>>
    tpu.wait_dma2 semaphore(%arg8 : memref<!tpu.dma_semaphore, #tpu.memory_space<semaphore_mem>>) src(%arg6 : memref<64x1024xf32, #tpu.memory_space<vmem>>) dst(%dma_wait3A_98 : memref<64x1024xf32, #tpu.memory_space<hbm>>)
    return
  }
}

module attributes {stable_mosaic.version = 14 : i64} {
  func.func @_router_body(%arg0: i32, %arg1: memref<512x8xf32, #tpu.memory_space<vmem>>, %arg2: memref<512x2xi32, #tpu.memory_space<vmem>>, %arg3: memref<512x2xi32, #tpu.memory_space<vmem>>, %arg4: memref<512x2xf32, #tpu.memory_space<vmem>>, %arg5: memref<8x8xf32, #tpu.memory_space<vmem>>) attributes {dimension_semantics = [#tpu.dimension_semantics<arbitrary>], iteration_bounds = array<i64: 8>, scalar_prefetch = 0 : i64, scratch_operands = 0 : i64, tpu.core_type = #tpu.core_type<tc>, window_params = [{transform_indices = @transform_0, window_bounds = array<i64: 512, 8>}, {transform_indices = @transform_1, window_bounds = array<i64: 512, 2>}, {transform_indices = @transform_2, window_bounds = array<i64: 512, 2>}, {transform_indices = @transform_3, window_bounds = array<i64: 512, 2>}, {pipeline_mode = #tpu.pipeline_mode<synchronous>, transform_indices = @transform_4, window_bounds = array<i64: 8, 8>}]} {
    %eq3A = arith.constant 0 : i32
    %eq3A_0 = arith.cmpi eq, %arg0, %eq3A : i32
    %convert_element_type3A = arith.extui %eq3A_0 : i1 to i32
    %cond3A = arith.constant 0 : i32
    %cond3A_1 = arith.cmpi ne, %convert_element_type3A, %cond3A : i32
    scf.if %cond3A_1 {
      %broadcast_in_dim3A_219 = arith.constant 0.000000e+00 : f32
      %broadcast_in_dim3A_220 = vector.broadcast %broadcast_in_dim3A_219 : f32 to vector<8x8xf32>
      %swap3A_221 = arith.constant 0 : index
      %swap3A_222 = arith.constant 0 : index
      %swap3A_223 = vector.load %arg5[%swap3A_221, %swap3A_222] : memref<8x8xf32, #tpu.memory_space<vmem>>, vector<8x8xf32>
      tpu.vector_store %arg5[%swap3A_221, %swap3A_222], %broadcast_in_dim3A_220 {strides = array<i32>} : memref<8x8xf32, #tpu.memory_space<vmem>>, vector<8x8xf32>,
    } else {
    }
    %iota3A = tpu.iota {dimensions = array<i32: 1>} : vector<512x8xi32>
    %get3A = arith.constant 0 : index
    %get3A_2 = arith.constant 0 : index
    %get3A_3 = vector.load %arg1[%get3A, %get3A_2] : memref<512x8xf32, #tpu.memory_space<vmem>>, vector<512x8xf32>
    %reduce_max3A = arith.constant dense<0xFF800000> : vector<512xf32>
    %reduce_max3A_4 = vector.multi_reduction <maximumf>, %get3A_3, %reduce_max3A [1] : vector<512x8xf32> to vector<512xf32>
    %broadcast_in_dim3A = vector.shape_cast %reduce_max3A_4 : vector<512xf32> to vector<512x1xf32>
    %sub3A = vector.broadcast %broadcast_in_dim3A : vector<512x1xf32> to vector<512x8xf32>
    %sub3A_5 = arith.subf %get3A_3, %sub3A : vector<512x8xf32>
    %exp3A = math.exp %sub3A_5 : vector<512x8xf32>
    %reduce_sum3A = arith.constant dense<0.000000e+00> : vector<512xf32>
    %reduce_sum3A_6 = vector.multi_reduction <add>, %exp3A, %reduce_sum3A [1] : vector<512x8xf32> to vector<512xf32>
    %broadcast_in_dim3A_7 = vector.shape_cast %reduce_sum3A_6 : vector<512xf32> to vector<512x1xf32>
    %div3A = vector.broadcast %broadcast_in_dim3A_7 : vector<512x1xf32> to vector<512x8xf32>
    %div3A_8 = arith.divf %exp3A, %div3A : vector<512x8xf32>
    %iota3A_9 = tpu.iota {dimensions = array<i32: 0>} : vector<8x8xi32>
    %iota3A_10 = tpu.iota {dimensions = array<i32: 1>} : vector<8x8xi32>
    %lt3A = arith.constant 4 : i32
    %lt3A_11 = vector.broadcast %lt3A : i32 to vector<8x8xi32>
    %lt3A_12 = arith.cmpi slt, %iota3A_10, %lt3A_11 : vector<8x8xi32>
    %jit3A = arith.constant 2 : i32
    %div3A_13 = vector.broadcast %jit3A : i32 to vector<8x8xi32>
    %div3A_14 = arith.divsi %iota3A_9, %div3A_13 : vector<8x8xi32>
    %sign3A = arith.constant 0 : i32
    %sign3A_15 = vector.broadcast %sign3A : i32 to vector<8x8xi32>
    %sign3A_16 = arith.cmpi sgt, %iota3A_9, %sign3A_15 : vector<8x8xi32>
    %sign3A_17 = arith.extui %sign3A_16 : vector<8x8xi1> to vector<8x8xi32>
    %sign3A_18 = arith.constant 0 : i32
    %sign3A_19 = vector.broadcast %sign3A_18 : i32 to vector<8x8xi32>
    %sign3A_20 = arith.cmpi slt, %iota3A_9, %sign3A_19 : vector<8x8xi32>
    %sign3A_21 = arith.extui %sign3A_20 : vector<8x8xi1> to vector<8x8xi32>
    %sign3A_22 = arith.subi %sign3A_17, %sign3A_21 : vector<8x8xi32>
    %sign3A_23 = arith.constant 0 : i32
    %sign3A_24 = arith.cmpi sgt, %jit3A, %sign3A_23 : i32
    %sign3A_25 = arith.extui %sign3A_24 : i1 to i32
    %sign3A_26 = arith.constant 0 : i32
    %sign3A_27 = arith.cmpi slt, %jit3A, %sign3A_26 : i32
    %sign3A_28 = arith.extui %sign3A_27 : i1 to i32
    %sign3A_29 = arith.subi %sign3A_25, %sign3A_28 : i32
    %ne3A = vector.broadcast %sign3A_29 : i32 to vector<8x8xi32>
    %ne3A_30 = arith.cmpi ne, %sign3A_22, %ne3A : vector<8x8xi32>
    %rem3A = vector.broadcast %jit3A : i32 to vector<8x8xi32>
    %rem3A_31 = arith.remsi %iota3A_9, %rem3A : vector<8x8xi32>
    %ne3A_32 = arith.constant 0 : i32
    %ne3A_33 = vector.broadcast %ne3A_32 : i32 to vector<8x8xi32>
    %ne3A_34 = arith.cmpi ne, %rem3A_31, %ne3A_33 : vector<8x8xi32>
    %and3A = arith.andi %ne3A_30, %ne3A_34 : vector<8x8xi1>
    %sub3A_35 = arith.constant 1 : i32
    %sub3A_36 = vector.broadcast %sub3A_35 : i32 to vector<8x8xi32>
    %sub3A_37 = arith.subi %div3A_14, %sub3A_36 : vector<8x8xi32>
    %select_n3A = arith.select %and3A, %sub3A_37, %div3A_14 : vector<8x8xi1>, vector<8x8xi32>
    %eq3A_38 = arith.cmpi eq, %select_n3A, %iota3A_10 : vector<8x8xi32>
    %and3A_39 = arith.andi %lt3A_12, %eq3A_38 : vector<8x8xi1>
    %jit3A_40 = arith.constant 1.000000e+00 : f32
    %jit3A_41 = arith.constant 0.000000e+00 : f32
    %broadcast_in_dim3A_42 = vector.broadcast %jit3A_40 : f32 to vector<8x8xf32>
    %broadcast_in_dim3A_43 = vector.broadcast %jit3A_41 : f32 to vector<8x8xf32>
    %select_n3A_44 = arith.select %and3A_39, %broadcast_in_dim3A_42, %broadcast_in_dim3A_43 : vector<8x8xi1>, vector<8x8xf32>
    %lt3A_45 = arith.constant 4 : i32
    %lt3A_46 = vector.broadcast %lt3A_45 : i32 to vector<8x8xi32>
    %lt3A_47 = arith.cmpi slt, %iota3A_9, %lt3A_46 : vector<8x8xi32>
    %jit3A_48 = arith.constant 2 : i32
    %div3A_49 = vector.broadcast %jit3A_48 : i32 to vector<8x8xi32>
    %div3A_50 = arith.divsi %iota3A_10, %div3A_49 : vector<8x8xi32>
    %sign3A_51 = arith.constant 0 : i32
    %sign3A_52 = vector.broadcast %sign3A_51 : i32 to vector<8x8xi32>
    %sign3A_53 = arith.cmpi sgt, %iota3A_10, %sign3A_52 : vector<8x8xi32>
    %sign3A_54 = arith.extui %sign3A_53 : vector<8x8xi1> to vector<8x8xi32>
    %sign3A_55 = arith.constant 0 : i32
    %sign3A_56 = vector.broadcast %sign3A_55 : i32 to vector<8x8xi32>
    %sign3A_57 = arith.cmpi slt, %iota3A_10, %sign3A_56 : vector<8x8xi32>
    %sign3A_58 = arith.extui %sign3A_57 : vector<8x8xi1> to vector<8x8xi32>
    %sign3A_59 = arith.subi %sign3A_54, %sign3A_58 : vector<8x8xi32>
    %sign3A_60 = arith.constant 0 : i32
    %sign3A_61 = arith.cmpi sgt, %jit3A_48, %sign3A_60 : i32
    %sign3A_62 = arith.extui %sign3A_61 : i1 to i32
    %sign3A_63 = arith.constant 0 : i32
    %sign3A_64 = arith.cmpi slt, %jit3A_48, %sign3A_63 : i32
    %sign3A_65 = arith.extui %sign3A_64 : i1 to i32
    %sign3A_66 = arith.subi %sign3A_62, %sign3A_65 : i32
    %ne3A_67 = vector.broadcast %sign3A_66 : i32 to vector<8x8xi32>
    %ne3A_68 = arith.cmpi ne, %sign3A_59, %ne3A_67 : vector<8x8xi32>
    %rem3A_69 = vector.broadcast %jit3A_48 : i32 to vector<8x8xi32>
    %rem3A_70 = arith.remsi %iota3A_10, %rem3A_69 : vector<8x8xi32>
    %ne3A_71 = arith.constant 0 : i32
    %ne3A_72 = vector.broadcast %ne3A_71 : i32 to vector<8x8xi32>
    %ne3A_73 = arith.cmpi ne, %rem3A_70, %ne3A_72 : vector<8x8xi32>
    %and3A_74 = arith.andi %ne3A_68, %ne3A_73 : vector<8x8xi1>
    %sub3A_75 = arith.constant 1 : i32
    %sub3A_76 = vector.broadcast %sub3A_75 : i32 to vector<8x8xi32>
    %sub3A_77 = arith.subi %div3A_50, %sub3A_76 : vector<8x8xi32>
    %select_n3A_78 = arith.select %and3A_74, %sub3A_77, %div3A_50 : vector<8x8xi1>, vector<8x8xi32>
    %eq3A_79 = arith.cmpi eq, %select_n3A_78, %iota3A_9 : vector<8x8xi32>
    %and3A_80 = arith.andi %lt3A_47, %eq3A_79 : vector<8x8xi1>
    %jit3A_81 = arith.constant 1.000000e+00 : f32
    %jit3A_82 = arith.constant 0.000000e+00 : f32
    %broadcast_in_dim3A_83 = vector.broadcast %jit3A_81 : f32 to vector<8x8xf32>
    %broadcast_in_dim3A_84 = vector.broadcast %jit3A_82 : f32 to vector<8x8xf32>
    %select_n3A_85 = arith.select %and3A_80, %broadcast_in_dim3A_83, %broadcast_in_dim3A_84 : vector<8x8xi1>, vector<8x8xf32>
    %dot_general3A = arith.constant dense<0.000000e+00> : vector<512x8xf32>
    %dot_general3A_86 = tpu.matmul %div3A_8, %select_n3A_44, %dot_general3A {dimension_numbers = #tpu.dot_dimension_numbers<[1], [0], [0], [1], [0, 0, 1, 1], [], []>, precision = #tpu.contract_precision<fp32>, transpose_lhs_hint = false} : vector<512x8xf32>, vector<8x8xf32>, vector<512x8xf32> -> vector<512x8xf32>
    %lt3A_87 = arith.constant 4 : i32
    %lt3A_88 = vector.broadcast %lt3A_87 : i32 to vector<512x8xi32>
    %lt3A_89 = arith.cmpi slt, %iota3A, %lt3A_88 : vector<512x8xi32>
    %jit3A_90 = arith.constant -1.000000e+30 : f32
    %broadcast_in_dim3A_91 = vector.broadcast %jit3A_90 : f32 to vector<512x8xf32>
    %select_n3A_92 = arith.select %lt3A_89, %dot_general3A_86, %broadcast_in_dim3A_91 : vector<512x8xi1>, vector<512x8xf32>
    %reduce_max3A_93 = arith.constant dense<0xFF800000> : vector<512xf32>
    %reduce_max3A_94 = vector.multi_reduction <maximumf>, %select_n3A_92, %reduce_max3A_93 [1] : vector<512x8xf32> to vector<512xf32>
    %broadcast_in_dim3A_95 = vector.shape_cast %reduce_max3A_94 : vector<512xf32> to vector<512x1xf32>
    %eq3A_96 = vector.broadcast %broadcast_in_dim3A_95 : vector<512x1xf32> to vector<512x8xf32>
    %eq3A_97 = arith.cmpf oeq, %select_n3A_92, %eq3A_96 : vector<512x8xf32>
    %jit3A_98 = arith.constant 128 : i32
    %broadcast_in_dim3A_99 = vector.broadcast %jit3A_98 : i32 to vector<512x8xi32>
    %select_n3A_100 = arith.select %eq3A_97, %iota3A, %broadcast_in_dim3A_99 : vector<512x8xi1>, vector<512x8xi32>
    %reduce_min3A = arith.constant dense<2147483647> : vector<512xi32>
    %reduce_min3A_101 = vector.multi_reduction <minsi>, %select_n3A_100, %reduce_min3A [1] : vector<512x8xi32> to vector<512xi32>
    %broadcast_in_dim3A_102 = vector.shape_cast %reduce_min3A_101 : vector<512xi32> to vector<512x1xi32>
    %eq3A_103 = vector.broadcast %broadcast_in_dim3A_102 : vector<512x1xi32> to vector<512x8xi32>
    %eq3A_104 = arith.cmpi eq, %iota3A, %eq3A_103 : vector<512x8xi32>
    %jit3A_105 = arith.constant -1.000000e+30 : f32
    %broadcast_in_dim3A_106 = vector.broadcast %jit3A_105 : f32 to vector<512x8xf32>
    %select_n3A_107 = arith.select %eq3A_104, %broadcast_in_dim3A_106, %select_n3A_92 : vector<512x8xi1>, vector<512x8xf32>
    %reduce_max3A_108 = arith.constant dense<0xFF800000> : vector<512xf32>
    %reduce_max3A_109 = vector.multi_reduction <maximumf>, %select_n3A_107, %reduce_max3A_108 [1] : vector<512x8xf32> to vector<512xf32>
    %broadcast_in_dim3A_110 = vector.shape_cast %reduce_max3A_109 : vector<512xf32> to vector<512x1xf32>
    %eq3A_111 = vector.broadcast %broadcast_in_dim3A_110 : vector<512x1xf32> to vector<512x8xf32>
    %eq3A_112 = arith.cmpf oeq, %select_n3A_107, %eq3A_111 : vector<512x8xf32>
    %jit3A_113 = arith.constant 128 : i32
    %broadcast_in_dim3A_114 = vector.broadcast %jit3A_113 : i32 to vector<512x8xi32>
    %select_n3A_115 = arith.select %eq3A_112, %iota3A, %broadcast_in_dim3A_114 : vector<512x8xi1>, vector<512x8xi32>
    %reduce_min3A_116 = arith.constant dense<2147483647> : vector<512xi32>
    %reduce_min3A_117 = vector.multi_reduction <minsi>, %select_n3A_115, %reduce_min3A_116 [1] : vector<512x8xi32> to vector<512xi32>
    %broadcast_in_dim3A_118 = vector.shape_cast %reduce_min3A_117 : vector<512xi32> to vector<512x1xi32>
    %eq3A_119 = vector.broadcast %broadcast_in_dim3A_102 : vector<512x1xi32> to vector<512x8xi32>
    %eq3A_120 = arith.cmpi eq, %iota3A, %eq3A_119 : vector<512x8xi32>
    %eq3A_121 = vector.broadcast %broadcast_in_dim3A_118 : vector<512x1xi32> to vector<512x8xi32>
    %eq3A_122 = arith.cmpi eq, %iota3A, %eq3A_121 : vector<512x8xi32>
    %or3A = arith.ori %eq3A_120, %eq3A_122 : vector<512x8xi1>
    %jit3A_123 = arith.constant 1.000000e+00 : f32
    %jit3A_124 = arith.constant 0.000000e+00 : f32
    %broadcast_in_dim3A_125 = vector.broadcast %jit3A_123 : f32 to vector<512x8xf32>
    %broadcast_in_dim3A_126 = vector.broadcast %jit3A_124 : f32 to vector<512x8xf32>
    %select_n3A_127 = arith.select %or3A, %broadcast_in_dim3A_125, %broadcast_in_dim3A_126 : vector<512x8xi1>, vector<512x8xf32>
    %dot_general3A_128 = arith.constant dense<0.000000e+00> : vector<512x8xf32>
    %dot_general3A_129 = tpu.matmul %select_n3A_127, %select_n3A_85, %dot_general3A_128 {dimension_numbers = #tpu.dot_dimension_numbers<[1], [0], [0], [1], [0, 0, 1, 1], [], []>, precision = #tpu.contract_precision<fp32>, transpose_lhs_hint = false} : vector<512x8xf32>, vector<8x8xf32>, vector<512x8xf32> -> vector<512x8xf32>
    %gt3A = arith.constant 5.000000e-01 : f32
    %gt3A_130 = vector.broadcast %gt3A : f32 to vector<512x8xf32>
    %gt3A_131 = arith.cmpf ogt, %dot_general3A_129, %gt3A_130 : vector<512x8xf32>
    %jit3A_132 = arith.constant -1.000000e+30 : f32
    %broadcast_in_dim3A_133 = vector.broadcast %jit3A_132 : f32 to vector<512x8xf32>
    %select_n3A_134 = arith.select %gt3A_131, %div3A_8, %broadcast_in_dim3A_133 : vector<512x8xi1>, vector<512x8xf32>
    %reduce_max3A_135 = arith.constant dense<0xFF800000> : vector<512xf32>
    %reduce_max3A_136 = vector.multi_reduction <maximumf>, %select_n3A_134, %reduce_max3A_135 [1] : vector<512x8xf32> to vector<512xf32>
    %broadcast_in_dim3A_137 = vector.shape_cast %reduce_max3A_136 : vector<512xf32> to vector<512x1xf32>
    %eq3A_138 = vector.broadcast %broadcast_in_dim3A_137 : vector<512x1xf32> to vector<512x8xf32>
    %eq3A_139 = arith.cmpf oeq, %select_n3A_134, %eq3A_138 : vector<512x8xf32>
    %jit3A_140 = arith.constant 128 : i32
    %broadcast_in_dim3A_141 = vector.broadcast %jit3A_140 : i32 to vector<512x8xi32>
    %select_n3A_142 = arith.select %eq3A_139, %iota3A, %broadcast_in_dim3A_141 : vector<512x8xi1>, vector<512x8xi32>
    %reduce_min3A_143 = arith.constant dense<2147483647> : vector<512xi32>
    %reduce_min3A_144 = vector.multi_reduction <minsi>, %select_n3A_142, %reduce_min3A_143 [1] : vector<512x8xi32> to vector<512xi32>
    %broadcast_in_dim3A_145 = vector.shape_cast %reduce_min3A_144 : vector<512xi32> to vector<512x1xi32>
    %eq3A_146 = vector.broadcast %broadcast_in_dim3A_145 : vector<512x1xi32> to vector<512x8xi32>
    %eq3A_147 = arith.cmpi eq, %iota3A, %eq3A_146 : vector<512x8xi32>
    %jit3A_148 = arith.constant -1.000000e+30 : f32
    %broadcast_in_dim3A_149 = vector.broadcast %jit3A_148 : f32 to vector<512x8xf32>
    %select_n3A_150 = arith.select %eq3A_147, %broadcast_in_dim3A_149, %select_n3A_134 : vector<512x8xi1>, vector<512x8xf32>
    %reduce_max3A_151 = arith.constant dense<0xFF800000> : vector<512xf32>
    %reduce_max3A_152 = vector.multi_reduction <maximumf>, %select_n3A_150, %reduce_max3A_151 [1] : vector<512x8xf32> to vector<512xf32>
    %broadcast_in_dim3A_153 = vector.shape_cast %reduce_max3A_152 : vector<512xf32> to vector<512x1xf32>
    %eq3A_154 = vector.broadcast %broadcast_in_dim3A_153 : vector<512x1xf32> to vector<512x8xf32>
    %eq3A_155 = arith.cmpf oeq, %select_n3A_150, %eq3A_154 : vector<512x8xf32>
    %jit3A_156 = arith.constant 128 : i32
    %broadcast_in_dim3A_157 = vector.broadcast %jit3A_156 : i32 to vector<512x8xi32>
    %select_n3A_158 = arith.select %eq3A_155, %iota3A, %broadcast_in_dim3A_157 : vector<512x8xi1>, vector<512x8xi32>
    %reduce_min3A_159 = arith.constant dense<2147483647> : vector<512xi32>
    %reduce_min3A_160 = vector.multi_reduction <minsi>, %select_n3A_158, %reduce_min3A_159 [1] : vector<512x8xi32> to vector<512xi32>
    %broadcast_in_dim3A_161 = vector.shape_cast %reduce_min3A_160 : vector<512xi32> to vector<512x1xi32>
    %eq3A_162 = vector.broadcast %broadcast_in_dim3A_145 : vector<512x1xi32> to vector<512x8xi32>
    %eq3A_163 = arith.cmpi eq, %iota3A, %eq3A_162 : vector<512x8xi32>
    %jit3A_164 = arith.constant 1.000000e+00 : f32
    %jit3A_165 = arith.constant 0.000000e+00 : f32
    %broadcast_in_dim3A_166 = vector.broadcast %jit3A_164 : f32 to vector<512x8xf32>
    %broadcast_in_dim3A_167 = vector.broadcast %jit3A_165 : f32 to vector<512x8xf32>
    %select_n3A_168 = arith.select %eq3A_163, %broadcast_in_dim3A_166, %broadcast_in_dim3A_167 : vector<512x8xi1>, vector<512x8xf32>
    %eq3A_169 = vector.broadcast %broadcast_in_dim3A_161 : vector<512x1xi32> to vector<512x8xi32>
    %eq3A_170 = arith.cmpi eq, %iota3A, %eq3A_169 : vector<512x8xi32>
    %jit3A_171 = arith.constant 1.000000e+00 : f32
    %jit3A_172 = arith.constant 0.000000e+00 : f32
    %broadcast_in_dim3A_173 = vector.broadcast %jit3A_171 : f32 to vector<512x8xf32>
    %broadcast_in_dim3A_174 = vector.broadcast %jit3A_172 : f32 to vector<512x8xf32>
    %select_n3A_175 = arith.select %eq3A_170, %broadcast_in_dim3A_173, %broadcast_in_dim3A_174 : vector<512x8xi1>, vector<512x8xf32>
    %add3A = arith.addf %select_n3A_168, %select_n3A_175 : vector<512x8xf32>
    %iota3A_176 = tpu.iota {dimensions = array<i32: 0>} : vector<512x512xi32>
    %iota3A_177 = tpu.iota {dimensions = array<i32: 1>} : vector<512x512xi32>
    %lt3A_178 = arith.cmpi slt, %iota3A_177, %iota3A_176 : vector<512x512xi32>
    %jit3A_179 = arith.constant 1.000000e+00 : f32
    %jit3A_180 = arith.constant 0.000000e+00 : f32
    %broadcast_in_dim3A_181 = vector.broadcast %jit3A_179 : f32 to vector<512x512xf32>
    %broadcast_in_dim3A_182 = vector.broadcast %jit3A_180 : f32 to vector<512x512xf32>
    %select_n3A_183 = arith.select %lt3A_178, %broadcast_in_dim3A_181, %broadcast_in_dim3A_182 : vector<512x512xi1>, vector<512x512xf32>
    %dot_general3A_184 = arith.constant dense<0.000000e+00> : vector<512x8xf32>
    %dot_general3A_185 = tpu.matmul %select_n3A_183, %add3A, %dot_general3A_184 {dimension_numbers = #tpu.dot_dimension_numbers<[1], [0], [0], [1], [0, 0, 1, 1], [], []>, transpose_lhs_hint = false} : vector<512x512xf32>, vector<512x8xf32>, vector<512x8xf32> -> vector<512x8xf32>
    %get3A_186 = arith.constant 0 : index
    %get3A_187 = arith.constant 0 : index
    %get3A_188 = vector.load %arg5[%get3A_186, %get3A_187] : memref<8x8xf32, #tpu.memory_space<vmem>>, vector<1x8xf32>
    %add3A_189 = vector.broadcast %get3A_188 : vector<1x8xf32> to vector<512x8xf32>
    %add3A_190 = arith.addf %dot_general3A_185, %add3A_189 : vector<512x8xf32>
    %mul3A = arith.mulf %add3A_190, %select_n3A_168 : vector<512x8xf32>
    %reduce_sum3A_191 = arith.constant dense<0.000000e+00> : vector<512xf32>
    %reduce_sum3A_192 = vector.multi_reduction <add>, %mul3A, %reduce_sum3A_191 [1] : vector<512x8xf32> to vector<512xf32>
    %broadcast_in_dim3A_193 = vector.shape_cast %reduce_sum3A_192 : vector<512xf32> to vector<512x1xf32>
    %add3A_194 = vector.broadcast %get3A_188 : vector<1x8xf32> to vector<512x8xf32>
    %add3A_195 = arith.addf %dot_general3A_185, %add3A_194 : vector<512x8xf32>
    %mul3A_196 = arith.mulf %add3A_195, %select_n3A_175 : vector<512x8xf32>
    %reduce_sum3A_197 = arith.constant dense<0.000000e+00> : vector<512xf32>
    %reduce_sum3A_198 = vector.multi_reduction <add>, %mul3A_196, %reduce_sum3A_197 [1] : vector<512x8xf32> to vector<512xf32>
    %broadcast_in_dim3A_199 = vector.shape_cast %reduce_sum3A_198 : vector<512xf32> to vector<512x1xf32>
    %reduce_sum3A_200 = arith.constant dense<0.000000e+00> : vector<8xf32>
    %reduce_sum3A_201 = vector.multi_reduction <add>, %add3A, %reduce_sum3A_200 [0] : vector<512x8xf32> to vector<8xf32>
    %broadcast_in_dim3A_202 = vector.shape_cast %reduce_sum3A_201 : vector<8xf32> to vector<1x8xf32>
    %add3A_203 = arith.addf %get3A_188, %broadcast_in_dim3A_202 : vector<1x8xf32>
    %swap3A = arith.constant 0 : index
    %swap3A_204 = arith.constant 0 : index
    %swap3A_205 = vector.load %arg5[%swap3A, %swap3A_204] : memref<8x8xf32, #tpu.memory_space<vmem>>, vector<1x8xf32>
    tpu.vector_store %arg5[%swap3A, %swap3A_204], %add3A_203 {strides = array<i32>} : memref<8x8xf32, #tpu.memory_space<vmem>>, vector<1x8xf32>,
    %concatenate3A = tpu.concatenate %broadcast_in_dim3A_145, %broadcast_in_dim3A_161 in 1 : vector<512x1xi32>, vector<512x1xi32> -> vector<512x2xi32>
    %swap3A_206 = arith.constant 0 : index
    %swap3A_207 = arith.constant 0 : index
    %swap3A_208 = vector.load %arg2[%swap3A_206, %swap3A_207] : memref<512x2xi32, #tpu.memory_space<vmem>>, vector<512x2xi32>
    tpu.vector_store %arg2[%swap3A_206, %swap3A_207], %concatenate3A {strides = array<i32>} : memref<512x2xi32, #tpu.memory_space<vmem>>, vector<512x2xi32>,
    %convert_element_type3A_209 = arith.fptosi %broadcast_in_dim3A_193 : vector<512x1xf32> to vector<512x1xi32>
    %convert_element_type3A_210 = arith.fptosi %broadcast_in_dim3A_199 : vector<512x1xf32> to vector<512x1xi32>
    %concatenate3A_211 = tpu.concatenate %convert_element_type3A_209, %convert_element_type3A_210 in 1 : vector<512x1xi32>, vector<512x1xi32> -> vector<512x2xi32>
    %swap3A_212 = arith.constant 0 : index
    %swap3A_213 = arith.constant 0 : index
    %swap3A_214 = vector.load %arg3[%swap3A_212, %swap3A_213] : memref<512x2xi32, #tpu.memory_space<vmem>>, vector<512x2xi32>
    tpu.vector_store %arg3[%swap3A_212, %swap3A_213], %concatenate3A_211 {strides = array<i32>} : memref<512x2xi32, #tpu.memory_space<vmem>>, vector<512x2xi32>,
    %concatenate3A_215 = tpu.concatenate %broadcast_in_dim3A_137, %broadcast_in_dim3A_153 in 1 : vector<512x1xf32>, vector<512x1xf32> -> vector<512x2xf32>
    %swap3A_216 = arith.constant 0 : index
    %swap3A_217 = arith.constant 0 : index
    %swap3A_218 = vector.load %arg4[%swap3A_216, %swap3A_217] : memref<512x2xf32, #tpu.memory_space<vmem>>, vector<512x2xf32>
    tpu.vector_store %arg4[%swap3A_216, %swap3A_217], %concatenate3A_215 {strides = array<i32>} : memref<512x2xf32, #tpu.memory_space<vmem>>, vector<512x2xf32>,
    return
  }
  func.func @transform_0(%arg0: i32) -> (i32, i32) {
    %c0_i32 = arith.constant 0 : i32
    %c0_i32_0 = arith.constant 0 : i32
    return %arg0, %c0_i32 : i32, i32
  }
  func.func @transform_1(%arg0: i32) -> (i32, i32) {
    %c0_i32 = arith.constant 0 : i32
    %c0_i32_0 = arith.constant 0 : i32
    return %arg0, %c0_i32 : i32, i32
  }
  func.func @transform_2(%arg0: i32) -> (i32, i32) {
    %c0_i32 = arith.constant 0 : i32
    %c0_i32_0 = arith.constant 0 : i32
    return %arg0, %c0_i32 : i32, i32
  }
  func.func @transform_3(%arg0: i32) -> (i32, i32) {
    %c0_i32 = arith.constant 0 : i32
    %c0_i32_0 = arith.constant 0 : i32
    return %arg0, %c0_i32 : i32, i32
  }
  func.func @transform_4(%arg0: i32) -> (i32, i32) {
    %c0_i32 = arith.constant 0 : i32
    %c0_i32_0 = arith.constant 0 : i32
    %c0_i32_1 = arith.constant 0 : i32
    return %c0_i32, %c0_i32_0 : i32, i32
  }
}

module attributes {stable_mosaic.version = 14 : i64} {
  func.func @_gmm_body(%arg0: i32, %arg1: memref<40xi32, #tpu.memory_space<smem>>, %arg2: memref<256x1024xf32, #tpu.memory_space<vmem>>, %arg3: memref<1x1024x512xf32, #tpu.memory_space<vmem>>, %arg4: memref<1x1x512xf32, #tpu.memory_space<vmem>>, %arg5: memref<1x1024x512xf32, #tpu.memory_space<vmem>>, %arg6: memref<1x1x512xf32, #tpu.memory_space<vmem>>, %arg7: memref<1x512x1024xf32, #tpu.memory_space<vmem>>, %arg8: memref<1x1x1024xf32, #tpu.memory_space<vmem>>, %arg9: memref<256x1024xf32, #tpu.memory_space<vmem>>) attributes {dimension_semantics = [#tpu.dimension_semantics<arbitrary>], iteration_bounds = array<i64: 40>, scalar_prefetch = 1 : i64, scratch_operands = 0 : i64, tpu.core_type = #tpu.core_type<tc>, window_params = [{transform_indices = @transform_0, window_bounds = array<i64: 256, 1024>}, {transform_indices = @transform_1, window_bounds = array<i64: 1, 1024, 512>}, {transform_indices = @transform_2, window_bounds = array<i64: 1, 1, 512>}, {transform_indices = @transform_3, window_bounds = array<i64: 1, 1024, 512>}, {transform_indices = @transform_4, window_bounds = array<i64: 1, 1, 512>}, {transform_indices = @transform_5, window_bounds = array<i64: 1, 512, 1024>}, {transform_indices = @transform_6, window_bounds = array<i64: 1, 1, 1024>}, {transform_indices = @transform_7, window_bounds = array<i64: 256, 1024>}]} {
    %get3A = arith.constant 0 : index
    %get3A_0 = arith.constant 0 : index
    %get3A_1 = vector.load %arg2[%get3A, %get3A_0] : memref<256x1024xf32, #tpu.memory_space<vmem>>, vector<256x1024xf32>
    %get3A_2 = arith.constant 0 : index
    %get3A_3 = arith.constant 0 : index
    %get3A_4 = arith.constant 0 : index
    %get3A_5 = vector.load %arg3[%get3A_2, %get3A_3, %get3A_4] : memref<1x1024x512xf32, #tpu.memory_space<vmem>>, vector<1x1024x512xf32>
    %get3A_6 = vector.shape_cast %get3A_5 : vector<1x1024x512xf32> to vector<1024x512xf32>
    %dot_general3A = arith.constant dense<0.000000e+00> : vector<256x512xf32>
    %dot_general3A_7 = tpu.matmul %get3A_1, %get3A_6, %dot_general3A {dimension_numbers = #tpu.dot_dimension_numbers<[1], [0], [0], [1], [0, 0, 1, 1], [], []>, transpose_lhs_hint = false} : vector<256x1024xf32>, vector<1024x512xf32>, vector<256x512xf32> -> vector<256x512xf32>
    %get3A_8 = arith.constant 0 : index
    %get3A_9 = arith.constant 0 : index
    %get3A_10 = arith.constant 0 : index
    %get3A_11 = vector.load %arg4[%get3A_8, %get3A_9, %get3A_10] : memref<1x1x512xf32, #tpu.memory_space<vmem>>, vector<1x1x512xf32>
    %get3A_12 = vector.shape_cast %get3A_11 : vector<1x1x512xf32> to vector<1x512xf32>
    %add3A = vector.broadcast %get3A_12 : vector<1x512xf32> to vector<256x512xf32>
    %add3A_13 = arith.addf %dot_general3A_7, %add3A : vector<256x512xf32>
    %get3A_14 = arith.constant 0 : index
    %get3A_15 = arith.constant 0 : index
    %get3A_16 = arith.constant 0 : index
    %get3A_17 = vector.load %arg5[%get3A_14, %get3A_15, %get3A_16] : memref<1x1024x512xf32, #tpu.memory_space<vmem>>, vector<1x1024x512xf32>
    %get3A_18 = vector.shape_cast %get3A_17 : vector<1x1024x512xf32> to vector<1024x512xf32>
    %dot_general3A_19 = arith.constant dense<0.000000e+00> : vector<256x512xf32>
    %dot_general3A_20 = tpu.matmul %get3A_1, %get3A_18, %dot_general3A_19 {dimension_numbers = #tpu.dot_dimension_numbers<[1], [0], [0], [1], [0, 0, 1, 1], [], []>, transpose_lhs_hint = false} : vector<256x1024xf32>, vector<1024x512xf32>, vector<256x512xf32> -> vector<256x512xf32>
    %get3A_21 = arith.constant 0 : index
    %get3A_22 = arith.constant 0 : index
    %get3A_23 = arith.constant 0 : index
    %get3A_24 = vector.load %arg6[%get3A_21, %get3A_22, %get3A_23] : memref<1x1x512xf32, #tpu.memory_space<vmem>>, vector<1x1x512xf32>
    %get3A_25 = vector.shape_cast %get3A_24 : vector<1x1x512xf32> to vector<1x512xf32>
    %add3A_26 = vector.broadcast %get3A_25 : vector<1x512xf32> to vector<256x512xf32>
    %add3A_27 = arith.addf %dot_general3A_20, %add3A_26 : vector<256x512xf32>
    %mul3A = arith.mulf %add3A_13, %add3A_27 : vector<256x512xf32>
    %logistic3A = arith.negf %mul3A : vector<256x512xf32>
    %logistic3A_28 = math.exp %logistic3A : vector<256x512xf32>
    %logistic3A_29 = arith.constant 1.000000e+00 : f32
    %logistic3A_30 = vector.broadcast %logistic3A_29 : f32 to vector<256x512xf32>
    %logistic3A_31 = arith.addf %logistic3A_30, %logistic3A_28 : vector<256x512xf32>
    %logistic3A_32 = arith.divf %logistic3A_30, %logistic3A_31 : vector<256x512xf32>
    %mul3A_33 = arith.mulf %mul3A, %logistic3A_32 : vector<256x512xf32>
    %get3A_34 = arith.constant 0 : index
    %get3A_35 = arith.constant 0 : index
    %get3A_36 = arith.constant 0 : index
    %get3A_37 = vector.load %arg7[%get3A_34, %get3A_35, %get3A_36] : memref<1x512x1024xf32, #tpu.memory_space<vmem>>, vector<1x512x1024xf32>
    %get3A_38 = vector.shape_cast %get3A_37 : vector<1x512x1024xf32> to vector<512x1024xf32>
    %dot_general3A_39 = arith.constant dense<0.000000e+00> : vector<256x1024xf32>
    %dot_general3A_40 = tpu.matmul %mul3A_33, %get3A_38, %dot_general3A_39 {dimension_numbers = #tpu.dot_dimension_numbers<[1], [0], [0], [1], [0, 0, 1, 1], [], []>, transpose_lhs_hint = false} : vector<256x512xf32>, vector<512x1024xf32>, vector<256x1024xf32> -> vector<256x1024xf32>
    %get3A_41 = arith.constant 0 : index
    %get3A_42 = arith.constant 0 : index
    %get3A_43 = arith.constant 0 : index
    %get3A_44 = vector.load %arg8[%get3A_41, %get3A_42, %get3A_43] : memref<1x1x1024xf32, #tpu.memory_space<vmem>>, vector<1x1x1024xf32>
    %get3A_45 = vector.shape_cast %get3A_44 : vector<1x1x1024xf32> to vector<1x1024xf32>
    %add3A_46 = vector.broadcast %get3A_45 : vector<1x1024xf32> to vector<256x1024xf32>
    %add3A_47 = arith.addf %dot_general3A_40, %add3A_46 : vector<256x1024xf32>
    %swap3A = arith.constant 0 : index
    %swap3A_48 = arith.constant 0 : index
    %swap3A_49 = vector.load %arg9[%swap3A, %swap3A_48] : memref<256x1024xf32, #tpu.memory_space<vmem>>, vector<256x1024xf32>
    tpu.vector_store %arg9[%swap3A, %swap3A_48], %add3A_47 {strides = array<i32>} : memref<256x1024xf32, #tpu.memory_space<vmem>>, vector<256x1024xf32>,
    return
  }
  func.func @transform_0(%arg0: i32, %arg1: memref<40xi32, #tpu.memory_space<smem>>) -> (i32, i32) {
    %c0_i32 = arith.constant 0 : i32
    %c0_i32_0 = arith.constant 0 : i32
    return %arg0, %c0_i32 : i32, i32
  }
  func.func @transform_1(%arg0: i32, %arg1: memref<40xi32, #tpu.memory_space<smem>>) -> (i32, i32, i32) {
    %get3A = arith.index_cast %arg0 : i32 to index
    %get3A_0 = memref.load %arg1[%get3A] : memref<40xi32, #tpu.memory_space<smem>>
    %c0_i32 = arith.constant 0 : i32
    %c0_i32_1 = arith.constant 0 : i32
    %c0_i32_2 = arith.constant 0 : i32
    return %get3A_0, %c0_i32, %c0_i32_1 : i32, i32, i32
  }
  func.func @transform_2(%arg0: i32, %arg1: memref<40xi32, #tpu.memory_space<smem>>) -> (i32, i32, i32) {
    %get3A = arith.index_cast %arg0 : i32 to index
    %get3A_0 = memref.load %arg1[%get3A] : memref<40xi32, #tpu.memory_space<smem>>
    %c0_i32 = arith.constant 0 : i32
    %c0_i32_1 = arith.constant 0 : i32
    %c0_i32_2 = arith.constant 0 : i32
    return %get3A_0, %c0_i32, %c0_i32_1 : i32, i32, i32
  }
  func.func @transform_3(%arg0: i32, %arg1: memref<40xi32, #tpu.memory_space<smem>>) -> (i32, i32, i32) {
    %get3A = arith.index_cast %arg0 : i32 to index
    %get3A_0 = memref.load %arg1[%get3A] : memref<40xi32, #tpu.memory_space<smem>>
    %c0_i32 = arith.constant 0 : i32
    %c0_i32_1 = arith.constant 0 : i32
    %c0_i32_2 = arith.constant 0 : i32
    return %get3A_0, %c0_i32, %c0_i32_1 : i32, i32, i32
  }
  func.func @transform_4(%arg0: i32, %arg1: memref<40xi32, #tpu.memory_space<smem>>) -> (i32, i32, i32) {
    %get3A = arith.index_cast %arg0 : i32 to index
    %get3A_0 = memref.load %arg1[%get3A] : memref<40xi32, #tpu.memory_space<smem>>
    %c0_i32 = arith.constant 0 : i32
    %c0_i32_1 = arith.constant 0 : i32
    %c0_i32_2 = arith.constant 0 : i32
    return %get3A_0, %c0_i32, %c0_i32_1 : i32, i32, i32
  }
  func.func @transform_5(%arg0: i32, %arg1: memref<40xi32, #tpu.memory_space<smem>>) -> (i32, i32, i32) {
    %get3A = arith.index_cast %arg0 : i32 to index
    %get3A_0 = memref.load %arg1[%get3A] : memref<40xi32, #tpu.memory_space<smem>>
    %c0_i32 = arith.constant 0 : i32
    %c0_i32_1 = arith.constant 0 : i32
    %c0_i32_2 = arith.constant 0 : i32
    return %get3A_0, %c0_i32, %c0_i32_1 : i32, i32, i32
  }
  func.func @transform_6(%arg0: i32, %arg1: memref<40xi32, #tpu.memory_space<smem>>) -> (i32, i32, i32) {
    %get3A = arith.index_cast %arg0 : i32 to index
    %get3A_0 = memref.load %arg1[%get3A] : memref<40xi32, #tpu.memory_space<smem>>
    %c0_i32 = arith.constant 0 : i32
    %c0_i32_1 = arith.constant 0 : i32
    %c0_i32_2 = arith.constant 0 : i32
    return %get3A_0, %c0_i32, %c0_i32_1 : i32, i32, i32
  }
  func.func @transform_7(%arg0: i32, %arg1: memref<40xi32, #tpu.memory_space<smem>>) -> (i32, i32) {
    %c0_i32 = arith.constant 0 : i32
    %c0_i32_0 = arith.constant 0 : i32
    return %arg0, %c0_i32 : i32, i32
  }
}

module attributes {stable_mosaic.version = 14 : i64} {
  func.func @_shared_body(%arg0: i32, %arg1: memref<512x1024xf32, #tpu.memory_space<vmem>>, %arg2: memref<1024x1024xf32, #tpu.memory_space<vmem>>, %arg3: memref<1x1024xf32, #tpu.memory_space<vmem>>, %arg4: memref<1024x1024xf32, #tpu.memory_space<vmem>>, %arg5: memref<1x1024xf32, #tpu.memory_space<vmem>>, %arg6: memref<1024x1024xf32, #tpu.memory_space<vmem>>, %arg7: memref<1x1024xf32, #tpu.memory_space<vmem>>, %arg8: memref<512x1024xf32, #tpu.memory_space<vmem>>) attributes {dimension_semantics = [#tpu.dimension_semantics<arbitrary>], iteration_bounds = array<i64: 8>, scalar_prefetch = 0 : i64, scratch_operands = 0 : i64, tpu.core_type = #tpu.core_type<tc>, window_params = [{transform_indices = @transform_0, window_bounds = array<i64: 512, 1024>}, {pipeline_mode = #tpu.pipeline_mode<synchronous>, transform_indices = @transform_1, window_bounds = array<i64: 1024, 1024>}, {pipeline_mode = #tpu.pipeline_mode<synchronous>, transform_indices = @transform_2, window_bounds = array<i64: 1, 1024>}, {pipeline_mode = #tpu.pipeline_mode<synchronous>, transform_indices = @transform_3, window_bounds = array<i64: 1024, 1024>}, {pipeline_mode = #tpu.pipeline_mode<synchronous>, transform_indices = @transform_4, window_bounds = array<i64: 1, 1024>}, {pipeline_mode = #tpu.pipeline_mode<synchronous>, transform_indices = @transform_5, window_bounds = array<i64: 1024, 1024>}, {pipeline_mode = #tpu.pipeline_mode<synchronous>, transform_indices = @transform_6, window_bounds = array<i64: 1, 1024>}, {transform_indices = @transform_7, window_bounds = array<i64: 512, 1024>}]} {
    %get3A = arith.constant 0 : index
    %get3A_0 = arith.constant 0 : index
    %get3A_1 = vector.load %arg1[%get3A, %get3A_0] : memref<512x1024xf32, #tpu.memory_space<vmem>>, vector<512x1024xf32>
    %get3A_2 = arith.constant 0 : index
    %get3A_3 = arith.constant 0 : index
    %get3A_4 = vector.load %arg2[%get3A_2, %get3A_3] : memref<1024x1024xf32, #tpu.memory_space<vmem>>, vector<1024x1024xf32>
    %dot_general3A = arith.constant dense<0.000000e+00> : vector<512x1024xf32>
    %dot_general3A_5 = tpu.matmul %get3A_1, %get3A_4, %dot_general3A {dimension_numbers = #tpu.dot_dimension_numbers<[1], [0], [0], [1], [0, 0, 1, 1], [], []>, transpose_lhs_hint = false} : vector<512x1024xf32>, vector<1024x1024xf32>, vector<512x1024xf32> -> vector<512x1024xf32>
    %get3A_6 = arith.constant 0 : index
    %get3A_7 = arith.constant 0 : index
    %get3A_8 = vector.load %arg3[%get3A_6, %get3A_7] : memref<1x1024xf32, #tpu.memory_space<vmem>>, vector<1x1024xf32>
    %add3A = vector.broadcast %get3A_8 : vector<1x1024xf32> to vector<512x1024xf32>
    %add3A_9 = arith.addf %dot_general3A_5, %add3A : vector<512x1024xf32>
    %get3A_10 = arith.constant 0 : index
    %get3A_11 = arith.constant 0 : index
    %get3A_12 = vector.load %arg4[%get3A_10, %get3A_11] : memref<1024x1024xf32, #tpu.memory_space<vmem>>, vector<1024x1024xf32>
    %dot_general3A_13 = arith.constant dense<0.000000e+00> : vector<512x1024xf32>
    %dot_general3A_14 = tpu.matmul %get3A_1, %get3A_12, %dot_general3A_13 {dimension_numbers = #tpu.dot_dimension_numbers<[1], [0], [0], [1], [0, 0, 1, 1], [], []>, transpose_lhs_hint = false} : vector<512x1024xf32>, vector<1024x1024xf32>, vector<512x1024xf32> -> vector<512x1024xf32>
    %get3A_15 = arith.constant 0 : index
    %get3A_16 = arith.constant 0 : index
    %get3A_17 = vector.load %arg5[%get3A_15, %get3A_16] : memref<1x1024xf32, #tpu.memory_space<vmem>>, vector<1x1024xf32>
    %add3A_18 = vector.broadcast %get3A_17 : vector<1x1024xf32> to vector<512x1024xf32>
    %add3A_19 = arith.addf %dot_general3A_14, %add3A_18 : vector<512x1024xf32>
    %mul3A = arith.mulf %add3A_9, %add3A_19 : vector<512x1024xf32>
    %logistic3A = arith.negf %mul3A : vector<512x1024xf32>
    %logistic3A_20 = math.exp %logistic3A : vector<512x1024xf32>
    %logistic3A_21 = arith.constant 1.000000e+00 : f32
    %logistic3A_22 = vector.broadcast %logistic3A_21 : f32 to vector<512x1024xf32>
    %logistic3A_23 = arith.addf %logistic3A_22, %logistic3A_20 : vector<512x1024xf32>
    %logistic3A_24 = arith.divf %logistic3A_22, %logistic3A_23 : vector<512x1024xf32>
    %mul3A_25 = arith.mulf %mul3A, %logistic3A_24 : vector<512x1024xf32>
    %get3A_26 = arith.constant 0 : index
    %get3A_27 = arith.constant 0 : index
    %get3A_28 = vector.load %arg6[%get3A_26, %get3A_27] : memref<1024x1024xf32, #tpu.memory_space<vmem>>, vector<1024x1024xf32>
    %dot_general3A_29 = arith.constant dense<0.000000e+00> : vector<512x1024xf32>
    %dot_general3A_30 = tpu.matmul %mul3A_25, %get3A_28, %dot_general3A_29 {dimension_numbers = #tpu.dot_dimension_numbers<[1], [0], [0], [1], [0, 0, 1, 1], [], []>, transpose_lhs_hint = false} : vector<512x1024xf32>, vector<1024x1024xf32>, vector<512x1024xf32> -> vector<512x1024xf32>
    %get3A_31 = arith.constant 0 : index
    %get3A_32 = arith.constant 0 : index
    %get3A_33 = vector.load %arg7[%get3A_31, %get3A_32] : memref<1x1024xf32, #tpu.memory_space<vmem>>, vector<1x1024xf32>
    %add3A_34 = vector.broadcast %get3A_33 : vector<1x1024xf32> to vector<512x1024xf32>
    %add3A_35 = arith.addf %dot_general3A_30, %add3A_34 : vector<512x1024xf32>
    %swap3A = arith.constant 0 : index
    %swap3A_36 = arith.constant 0 : index
    %swap3A_37 = vector.load %arg8[%swap3A, %swap3A_36] : memref<512x1024xf32, #tpu.memory_space<vmem>>, vector<512x1024xf32>
    tpu.vector_store %arg8[%swap3A, %swap3A_36], %add3A_35 {strides = array<i32>} : memref<512x1024xf32, #tpu.memory_space<vmem>>, vector<512x1024xf32>,
    return
  }
  func.func @transform_0(%arg0: i32) -> (i32, i32) {
    %c0_i32 = arith.constant 0 : i32
    %c0_i32_0 = arith.constant 0 : i32
    return %arg0, %c0_i32 : i32, i32
  }
  func.func @transform_1(%arg0: i32) -> (i32, i32) {
    %c0_i32 = arith.constant 0 : i32
    %c0_i32_0 = arith.constant 0 : i32
    %c0_i32_1 = arith.constant 0 : i32
    return %c0_i32, %c0_i32_0 : i32, i32
  }
  func.func @transform_2(%arg0: i32) -> (i32, i32) {
    %c0_i32 = arith.constant 0 : i32
    %c0_i32_0 = arith.constant 0 : i32
    %c0_i32_1 = arith.constant 0 : i32
    return %c0_i32, %c0_i32_0 : i32, i32
  }
  func.func @transform_3(%arg0: i32) -> (i32, i32) {
    %c0_i32 = arith.constant 0 : i32
    %c0_i32_0 = arith.constant 0 : i32
    %c0_i32_1 = arith.constant 0 : i32
    return %c0_i32, %c0_i32_0 : i32, i32
  }
  func.func @transform_4(%arg0: i32) -> (i32, i32) {
    %c0_i32 = arith.constant 0 : i32
    %c0_i32_0 = arith.constant 0 : i32
    %c0_i32_1 = arith.constant 0 : i32
    return %c0_i32, %c0_i32_0 : i32, i32
  }
  func.func @transform_5(%arg0: i32) -> (i32, i32) {
    %c0_i32 = arith.constant 0 : i32
    %c0_i32_0 = arith.constant 0 : i32
    %c0_i32_1 = arith.constant 0 : i32
    return %c0_i32, %c0_i32_0 : i32, i32
  }
  func.func @transform_6(%arg0: i32) -> (i32, i32) {
    %c0_i32 = arith.constant 0 : i32
    %c0_i32_0 = arith.constant 0 : i32
    %c0_i32_1 = arith.constant 0 : i32
    return %c0_i32, %c0_i32_0 : i32, i32
  }
  func.func @transform_7(%arg0: i32) -> (i32, i32) {
    %c0_i32 = arith.constant 0 : i32
    %c0_i32_0 = arith.constant 0 : i32
    return %arg0, %c0_i32 : i32, i32
  }
}

module attributes {stable_mosaic.version = 14 : i64} {
  func.func @_combine_body(%arg0: i32, %arg1: memref<512x1024xf32, #tpu.memory_space<vmem>>, %arg2: memref<512x2048xf32, #tpu.memory_space<vmem>>, %arg3: memref<512x2xf32, #tpu.memory_space<vmem>>, %arg4: memref<512x1024xf32, #tpu.memory_space<vmem>>) attributes {dimension_semantics = [#tpu.dimension_semantics<arbitrary>], iteration_bounds = array<i64: 8>, scalar_prefetch = 0 : i64, scratch_operands = 0 : i64, tpu.core_type = #tpu.core_type<tc>, window_params = [{transform_indices = @transform_0, window_bounds = array<i64: 512, 1024>}, {transform_indices = @transform_1, window_bounds = array<i64: 512, 2048>}, {transform_indices = @transform_2, window_bounds = array<i64: 512, 2>}, {transform_indices = @transform_3, window_bounds = array<i64: 512, 1024>}]} {
    %get3A = arith.constant 0 : index
    %get3A_0 = arith.constant 0 : index
    %get3A_1 = vector.load %arg3[%get3A, %get3A_0] : memref<512x2xf32, #tpu.memory_space<vmem>>, vector<512x2xf32>
    %slice3A = vector.extract_strided_slice %get3A_1 {offsets = [0, 0], sizes = [512, 1], strides = [1, 1]} : vector<512x2xf32> to vector<512x1xf32>
    %slice3A_2 = vector.extract_strided_slice %get3A_1 {offsets = [0, 1], sizes = [512, 1], strides = [1, 1]} : vector<512x2xf32> to vector<512x1xf32>
    %get3A_3 = arith.constant 0 : index
    %get3A_4 = arith.constant 0 : index
    %get3A_5 = vector.load %arg2[%get3A_3, %get3A_4] : memref<512x2048xf32, #tpu.memory_space<vmem>>, vector<512x2048xf32>
    %get3A_6 = arith.constant 0 : index
    %get3A_7 = arith.constant 0 : index
    %get3A_8 = vector.load %arg1[%get3A_6, %get3A_7] : memref<512x1024xf32, #tpu.memory_space<vmem>>, vector<512x1024xf32>
    %slice3A_9 = vector.extract_strided_slice %get3A_5 {offsets = [0, 0], sizes = [512, 1024], strides = [1, 1]} : vector<512x2048xf32> to vector<512x1024xf32>
    %mul3A = vector.broadcast %slice3A : vector<512x1xf32> to vector<512x1024xf32>
    %mul3A_10 = arith.mulf %mul3A, %slice3A_9 : vector<512x1024xf32>
    %add3A = arith.addf %get3A_8, %mul3A_10 : vector<512x1024xf32>
    %slice3A_11 = vector.extract_strided_slice %get3A_5 {offsets = [0, 1024], sizes = [512, 1024], strides = [1, 1]} : vector<512x2048xf32> to vector<512x1024xf32>
    %mul3A_12 = vector.broadcast %slice3A_2 : vector<512x1xf32> to vector<512x1024xf32>
    %mul3A_13 = arith.mulf %mul3A_12, %slice3A_11 : vector<512x1024xf32>
    %add3A_14 = arith.addf %add3A, %mul3A_13 : vector<512x1024xf32>
    %swap3A = arith.constant 0 : index
    %swap3A_15 = arith.constant 0 : index
    %swap3A_16 = vector.load %arg4[%swap3A, %swap3A_15] : memref<512x1024xf32, #tpu.memory_space<vmem>>, vector<512x1024xf32>
    tpu.vector_store %arg4[%swap3A, %swap3A_15], %add3A_14 {strides = array<i32>} : memref<512x1024xf32, #tpu.memory_space<vmem>>, vector<512x1024xf32>,
    return
  }
  func.func @transform_0(%arg0: i32) -> (i32, i32) {
    %c0_i32 = arith.constant 0 : i32
    %c0_i32_0 = arith.constant 0 : i32
    return %arg0, %c0_i32 : i32, i32
  }
  func.func @transform_1(%arg0: i32) -> (i32, i32) {
    %c0_i32 = arith.constant 0 : i32
    %c0_i32_0 = arith.constant 0 : i32
    return %arg0, %c0_i32 : i32, i32
  }
  func.func @transform_2(%arg0: i32) -> (i32, i32) {
    %c0_i32 = arith.constant 0 : i32
    %c0_i32_0 = arith.constant 0 : i32
    return %arg0, %c0_i32 : i32, i32
  }
  func.func @transform_3(%arg0: i32) -> (i32, i32) {
    %c0_i32 = arith.constant 0 : i32
    %c0_i32_0 = arith.constant 0 : i32
    return %arg0, %c0_i32 : i32, i32
  }
}

</mosaic_0001>

<sc_bundles>
// kernel: kernel.11.cloned.1.call-start
scs
__scs_entry_jumppad:
0x0: {  	(pc) =	sbr.rel $0x88, $3  }
0x1: {  	(tag) =	ssettag $0x0;
	lr =	simm.s32 $0x1  }
0x2: {  	[smem:$0x3F92] =	sst lr;
	_ =	strace $0xD0000000  }
0x3: {  	_ = 	snop  }
0x4: {  	_ = 	snop  }
0x5: {  	_ = 	snop  }
0x6: {  	_ = 	snop  }
0x7: {  	_ = 	snop  }
__scs_overlays_trampoline_lowered:
0x8: {  	[smem:$0x3FA1] =	sst s0  }
0x9: {  	[smem:$0x3FA2] =	sst s1  }
0xa: {  	[smem:$0x3FA3] =	sst s2  }
0xb: {  	[smem:$0x3FA4] =	sst s3  }
0xc: {  	[smem:$0x3FA5] =	sst s4  }
0xd: {  	[smem:$0x3FA6] =	sst s5  }
0xe: {  	[smem:$0x3FA7] =	sst s6  }
0xf: {  	[smem:$0x3FA8] =	sst s7  }
0x10: {  	[smem:$0x3FA9] =	sst s8  }
0x11: {  	[smem:$0x3FAA] =	sst s9;
	s0 =	simm.s32 @!p0 $0x0  }
0x12: {  	s1 =	sld [smem:$0x3F90];
	s0 =	simm.s32 @p0 $0x1  }
0x13: {  	[smem:$0x3FAB] =	sst s0;
	s0 =	simm.s32 @!p1 $0x0  }
0x14: {  	s2 =	sld [smem:$0x3F8F];
	s0 =	simm.s32 @p1 $0x1  }
0x15: {  	[smem:$0x3FAC] =	sst s0;
	s0 =	simm.s32 @!p2 $0x0  }
0x16: {  	s3 =	sld [smem:$0x3FDB];
	s0 =	simm.s32 @p2 $0x1  }
0x17: {  	s4 =	simm.s32 $0x1BF5;
	[smem:$0x3FAE] =	sst s0  }
0x18: {  	s0 =	sld [smem:$0x3F91];
	_ =	swait.ge [sflag:s4], $0x0  }
0x19: {  	s7 =	sld [smem:$0x3F92]  }
0x1a: {  	s8 =	sadd.s32 $0xFFFFE003, lr  }
0x1b: {  	s9 =	sadd.s32 $0xFFFFFEF7, lr;
	s5 =	simm.s32 $0xFFFFFFFF;
	p2 =	slt.u32 s8, $0xFFFFF086  }
0x1c: {  	p1 =	slt.u32 s9, $0xF7A;
	s5 =	simm.s32 @!p2 $0x0  }
0x1d: {  	s5 =	simm.s32 @p1 $0x1;
	p0 =	seq.s32 s7, s2  }
0x1e: {  	s7 =	smul.u32 @!p0 $0xF7A, s2;
	p2 =	seq.s32 @!p0 s5, $0x0  }
0x1f: {  	s9 =	smul.u32 $0xF7A, s1;
	s8 =	simm.s32 @!p0 $0x1BF5;
	p2 =	por !p2, p0  }
0x20: {  	[sflag:s8] =	ssyncset.s32 @!p0 $0xFFFFF086;
	s6 =	sadd.s32 @!p0 s3, s7;
	s7 =	simm.s32 @!p0 $0x108  }
0x21: {  	s3 =	sadd.s32 s3, s9;
	s6 =	sadd.s32 @!p0 $0x88, s6;
	s7 =	simm.s32 @p2 $0x1082  }
0x22: {  	[simem:s7], [sflag:s8] =	dma.local @!p0 [hbm:s6], $0xF7A  }
0x23: {  	s9 =	sor.u32 $0xD0000000, s2;
	s6 =	simm.s32 $0x108;
	_ =	swait.ge @!p0 [sflag:s8], $0x0  }
0x24: {  	s3 =	sadd.s32 $0x88, s3;
	s6 =	simm.s32 @!p1 $0x1082;
	[sflag:s4] =	ssyncset.s32 $0xFFFFF086  }
0x25: {  	[simem:s6], [sflag:s4] =	dma.local [hbm:s3], $0xF7A  }
0x26: {  	[smem:$0x3F92] =	sst s1;
	(tag) =	ssettag s2;
	_ =	strace s9  }
0x27: {  	s1 =	sld [smem:$0x3FA2]  }
0x28: {  	s2 =	sld [smem:$0x3FA3]  }
0x29: {  	s4 =	sld [smem:$0x3FA5]  }
0x2a: {  	p0 =	seq.s32 s5, $0x0;
	s5 =	sld [smem:$0x3FA6]  }
0x2b: {  	s6 =	sld [smem:$0x3FA7]  }
0x2c: {  	s7 =	sld [smem:$0x3FA8]  }
0x2d: {  	s3 =	simm.s32 $0x108;
	s8 =	sld [smem:$0x3FA9]  }
0x2e: {  	s3 =	simm.s32 @!p0 $0x1082;
	s9 =	sld [smem:$0x3FAA]  }
0x2f: {  	lr =	sadd.s32 s0, s3;
	s0 =	sld [smem:$0x3FA1]  }
0x30: {  	s3 =	sld [smem:$0x3FA4]  }
0x31: {  	[smem:$0x3FAD] =	sst s10  }
0x32: {  	s10 =	sld [smem:$0x3FAB];
	_ =	sdelay $0x3  }
0x33: {  	p0 =	seq.s32 s10, $0x1;
	s10 =	sld [smem:$0x3FAD];
	_ =	sdelay $0x3  }
0x34: {  	[smem:$0x3FAD] =	sst s10  }
0x35: {  	s10 =	sld [smem:$0x3FAC];
	_ =	sdelay $0x3  }
0x36: {  	p1 =	seq.s32 s10, $0x1;
	s10 =	sld [smem:$0x3FAD];
	_ =	sdelay $0x3  }
0x37: {  	[smem:$0x3FAD] =	sst s10  }
0x38: {  	s10 =	sld [smem:$0x3FAE]  }
0x39: {  	_ = 	snop;
	(pc) =	sbr.ind lr, $3  }
0x3a: {  	_ = 	snop  }
0x3b: {  	_ = 	snop  }
0x3c: {  	p2 =	seq.s32 s10, $0x1;
	s10 =	sld [smem:$0x3FAD]  }
0x3d: {  	_ =	shalt  }
0x3e: {  	_ =	shalt  }
0x3f: {  	_ =	shalt  }
0x40: {  	_ =	shalt  }
0x41: {  	_ =	shalt  }
0x42: {  	_ =	shalt  }
0x43: {  	_ =	shalt  }
0x44: {  	_ =	shalt  }
0x45: {  	_ =	shalt  }
0x46: {  	_ =	shalt  }
0x47: {  	_ =	shalt  }
0x48: {  	_ =	shalt  }
0x49: {  	_ =	shalt  }
0x4a: {  	_ =	shalt  }
0x4b: {  	_ =	shalt  }
0x4c: {  	_ =	shalt  }
0x4d: {  	_ =	shalt  }
0x4e: {  	_ =	shalt  }
0x4f: {  	_ =	shalt  }
0x50: {  	_ =	shalt  }
0x51: {  	_ =	shalt  }
0x52: {  	_ =	shalt  }
0x53: {  	_ =	shalt  }
0x54: {  	_ =	shalt  }
0x55: {  	_ =	shalt  }
0x56: {  	_ =	shalt  }
0x57: {  	_ =	shalt  }
0x58: {  	_ =	shalt  }
0x59: {  	_ =	shalt  }
0x5a: {  	_ =	shalt  }
0x5b: {  	_ =	shalt  }
0x5c: {  	_ =	shalt  }
0x5d: {  	_ =	shalt  }
0x5e: {  	_ =	shalt  }
0x5f: {  	_ =	shalt  }
0x60: {  	_ =	shalt  }
0x61: {  	_ =	shalt  }
0x62: {  	_ =	shalt  }
0x63: {  	_ =	shalt  }
0x64: {  	_ =	shalt  }
0x65: {  	_ =	shalt  }
0x66: {  	_ =	shalt  }
0x67: {  	_ =	shalt  }
0x68: {  	_ =	shalt  }
0x69: {  	_ =	shalt  }
0x6a: {  	_ =	shalt  }
0x6b: {  	_ =	shalt  }
0x6c: {  	_ =	shalt  }
0x6d: {  	_ =	shalt  }
0x6e: {  	_ =	shalt  }
0x6f: {  	_ =	shalt  }
0x70: {  	_ =	shalt  }
0x71: {  	_ =	shalt  }
0x72: {  	_ =	shalt  }
0x73: {  	_ =	shalt  }
0x74: {  	_ =	shalt  }
0x75: {  	_ =	shalt  }
0x76: {  	_ =	shalt  }
0x77: {  	_ =	shalt  }
0x78: {  	_ =	shalt  }
0x79: {  	_ =	shalt  }
0x7a: {  	_ =	shalt  }
0x7b: {  	_ =	shalt  }
0x7c: {  	_ =	shalt  }
0x7d: {  	_ =	shalt  }
0x7e: {  	_ =	shalt  }
0x7f: {  	_ =	shalt  }
0x80: {  	_ =	shalt  }
0x81: {  	_ =	shalt  }
0x82: {  	_ =	shalt  }
0x83: {  	_ =	shalt  }
0x84: {  	_ =	shalt  }
0x85: {  	_ =	shalt  }
0x86: {  	_ =	shalt  }
0x87: {  	_ =	shalt  }
.Lfunc_end0:
.L_simem_size_0:
called_computation.1_lowered:
.L_overlay_start_0:
0x88: {  	s2 =	sld [smem:$0x3FD9]  }
0x89: {  	s3 =	sld [smem:$0x3FFE];
	_ =	sdelay $0x1  }
0x8a: {  	s1 =	srdreg.scid  }
0x8b: {  	s0 =	sand.u32 $0x1, s1  }
0x8c: {  	s16 =	sshll.u32 s0, $0xA;
	s2 =	sadd.s32 s3, s2  }
0x8d: {  	s2 =	sadd.s32 s2, s16  }
0x8e: {  	[smem:$0x3FB9] =	sst s2  }
0x8f: {  	_ = 	snop  }
0x90: {  	(tm) =	ssettm $0x1  }
0x91: {  	s17 =	sld [smem:$0x3FFB];
	_ =	sdelay $0x3  }
0x92: {  	_ =	strace s17  }
0x93: {  	s2 =	sld [smem:$0x3FFC];
	_ =	sdelay $0x3  }
0x94: {  	_ =	strace s2  }
0x95: {  	s2 =	sld [smem:$0x3FFD];
	_ =	sdelay $0x3  }
0x96: {  	_ =	strace s2  }
0x97: {  	_ =	strace $0x8FFFFFFF  }
0x98: {  	s18 =	sld [smem:$0x3FDB];
	_ =	sdelay $0x1  }
0x99: {  	s19 =	simm.s32 $_scs_section_size  }
0x9a: {  	s4 =	simm.s32 $_size__tile_overlayer_lowered;
	s5 =	simm.s32 $_tile_overlayer_lowered  }
0x9b: {  	s22 =	simm.s32 $0x1BFF;
	s21 =	sshll.u32 s5, $0x1;
	s2 =	sadd.s32 s19, s18  }
0x9c: {  	s6 =	simm.s32 $0x0;
	s20 =	sshll.u32 s4, $0x1;
	s4 =	sadd.s32 s21, s2  }
0x9d: {  	[timem:s6], [sflag:s22] =	dma.local [hbm:s4], s20  }
0x9e: {  	_ =	swait.ge [sflag:s22], s20  }
0x9f: {  	s3 =	ssub.s32 $0x0, s20;
	[sflag:s22] =	ssyncset.done $0x0  }
0xa0: {  	[sflag:s22] =	ssyncadd.s32 s3;
	_ =	sdelay $0x1  }
0xa1: {  	s23 =	simm.s32 $0x1B8B  }
0xa2: {  	_ =	swait.ge [sflag:s23], $0x1  }
0xa3: {  	[sflag:s23] =	ssyncset.done $0x0  }
0xa4: {  	s25 =	simm.s32 $0x1B8E;
	s24 =	sld [smem:$0x3FFE];
	[sflag:s23] =	ssyncadd.s32 $0xFFFFFFFF  }
0xa5: {  	s26 =	simm.s32 $execute0_lowered;
	[smem:$0x3FD2] =	sst s25  }
0xa6: {  	s4 =	sshll.u32 s26, $0x1;
	_ =	strace $0x80000049;
	[dreg:$0x1] =	wrdreg $0xFFFFFFFF  }
0xa7: {  	s28 =	simm.s32 $_size_execute0_lowered;
	s2 =	sadd.s32 s2, s4;
	[dreg:$0x0] =	wrdreg $0x0  }
0xa8: {  	s4 =	sshll.u32 s28, $0x1;
	[dreg:$0x2] =	wrdreg s2  }
0xa9: {  	[dreg:$0x3] =	wrdreg s4  }
0xaa: {  	[dreg:$0x4] =	wrdreg $0xC0  }
0xab: {  	_ =	task [dreg:s6], $0x5FFFF  }
0xac: {  	[dreg:$0x1] =	wrdreg $0xFFFFFFFF  }
0xad: {  	[dreg:$0x0] =	wrdreg $0x60  }
0xae: {  	[dreg:$0x2] =	wrdreg s24  }
0xaf: {  	[dreg:$0x3] =	wrdreg $0x9  }
0xb0: {  	_ =	task.clear_ibuf [dreg:s6], $0x4FFFF;
	_ =	strace $0x90000049  }
0xb1: {  	s29 =	simm.s32 $0x9;
	_ =	strace $0x8000004B  }
0xb2: {  	_ =	swait.ge [sflag:s29], $0x1  }
0xb3: {  	[sflag:s29] =	ssyncadd.s32 $0xFFFFFFFF  }
0xb4: {  	_ =	strace $0x9000004B  }
0xb5: {  	_ =	sfence  }
0xb6: {  	s30 =	sld [smem:$0x0];
	_ =	sdelay $0x2  }
0xb7: {  	s31 =	sshll.u32 s1, $0xD;
	s1 =	sshrl.u32 s1, $0x2  }
0xb8: {  	s3 =	sand.u32 $0x4000, s31;
	s1 =	sadd.s32 s1, s30  }
0xb9: {  	s0 =	sor.u32 s3, s0;
	s1 =	sshll.u32 s1, $0x11  }
0xba: {  	s0 =	sor.u32 s1, s0  }
0xbb: {  	s0 =	sadd.s32 $0x8F2B, s0  }
0xbc: {  	[sflag:s0] =	ssyncadd.remote.s32 $0x1  }
0xbd: {  	_ =	sfence.sel $0xFFFF  }
0xbe: {  	[dreg:$0x0] =	wrdreg $0xFFFFFFFF;
	(pc) =	sbr.abs _section_cstart, $3  }
0xbf: {  	[dreg:$0x1] =	wrdreg $0xFFFFFFFF  }
0xc0: {  	_ =	task.clear_ibuf [dreg:s6], $0x2FFFF;
	_ =	strace $0x9FFFFFFF  }
0xc1: {  	(tm) =	ssettm $0x7FFFFFFF  }
tec
execute0_lowered:
.L_overlay_start_1:
0x0: {  	(tag) =	ssettag $0x1  }
0x1: {  	s0 =	srdreg.scid;
	s1 =	rddreg [dreg:$0x0];
	s2 =	simm.s32 $0x0  }
0x2: {  	s6 =	stileid.u32;
	s17 =	simm.s32 $0x1;
	s18 =	simm.s32 $0x2  }
0x3: {  	s0 =	sand.u32 $0x1, s0;
	[smem:$0x7FF] =	sst s2;
	s4 =	sshll.u32 s6, $0x10  }
0x4: {  	s6 =	sshll.u32 s6, $0x7;
	s3 =	sshll.u32 s0, $0x6;
	s5 =	sshll.u32 s0, $0xF  }
0x5: {  	_ =	strace $0x8000004A;
	s0 =	ssub.s32 $0x2, s0;
	s3 =	sadd.s32 s3, s1  }
0x6: {  	s4 =	sor.u32 s5, s4;
	s29 =	sshrl.u32 s0, $0x1;
	s24 =	sadd.s32 s6, s3  }
0x7: {  	s5 =	sadd.s32 $0x154000, s1;
	s25 =	sadd.s32 s4, s1;
	s26 =	sadd.s32 $0x13600, s24  }
0x8: {  	s3 =	sadd.s32 $0x153E00, s1;
	s28 =	sadd.s32 $0x13E00, s25;
	[dreg:$0x2] =	wrdreg s26  }
0x9: {  	s0 =	ssub.s32 s0, s29;
	s30 =	sadd.s32 $0x15E00, s25;
	[dreg:$0x3] =	wrdreg s28  }
0xa: {  	v2 =	vlaneseq.u32;
	s4 =	sadd.s32 $0x153F00, s1;
	s31 =	sadd.s32 $0x17E00, s25;
	[dreg:$0x4] =	wrdreg s30  }
0xb: {  	vm0 =	vmmov $0xffff;
	v1 =	vshrl.u32 v2, $0x3;
	s6 =	sadd.s32 $0x154100, s1;
	s7 =	sadd.s32 $0x19E00, s25;
	[dreg:$0x5] =	wrdreg s31  }
0xc: {  	v0 =	vand.u32 $0x7, v2;
	v2 =	vor.u32 $0x8, v2;
	v1 =	vmul.u32 $0x8, v1;
	s24 =	simm.s32 $0x200;
	[dreg:$0x6] =	wrdreg s7;
	s7 =	smax.u32 s0, $0x1  }
.LBB2_1:
0xd: {  	s19 =	rddreg [dreg:$0x2];
	s22 =	simm.s32 $0x3  }
0xe: {  	[tilespmem:s2], [sflag:$0x3] =	stream.linear.gather [hbm4b:s19+s2], $0x200, $0x38;
	[tilespmem:$0x10200] =	vst v63  }
0xf: {  	_ =	swait.ge [sflag:s22], $0x200  }
0x10: {  	[sflag:s22] =	ssyncset.done $0x0  }
0x11: {  	[sflag:s22] =	ssyncadd.s32 $0xFFFFFE00  }
0x12: {  	v3 =	vld [tilespmem:$0x0];
	_ =	sdelay $0x4  }
0x13: {  	v4 =	vshll.u32 v3, $0x3  }
0x14: {  	v3 =	vand.u32 $0x7, v3;
	v4 =	vand.u32 $0xFFFFFFC0, v4  }
0x15: {  	v3 =	vor.u32 v3, v4  }
0x16: {  	v4 =	vperm.xlane v3, v0;
	_ =	sdelay $0x1  }
0x17: {  	v4 =	vadd.s32 v1, v4;
	_ =	sdelay $0x4  }
0x18: {  	[tilespmem:s24], [sflag:$0x1] =	stream.indirect_vreg.gather [hbm4b:s3+s2], $0x80, v4, vm0, $0xb8;
	[tilespmem:$0x10200] =	vst v63  }
0x19: {  	s0 =	simm.s32 $0xA00;
	v3 =	vperm.xlane v3, v2  }
0x1a: {  	[tilespmem:s0], [sflag:$0x1] =	stream.indirect_vreg.gather [hbm4b:s4+s2], $0x80, v4, vm0, $0xb8;
	[tilespmem:$0x10200] =	vst v63  }
0x1b: {  	s23 =	simm.s32 $0x1200;
	v3 =	vadd.s32 v1, v3  }
0x1c: {  	[tilespmem:s23], [sflag:$0x1] =	stream.indirect_vreg.gather [hbm4b:s5+s2], $0x80, v4, vm0, $0xb8;
	[tilespmem:$0x10200] =	vst v63  }
0x1d: {  	s25 =	simm.s32 $0x1A00  }
0x1e: {  	[tilespmem:s25], [sflag:$0x1] =	stream.indirect_vreg.gather [hbm4b:s6+s2], $0x80, v4, vm0, $0xb8;
	[tilespmem:$0x10200] =	vst v63  }
0x1f: {  	s26 =	simm.s32 $0x2200  }
0x20: {  	[tilespmem:s26], [sflag:$0x1] =	stream.indirect_vreg.gather [hbm4b:s3+s2], $0x80, v3, vm0, $0xb8;
	[tilespmem:$0x10200] =	vst v63  }
0x21: {  	s28 =	simm.s32 $0x2A00  }
0x22: {  	[tilespmem:s28], [sflag:$0x1] =	stream.indirect_vreg.gather [hbm4b:s4+s2], $0x80, v3, vm0, $0xb8;
	[tilespmem:$0x10200] =	vst v63  }
0x23: {  	s29 =	simm.s32 $0x3200  }
0x24: {  	[tilespmem:s29], [sflag:$0x1] =	stream.indirect_vreg.gather [hbm4b:s5+s2], $0x80, v3, vm0, $0xb8;
	[tilespmem:$0x10200] =	vst v63  }
0x25: {  	s30 =	simm.s32 $0x3A00  }
0x26: {  	[tilespmem:s30], [sflag:$0x1] =	stream.indirect_vreg.gather [hbm4b:s6+s2], $0x80, v3, vm0, $0xb8;
	[tilespmem:$0x10200] =	vst v63  }
0x27: {  	v3 =	vld [tilespmem:$0x10];
	_ =	sdelay $0x4  }
0x28: {  	v49 =	vshll.u32 v3, $0x3  }
0x29: {  	v3 =	vand.u32 $0x7, v3;
	v4 =	vand.u32 $0xFFFFFFC0, v49  }
0x2a: {  	v3 =	vor.u32 v3, v4  }
0x2b: {  	v4 =	vperm.xlane v3, v0;
	_ =	sdelay $0x1  }
0x2c: {  	v4 =	vadd.s32 v1, v4;
	_ =	sdelay $0x3  }
0x2d: {  	s31 =	simm.s32 $0x4200  }
0x2e: {  	[tilespmem:s31], [sflag:$0x1] =	stream.indirect_vreg.gather [hbm4b:s3+s2], $0x80, v4, vm0, $0xb8;
	[tilespmem:$0x10200] =	vst v63  }
0x2f: {  	s12 =	simm.s32 $0x4A00;
	v3 =	vperm.xlane v3, v2  }
0x30: {  	[tilespmem:s12], [sflag:$0x1] =	stream.indirect_vreg.gather [hbm4b:s4+s2], $0x80, v4, vm0, $0xb8;
	[tilespmem:$0x10200] =	vst v63  }
0x31: {  	s15 =	simm.s32 $0x5200;
	v3 =	vadd.s32 v1, v3  }
0x32: {  	[tilespmem:s15], [sflag:$0x1] =	stream.indirect_vreg.gather [hbm4b:s5+s2], $0x80, v4, vm0, $0xb8;
	[tilespmem:$0x10200] =	vst v63  }
0x33: {  	s19 =	simm.s32 $0x5A00  }
0x34: {  	[tilespmem:s19], [sflag:$0x1] =	stream.indirect_vreg.gather [hbm4b:s6+s2], $0x80, v4, vm0, $0xb8;
	[tilespmem:$0x10200] =	vst v63  }
0x35: {  	s20 =	simm.s32 $0x6200  }
0x36: {  	[tilespmem:s20], [sflag:$0x1] =	stream.indirect_vreg.gather [hbm4b:s3+s2], $0x80, v3, vm0, $0xb8;
	[tilespmem:$0x10200] =	vst v63  }
0x37: {  	s21 =	simm.s32 $0x6A00  }
0x38: {  	[tilespmem:s21], [sflag:$0x1] =	stream.indirect_vreg.gather [hbm4b:s4+s2], $0x80, v3, vm0, $0xb8;
	[tilespmem:$0x10200] =	vst v63  }
0x39: {  	s22 =	simm.s32 $0x7200  }
0x3a: {  	[tilespmem:s22], [sflag:$0x1] =	stream.indirect_vreg.gather [hbm4b:s5+s2], $0x80, v3, vm0, $0xb8;
	[tilespmem:$0x10200] =	vst v63  }
0x3b: {  	s23 =	simm.s32 $0x7A00  }
0x3c: {  	[tilespmem:s23], [sflag:$0x1] =	stream.indirect_vreg.gather [hbm4b:s6+s2], $0x80, v3, vm0, $0xb8;
	[tilespmem:$0x10200] =	vst v63  }
0x3d: {  	v3 =	vld [tilespmem:$0x20];
	_ =	sdelay $0x4  }
0x3e: {  	v50 =	vshll.u32 v3, $0x3  }
0x3f: {  	v3 =	vand.u32 $0x7, v3;
	v4 =	vand.u32 $0xFFFFFFC0, v50  }
0x40: {  	v3 =	vor.u32 v3, v4  }
0x41: {  	v4 =	vperm.xlane v3, v0;
	_ =	sdelay $0x1  }
0x42: {  	v4 =	vadd.s32 v1, v4;
	_ =	sdelay $0x3  }
0x43: {  	s25 =	simm.s32 $0x8200  }
0x44: {  	[tilespmem:s25], [sflag:$0x1] =	stream.indirect_vreg.gather [hbm4b:s3+s2], $0x80, v4, vm0, $0xb8;
	[tilespmem:$0x10200] =	vst v63  }
0x45: {  	s26 =	simm.s32 $0x8A00;
	v3 =	vperm.xlane v3, v2  }
0x46: {  	[tilespmem:s26], [sflag:$0x1] =	stream.indirect_vreg.gather [hbm4b:s4+s2], $0x80, v4, vm0, $0xb8;
	[tilespmem:$0x10200] =	vst v63  }
0x47: {  	s28 =	simm.s32 $0x9200;
	v3 =	vadd.s32 v1, v3  }
0x48: {  	[tilespmem:s28], [sflag:$0x1] =	stream.indirect_vreg.gather [hbm4b:s5+s2], $0x80, v4, vm0, $0xb8;
	[tilespmem:$0x10200] =	vst v63  }
0x49: {  	s29 =	simm.s32 $0x9A00  }
0x4a: {  	[tilespmem:s29], [sflag:$0x1] =	stream.indirect_vreg.gather [hbm4b:s6+s2], $0x80, v4, vm0, $0xb8;
	[tilespmem:$0x10200] =	vst v63  }
0x4b: {  	s30 =	simm.s32 $0xA200  }
0x4c: {  	[tilespmem:s30], [sflag:$0x1] =	stream.indirect_vreg.gather [hbm4b:s3+s2], $0x80, v3, vm0, $0xb8;
	[tilespmem:$0x10200] =	vst v63  }
0x4d: {  	s31 =	simm.s32 $0xAA00  }
0x4e: {  	[tilespmem:s31], [sflag:$0x1] =	stream.indirect_vreg.gather [hbm4b:s4+s2], $0x80, v3, vm0, $0xb8;
	[tilespmem:$0x10200] =	vst v63  }
0x4f: {  	s15 =	simm.s32 $0xB200  }
0x50: {  	[tilespmem:s15], [sflag:$0x1] =	stream.indirect_vreg.gather [hbm4b:s5+s2], $0x80, v3, vm0, $0xb8;
	[tilespmem:$0x10200] =	vst v63  }
0x51: {  	s20 =	simm.s32 $0xBA00  }
0x52: {  	[tilespmem:s20], [sflag:$0x1] =	stream.indirect_vreg.gather [hbm4b:s6+s2], $0x80, v3, vm0, $0xb8;
	[tilespmem:$0x10200] =	vst v63  }
0x53: {  	v3 =	vld [tilespmem:$0x30];
	_ =	sdelay $0x4  }
0x54: {  	v51 =	vshll.u32 v3, $0x3  }
0x55: {  	v3 =	vand.u32 $0x7, v3;
	v4 =	vand.u32 $0xFFFFFFC0, v51  }
0x56: {  	v3 =	vor.u32 v3, v4  }
0x57: {  	v4 =	vperm.xlane v3, v0;
	_ =	sdelay $0x1  }
0x58: {  	v4 =	vadd.s32 v1, v4;
	_ =	sdelay $0x3  }
0x59: {  	s21 =	simm.s32 $0xC200  }
0x5a: {  	[tilespmem:s21], [sflag:$0x1] =	stream.indirect_vreg.gather [hbm4b:s3+s2], $0x80, v4, vm0, $0xb8;
	[tilespmem:$0x10200] =	vst v63  }
0x5b: {  	s22 =	simm.s32 $0xCA00;
	v3 =	vperm.xlane v3, v2  }
0x5c: {  	[tilespmem:s22], [sflag:$0x1] =	stream.indirect_vreg.gather [hbm4b:s4+s2], $0x80, v4, vm0, $0xb8;
	[tilespmem:$0x10200] =	vst v63  }
0x5d: {  	s23 =	simm.s32 $0xD200;
	v3 =	vadd.s32 v1, v3  }
0x5e: {  	[tilespmem:s23], [sflag:$0x1] =	stream.indirect_vreg.gather [hbm4b:s5+s2], $0x80, v4, vm0, $0xb8;
	[tilespmem:$0x10200] =	vst v63  }
0x5f: {  	s26 =	simm.s32 $0xDA00  }
0x60: {  	[tilespmem:s26], [sflag:$0x1] =	stream.indirect_vreg.gather [hbm4b:s6+s2], $0x80, v4, vm0, $0xb8;
	[tilespmem:$0x10200] =	vst v63  }
0x61: {  	s28 =	simm.s32 $0xE200  }
0x62: {  	[tilespmem:s28], [sflag:$0x1] =	stream.indirect_vreg.gather [hbm4b:s3+s2], $0x80, v3, vm0, $0xb8;
	[tilespmem:$0x10200] =	vst v63  }
0x63: {  	s29 =	simm.s32 $0xEA00  }
0x64: {  	[tilespmem:s29], [sflag:$0x1] =	stream.indirect_vreg.gather [hbm4b:s4+s2], $0x80, v3, vm0, $0xb8;
	[tilespmem:$0x10200] =	vst v63  }
0x65: {  	s31 =	simm.s32 $0xF200  }
0x66: {  	[tilespmem:s31], [sflag:$0x1] =	stream.indirect_vreg.gather [hbm4b:s5+s2], $0x80, v3, vm0, $0xb8;
	[tilespmem:$0x10200] =	vst v63  }
0x67: {  	s0 =	simm.s32 $0xFA00  }
0x68: {  	[tilespmem:s0], [sflag:$0x1] =	stream.indirect_vreg.gather [hbm4b:s6+s2], $0x80, v3, vm0, $0xb8;
	[tilespmem:$0x10200] =	vst v63  }
0x69: {  	_ =	swait.ge [sflag:s17], $0x10000  }
0x6a: {  	[sflag:s17] =	ssyncset.done $0x0  }
0x6b: {  	s15 =	rddreg [dreg:$0x3];
	[sflag:s17] =	ssyncadd.s32 $0xFFFF0000  }
0x6c: {  	[hbm4b:s15+s2] =	stream.linear.scatter [tilespmem:s24], [sflag:$0x2], $0x10000, $0x38;
	[tilespmem:$0x10200] =	vst v63  }
0x6d: {  	_ =	swait.ge [sflag:s18], $0x10000  }
0x6e: {  	[sflag:s18] =	ssyncset.done $0x0  }
0x6f: {  	[sflag:s18] =	ssyncadd.s32 $0xFFFF0000  }
0x70: {  	v3 =	vld [tilespmem:$0x80];
	_ =	sdelay $0x4  }
0x71: {  	v52 =	vshll.u32 v3, $0x3  }
0x72: {  	v3 =	vand.u32 $0x7, v3;
	v4 =	vand.u32 $0xFFFFFFC0, v52  }
0x73: {  	v3 =	vor.u32 v3, v4  }
0x74: {  	v4 =	vperm.xlane v3, v0;
	_ =	sdelay $0x1  }
0x75: {  	v4 =	vadd.s32 v1, v4;
	_ =	sdelay $0x4  }
0x76: {  	[tilespmem:s24], [sflag:$0x1] =	stream.indirect_vreg.gather [hbm4b:s3+s2], $0x80, v4, vm0, $0xb8;
	[tilespmem:$0x10200] =	vst v63  }
0x77: {  	s13 =	simm.s32 $0xA00;
	v3 =	vperm.xlane v3, v2  }
0x78: {  	[tilespmem:s13], [sflag:$0x1] =	stream.indirect_vreg.gather [hbm4b:s4+s2], $0x80, v4, vm0, $0xb8;
	[tilespmem:$0x10200] =	vst v63  }
0x79: {  	s1 =	simm.s32 $0x1200;
	v3 =	vadd.s32 v1, v3  }
0x7a: {  	[tilespmem:s1], [sflag:$0x1] =	stream.indirect_vreg.gather [hbm4b:s5+s2], $0x80, v4, vm0, $0xb8;
	[tilespmem:$0x10200] =	vst v63  }
0x7b: {  	s8 =	simm.s32 $0x1A00  }
0x7c: {  	[tilespmem:s8], [sflag:$0x1] =	stream.indirect_vreg.gather [hbm4b:s6+s2], $0x80, v4, vm0, $0xb8;
	[tilespmem:$0x10200] =	vst v63  }
0x7d: {  	s9 =	simm.s32 $0x2200  }
0x7e: {  	[tilespmem:s9], [sflag:$0x1] =	stream.indirect_vreg.gather [hbm4b:s3+s2], $0x80, v3, vm0, $0xb8;
	[tilespmem:$0x10200] =	vst v63  }
0x7f: {  	s10 =	simm.s32 $0x2A00  }
0x80: {  	[tilespmem:s10], [sflag:$0x1] =	stream.indirect_vreg.gather [hbm4b:s4+s2], $0x80, v3, vm0, $0xb8;
	[tilespmem:$0x10200] =	vst v63  }
0x81: {  	s11 =	simm.s32 $0x3200  }
0x82: {  	[tilespmem:s11], [sflag:$0x1] =	stream.indirect_vreg.gather [hbm4b:s5+s2], $0x80, v3, vm0, $0xb8;
	[tilespmem:$0x10200] =	vst v63  }
0x83: {  	s14 =	simm.s32 $0x3A00  }
0x84: {  	[tilespmem:s14], [sflag:$0x1] =	stream.indirect_vreg.gather [hbm4b:s6+s2], $0x80, v3, vm0, $0xb8;
	[tilespmem:$0x10200] =	vst v63  }
0x85: {  	v3 =	vld [tilespmem:$0x90];
	_ =	sdelay $0x4  }
0x86: {  	v53 =	vshll.u32 v3, $0x3  }
0x87: {  	v3 =	vand.u32 $0x7, v3;
	v4 =	vand.u32 $0xFFFFFFC0, v53  }
0x88: {  	v3 =	vor.u32 v3, v4  }
0x89: {  	v4 =	vperm.xlane v3, v0;
	_ =	sdelay $0x1  }
0x8a: {  	v4 =	vadd.s32 v1, v4;
	_ =	sdelay $0x3  }
0x8b: {  	s15 =	simm.s32 $0x4200  }
0x8c: {  	[tilespmem:s15], [sflag:$0x1] =	stream.indirect_vreg.gather [hbm4b:s3+s2], $0x80, v4, vm0, $0xb8;
	[tilespmem:$0x10200] =	vst v63  }
0x8d: {  	s16 =	simm.s32 $0x4A00;
	v3 =	vperm.xlane v3, v2  }
0x8e: {  	[tilespmem:s16], [sflag:$0x1] =	stream.indirect_vreg.gather [hbm4b:s4+s2], $0x80, v4, vm0, $0xb8;
	[tilespmem:$0x10200] =	vst v63  }
0x8f: {  	s12 =	simm.s32 $0x5200;
	v3 =	vadd.s32 v1, v3  }
0x90: {  	[tilespmem:s12], [sflag:$0x1] =	stream.indirect_vreg.gather [hbm4b:s5+s2], $0x80, v4, vm0, $0xb8;
	[tilespmem:$0x10200] =	vst v63  }
0x91: {  	s16 =	simm.s32 $0x5A00  }
0x92: {  	[tilespmem:s16], [sflag:$0x1] =	stream.indirect_vreg.gather [hbm4b:s6+s2], $0x80, v4, vm0, $0xb8;
	[tilespmem:$0x10200] =	vst v63  }
0x93: {  	s0 =	simm.s32 $0x6200  }
0x94: {  	[tilespmem:s0], [sflag:$0x1] =	stream.indirect_vreg.gather [hbm4b:s3+s2], $0x80, v3, vm0, $0xb8;
	[tilespmem:$0x10200] =	vst v63  }
0x95: {  	s1 =	simm.s32 $0x6A00  }
0x96: {  	[tilespmem:s1], [sflag:$0x1] =	stream.indirect_vreg.gather [hbm4b:s4+s2], $0x80, v3, vm0, $0xb8;
	[tilespmem:$0x10200] =	vst v63  }
0x97: {  	s8 =	simm.s32 $0x7200  }
0x98: {  	[tilespmem:s8], [sflag:$0x1] =	stream.indirect_vreg.gather [hbm4b:s5+s2], $0x80, v3, vm0, $0xb8;
	[tilespmem:$0x10200] =	vst v63  }
0x99: {  	s12 =	simm.s32 $0x7A00  }
0x9a: {  	[tilespmem:s12], [sflag:$0x1] =	stream.indirect_vreg.gather [hbm4b:s6+s2], $0x80, v3, vm0, $0xb8;
	[tilespmem:$0x10200] =	vst v63  }
0x9b: {  	v3 =	vld [tilespmem:$0xA0];
	_ =	sdelay $0x4  }
0x9c: {  	v54 =	vshll.u32 v3, $0x3  }
0x9d: {  	v3 =	vand.u32 $0x7, v3;
	v4 =	vand.u32 $0xFFFFFFC0, v54  }
0x9e: {  	v3 =	vor.u32 v3, v4  }
0x9f: {  	v4 =	vperm.xlane v3, v0;
	_ =	sdelay $0x1  }
0xa0: {  	v4 =	vadd.s32 v1, v4;
	_ =	sdelay $0x3  }
0xa1: {  	s13 =	simm.s32 $0x8200  }
0xa2: {  	[tilespmem:s13], [sflag:$0x1] =	stream.indirect_vreg.gather [hbm4b:s3+s2], $0x80, v4, vm0, $0xb8;
	[tilespmem:$0x10200] =	vst v63  }
0xa3: {  	s14 =	simm.s32 $0x8A00;
	v3 =	vperm.xlane v3, v2  }
0xa4: {  	[tilespmem:s14], [sflag:$0x1] =	stream.indirect_vreg.gather [hbm4b:s4+s2], $0x80, v4, vm0, $0xb8;
	[tilespmem:$0x10200] =	vst v63  }
0xa5: {  	s9 =	simm.s32 $0x9200;
	v3 =	vadd.s32 v1, v3  }
0xa6: {  	[tilespmem:s9], [sflag:$0x1] =	stream.indirect_vreg.gather [hbm4b:s5+s2], $0x80, v4, vm0, $0xb8;
	[tilespmem:$0x10200] =	vst v63  }
0xa7: {  	s10 =	simm.s32 $0x9A00  }
0xa8: {  	[tilespmem:s10], [sflag:$0x1] =	stream.indirect_vreg.gather [hbm4b:s6+s2], $0x80, v4, vm0, $0xb8;
	[tilespmem:$0x10200] =	vst v63  }
0xa9: {  	s11 =	simm.s32 $0xA200  }
0xaa: {  	[tilespmem:s11], [sflag:$0x1] =	stream.indirect_vreg.gather [hbm4b:s3+s2], $0x80, v3, vm0, $0xb8;
	[tilespmem:$0x10200] =	vst v63  }
0xab: {  	s30 =	simm.s32 $0xAA00  }
0xac: {  	[tilespmem:s30], [sflag:$0x1] =	stream.indirect_vreg.gather [hbm4b:s4+s2], $0x80, v3, vm0, $0xb8;
	[tilespmem:$0x10200] =	vst v63  }
0xad: {  	s25 =	simm.s32 $0xB200  }
0xae: {  	[tilespmem:s25], [sflag:$0x1] =	stream.indirect_vreg.gather [hbm4b:s5+s2], $0x80, v3, vm0, $0xb8;
	[tilespmem:$0x10200] =	vst v63  }
0xaf: {  	s20 =	simm.s32 $0xBA00  }
0xb0: {  	[tilespmem:s20], [sflag:$0x1] =	stream.indirect_vreg.gather [hbm4b:s6+s2], $0x80, v3, vm0, $0xb8;
	[tilespmem:$0x10200] =	vst v63  }
0xb1: {  	v3 =	vld [tilespmem:$0xB0];
	_ =	sdelay $0x4  }
0xb2: {  	v55 =	vshll.u32 v3, $0x3  }
0xb3: {  	v3 =	vand.u32 $0x7, v3;
	v4 =	vand.u32 $0xFFFFFFC0, v55  }
0xb4: {  	v3 =	vor.u32 v3, v4  }
0xb5: {  	v4 =	vperm.xlane v3, v0;
	_ =	sdelay $0x1  }
0xb6: {  	v4 =	vadd.s32 v1, v4;
	_ =	sdelay $0x3  }
0xb7: {  	s21 =	simm.s32 $0xC200  }
0xb8: {  	[tilespmem:s21], [sflag:$0x1] =	stream.indirect_vreg.gather [hbm4b:s3+s2], $0x80, v4, vm0, $0xb8;
	[tilespmem:$0x10200] =	vst v63  }
0xb9: {  	s22 =	simm.s32 $0xCA00;
	v3 =	vperm.xlane v3, v2  }
0xba: {  	[tilespmem:s22], [sflag:$0x1] =	stream.indirect_vreg.gather [hbm4b:s4+s2], $0x80, v4, vm0, $0xb8;
	[tilespmem:$0x10200] =	vst v63  }
0xbb: {  	v3 =	vadd.s32 v1, v3;
	s21 =	simm.s32 $0xD200  }
0xbc: {  	[tilespmem:s21], [sflag:$0x1] =	stream.indirect_vreg.gather [hbm4b:s5+s2], $0x80, v4, vm0, $0xb8;
	[tilespmem:$0x10200] =	vst v63  }
0xbd: {  	s22 =	simm.s32 $0xDA00  }
0xbe: {  	[tilespmem:s22], [sflag:$0x1] =	stream.indirect_vreg.gather [hbm4b:s6+s2], $0x80, v4, vm0, $0xb8;
	[tilespmem:$0x10200] =	vst v63  }
0xbf: {  	s28 =	simm.s32 $0xE200  }
0xc0: {  	[tilespmem:s28], [sflag:$0x1] =	stream.indirect_vreg.gather [hbm4b:s3+s2], $0x80, v3, vm0, $0xb8;
	[tilespmem:$0x10200] =	vst v63  }
0xc1: {  	s30 =	simm.s32 $0xEA00  }
0xc2: {  	[tilespmem:s30], [sflag:$0x1] =	stream.indirect_vreg.gather [hbm4b:s4+s2], $0x80, v3, vm0, $0xb8;
	[tilespmem:$0x10200] =	vst v63  }
0xc3: {  	s28 =	simm.s32 $0xF200  }
0xc4: {  	[tilespmem:s28], [sflag:$0x1] =	stream.indirect_vreg.gather [hbm4b:s5+s2], $0x80, v3, vm0, $0xb8;
	[tilespmem:$0x10200] =	vst v63  }
0xc5: {  	s23 =	simm.s32 $0xFA00  }
0xc6: {  	[tilespmem:s23], [sflag:$0x1] =	stream.indirect_vreg.gather [hbm4b:s6+s2], $0x80, v3, vm0, $0xb8;
	[tilespmem:$0x10200] =	vst v63  }
0xc7: {  	_ =	swait.ge [sflag:s17], $0x10000  }
0xc8: {  	[sflag:s17] =	ssyncset.done $0x0  }
0xc9: {  	s23 =	rddreg [dreg:$0x4];
	[sflag:s17] =	ssyncadd.s32 $0xFFFF0000  }
0xca: {  	[hbm4b:s23+s2] =	stream.linear.scatter [tilespmem:s24], [sflag:$0x2], $0x10000, $0x38;
	[tilespmem:$0x10200] =	vst v63  }
0xcb: {  	_ =	swait.ge [sflag:s18], $0x10000  }
0xcc: {  	[sflag:s18] =	ssyncset.done $0x0  }
0xcd: {  	[sflag:s18] =	ssyncadd.s32 $0xFFFF0000  }
0xce: {  	v3 =	vld [tilespmem:$0x100];
	_ =	sdelay $0x4  }
0xcf: {  	v56 =	vshll.u32 v3, $0x3  }
0xd0: {  	v3 =	vand.u32 $0x7, v3;
	v4 =	vand.u32 $0xFFFFFFC0, v56  }
0xd1: {  	v3 =	vor.u32 v3, v4  }
0xd2: {  	v4 =	vperm.xlane v3, v0;
	_ =	sdelay $0x1  }
0xd3: {  	v4 =	vadd.s32 v1, v4;
	_ =	sdelay $0x4  }
0xd4: {  	[tilespmem:s24], [sflag:$0x1] =	stream.indirect_vreg.gather [hbm4b:s3+s2], $0x80, v4, vm0, $0xb8;
	[tilespmem:$0x10200] =	vst v63  }
0xd5: {  	s23 =	simm.s32 $0xA00;
	v3 =	vperm.xlane v3, v2  }
0xd6: {  	[tilespmem:s23], [sflag:$0x1] =	stream.indirect_vreg.gather [hbm4b:s4+s2], $0x80, v4, vm0, $0xb8;
	[tilespmem:$0x10200] =	vst v63  }
0xd7: {  	s29 =	simm.s32 $0x1200;
	v3 =	vadd.s32 v1, v3  }
0xd8: {  	[tilespmem:s29], [sflag:$0x1] =	stream.indirect_vreg.gather [hbm4b:s5+s2], $0x80, v4, vm0, $0xb8;
	[tilespmem:$0x10200] =	vst v63  }
0xd9: {  	s31 =	simm.s32 $0x1A00  }
0xda: {  	[tilespmem:s31], [sflag:$0x1] =	stream.indirect_vreg.gather [hbm4b:s6+s2], $0x80, v4, vm0, $0xb8;
	[tilespmem:$0x10200] =	vst v63  }
0xdb: {  	s31 =	simm.s32 $0x2200  }
0xdc: {  	[tilespmem:s31], [sflag:$0x1] =	stream.indirect_vreg.gather [hbm4b:s3+s2], $0x80, v3, vm0, $0xb8;
	[tilespmem:$0x10200] =	vst v63  }
0xdd: {  	s23 =	simm.s32 $0x2A00  }
0xde: {  	[tilespmem:s23], [sflag:$0x1] =	stream.indirect_vreg.gather [hbm4b:s4+s2], $0x80, v3, vm0, $0xb8;
	[tilespmem:$0x10200] =	vst v63  }
0xdf: {  	s31 =	simm.s32 $0x3200  }
0xe0: {  	[tilespmem:s31], [sflag:$0x1] =	stream.indirect_vreg.gather [hbm4b:s5+s2], $0x80, v3, vm0, $0xb8;
	[tilespmem:$0x10200] =	vst v63  }
0xe1: {  	s23 =	simm.s32 $0x3A00  }
0xe2: {  	[tilespmem:s23], [sflag:$0x1] =	stream.indirect_vreg.gather [hbm4b:s6+s2], $0x80, v3, vm0, $0xb8;
	[tilespmem:$0x10200] =	vst v63  }
0xe3: {  	v3 =	vld [tilespmem:$0x110];
	_ =	sdelay $0x4  }
0xe4: {  	v57 =	vshll.u32 v3, $0x3  }
0xe5: {  	v3 =	vand.u32 $0x7, v3;
	v4 =	vand.u32 $0xFFFFFFC0, v57  }
0xe6: {  	v3 =	vor.u32 v3, v4  }
0xe7: {  	v4 =	vperm.xlane v3, v0;
	_ =	sdelay $0x1  }
0xe8: {  	v4 =	vadd.s32 v1, v4;
	_ =	sdelay $0x4  }
0xe9: {  	[tilespmem:s15], [sflag:$0x1] =	stream.indirect_vreg.gather [hbm4b:s3+s2], $0x80, v4, vm0, $0xb8;
	[tilespmem:$0x10200] =	vst v63  }
0xea: {  	s31 =	simm.s32 $0x4A00;
	v3 =	vperm.xlane v3, v2  }
0xeb: {  	[tilespmem:s31], [sflag:$0x1] =	stream.indirect_vreg.gather [hbm4b:s4+s2], $0x80, v4, vm0, $0xb8;
	[tilespmem:$0x10200] =	vst v63  }
0xec: {  	s23 =	simm.s32 $0x5200;
	v3 =	vadd.s32 v1, v3  }
0xed: {  	[tilespmem:s23], [sflag:$0x1] =	stream.indirect_vreg.gather [hbm4b:s5+s2], $0x80, v4, vm0, $0xb8;
	[tilespmem:$0x10200] =	vst v63  }
0xee: {  	_ = 	snop  }
0xef: {  	[tilespmem:s16], [sflag:$0x1] =	stream.indirect_vreg.gather [hbm4b:s6+s2], $0x80, v4, vm0, $0xb8;
	[tilespmem:$0x10200] =	vst v63  }
0xf0: {  	_ = 	snop  }
0xf1: {  	[tilespmem:s0], [sflag:$0x1] =	stream.indirect_vreg.gather [hbm4b:s3+s2], $0x80, v3, vm0, $0xb8;
	[tilespmem:$0x10200] =	vst v63  }
0xf2: {  	_ = 	snop  }
0xf3: {  	[tilespmem:s1], [sflag:$0x1] =	stream.indirect_vreg.gather [hbm4b:s4+s2], $0x80, v3, vm0, $0xb8;
	[tilespmem:$0x10200] =	vst v63  }
0xf4: {  	_ = 	snop  }
0xf5: {  	[tilespmem:s8], [sflag:$0x1] =	stream.indirect_vreg.gather [hbm4b:s5+s2], $0x80, v3, vm0, $0xb8;
	[tilespmem:$0x10200] =	vst v63  }
0xf6: {  	_ = 	snop  }
0xf7: {  	[tilespmem:s12], [sflag:$0x1] =	stream.indirect_vreg.gather [hbm4b:s6+s2], $0x80, v3, vm0, $0xb8;
	[tilespmem:$0x10200] =	vst v63  }
0xf8: {  	v3 =	vld [tilespmem:$0x120];
	_ =	sdelay $0x4  }
0xf9: {  	v58 =	vshll.u32 v3, $0x3  }
0xfa: {  	v3 =	vand.u32 $0x7, v3;
	v4 =	vand.u32 $0xFFFFFFC0, v58  }
0xfb: {  	v3 =	vor.u32 v3, v4  }
0xfc: {  	v4 =	vperm.xlane v3, v0;
	_ =	sdelay $0x1  }
0xfd: {  	v4 =	vadd.s32 v1, v4;
	_ =	sdelay $0x4  }
0xfe: {  	[tilespmem:s13], [sflag:$0x1] =	stream.indirect_vreg.gather [hbm4b:s3+s2], $0x80, v4, vm0, $0xb8;
	[tilespmem:$0x10200] =	vst v63  }
0xff: {  	v3 =	vperm.xlane v3, v2  }
0x100: {  	[tilespmem:s14], [sflag:$0x1] =	stream.indirect_vreg.gather [hbm4b:s4+s2], $0x80, v4, vm0, $0xb8;
	[tilespmem:$0x10200] =	vst v63  }
0x101: {  	v3 =	vadd.s32 v1, v3  }
0x102: {  	[tilespmem:s9], [sflag:$0x1] =	stream.indirect_vreg.gather [hbm4b:s5+s2], $0x80, v4, vm0, $0xb8;
	[tilespmem:$0x10200] =	vst v63  }
0x103: {  	_ = 	snop  }
0x104: {  	[tilespmem:s10], [sflag:$0x1] =	stream.indirect_vreg.gather [hbm4b:s6+s2], $0x80, v4, vm0, $0xb8;
	[tilespmem:$0x10200] =	vst v63  }
0x105: {  	_ = 	snop  }
0x106: {  	[tilespmem:s11], [sflag:$0x1] =	stream.indirect_vreg.gather [hbm4b:s3+s2], $0x80, v3, vm0, $0xb8;
	[tilespmem:$0x10200] =	vst v63  }
0x107: {  	s26 =	simm.s32 $0xAA00  }
0x108: {  	[tilespmem:s26], [sflag:$0x1] =	stream.indirect_vreg.gather [hbm4b:s4+s2], $0x80, v3, vm0, $0xb8;
	[tilespmem:$0x10200] =	vst v63  }
0x109: {  	s25 =	simm.s32 $0xB200  }
0x10a: {  	[tilespmem:s25], [sflag:$0x1] =	stream.indirect_vreg.gather [hbm4b:s5+s2], $0x80, v3, vm0, $0xb8;
	[tilespmem:$0x10200] =	vst v63  }
0x10b: {  	s26 =	simm.s32 $0xBA00  }
0x10c: {  	[tilespmem:s26], [sflag:$0x1] =	stream.indirect_vreg.gather [hbm4b:s6+s2], $0x80, v3, vm0, $0xb8;
	[tilespmem:$0x10200] =	vst v63  }
0x10d: {  	v3 =	vld [tilespmem:$0x130];
	_ =	sdelay $0x4  }
0x10e: {  	v59 =	vshll.u32 v3, $0x3  }
0x10f: {  	v3 =	vand.u32 $0x7, v3;
	v4 =	vand.u32 $0xFFFFFFC0, v59  }
0x110: {  	v3 =	vor.u32 v3, v4  }
0x111: {  	v4 =	vperm.xlane v3, v0;
	_ =	sdelay $0x1  }
0x112: {  	v4 =	vadd.s32 v1, v4;
	_ =	sdelay $0x3  }
0x113: {  	s25 =	simm.s32 $0xC200  }
0x114: {  	[tilespmem:s25], [sflag:$0x1] =	stream.indirect_vreg.gather [hbm4b:s3+s2], $0x80, v4, vm0, $0xb8;
	[tilespmem:$0x10200] =	vst v63  }
0x115: {  	s26 =	simm.s32 $0xCA00;
	v3 =	vperm.xlane v3, v2  }
0x116: {  	[tilespmem:s26], [sflag:$0x1] =	stream.indirect_vreg.gather [hbm4b:s4+s2], $0x80, v4, vm0, $0xb8;
	[tilespmem:$0x10200] =	vst v63  }
0x117: {  	s20 =	simm.s32 $0xD200;
	v3 =	vadd.s32 v1, v3  }
0x118: {  	[tilespmem:s20], [sflag:$0x1] =	stream.indirect_vreg.gather [hbm4b:s5+s2], $0x80, v4, vm0, $0xb8;
	[tilespmem:$0x10200] =	vst v63  }
0x119: {  	s21 =	simm.s32 $0xDA00  }
0x11a: {  	[tilespmem:s21], [sflag:$0x1] =	stream.indirect_vreg.gather [hbm4b:s6+s2], $0x80, v4, vm0, $0xb8;
	[tilespmem:$0x10200] =	vst v63  }
0x11b: {  	s22 =	simm.s32 $0xE200  }
0x11c: {  	[tilespmem:s22], [sflag:$0x1] =	stream.indirect_vreg.gather [hbm4b:s3+s2], $0x80, v3, vm0, $0xb8;
	[tilespmem:$0x10200] =	vst v63  }
0x11d: {  	s30 =	simm.s32 $0xEA00  }
0x11e: {  	[tilespmem:s30], [sflag:$0x1] =	stream.indirect_vreg.gather [hbm4b:s4+s2], $0x80, v3, vm0, $0xb8;
	[tilespmem:$0x10200] =	vst v63  }
0x11f: {  	s28 =	simm.s32 $0xF200  }
0x120: {  	[tilespmem:s28], [sflag:$0x1] =	stream.indirect_vreg.gather [hbm4b:s5+s2], $0x80, v3, vm0, $0xb8;
	[tilespmem:$0x10200] =	vst v63  }
0x121: {  	s28 =	simm.s32 $0xFA00  }
0x122: {  	[tilespmem:s28], [sflag:$0x1] =	stream.indirect_vreg.gather [hbm4b:s6+s2], $0x80, v3, vm0, $0xb8;
	[tilespmem:$0x10200] =	vst v63  }
0x123: {  	_ =	swait.ge [sflag:s17], $0x10000  }
0x124: {  	[sflag:s17] =	ssyncset.done $0x0  }
0x125: {  	s30 =	rddreg [dreg:$0x5];
	[sflag:s17] =	ssyncadd.s32 $0xFFFF0000  }
0x126: {  	[hbm4b:s30+s2] =	stream.linear.scatter [tilespmem:s24], [sflag:$0x2], $0x10000, $0x38;
	[tilespmem:$0x10200] =	vst v63  }
0x127: {  	_ =	swait.ge [sflag:s18], $0x10000  }
0x128: {  	[sflag:s18] =	ssyncset.done $0x0  }
0x129: {  	[sflag:s18] =	ssyncadd.s32 $0xFFFF0000  }
0x12a: {  	v3 =	vld [tilespmem:$0x180];
	_ =	sdelay $0x4  }
0x12b: {  	v60 =	vshll.u32 v3, $0x3  }
0x12c: {  	v3 =	vand.u32 $0x7, v3;
	v4 =	vand.u32 $0xFFFFFFC0, v60  }
0x12d: {  	v3 =	vor.u32 v3, v4  }
0x12e: {  	v4 =	vperm.xlane v3, v0;
	_ =	sdelay $0x1  }
0x12f: {  	v4 =	vadd.s32 v1, v4;
	_ =	sdelay $0x4  }
0x130: {  	[tilespmem:s24], [sflag:$0x1] =	stream.indirect_vreg.gather [hbm4b:s3+s2], $0x80, v4, vm0, $0xb8;
	[tilespmem:$0x10200] =	vst v63  }
0x131: {  	s30 =	simm.s32 $0xA00;
	v3 =	vperm.xlane v3, v2  }
0x132: {  	[tilespmem:s30], [sflag:$0x1] =	stream.indirect_vreg.gather [hbm4b:s4+s2], $0x80, v4, vm0, $0xb8;
	[tilespmem:$0x10200] =	vst v63  }
0x133: {  	s29 =	simm.s32 $0x1200;
	v3 =	vadd.s32 v1, v3  }
0x134: {  	[tilespmem:s29], [sflag:$0x1] =	stream.indirect_vreg.gather [hbm4b:s5+s2], $0x80, v4, vm0, $0xb8;
	[tilespmem:$0x10200] =	vst v63  }
0x135: {  	s29 =	simm.s32 $0x1A00  }
0x136: {  	[tilespmem:s29], [sflag:$0x1] =	stream.indirect_vreg.gather [hbm4b:s6+s2], $0x80, v4, vm0, $0xb8;
	[tilespmem:$0x10200] =	vst v63  }
0x137: {  	s30 =	simm.s32 $0x2200  }
0x138: {  	[tilespmem:s30], [sflag:$0x1] =	stream.indirect_vreg.gather [hbm4b:s3+s2], $0x80, v3, vm0, $0xb8;
	[tilespmem:$0x10200] =	vst v63  }
0x139: {  	s29 =	simm.s32 $0x2A00  }
0x13a: {  	[tilespmem:s29], [sflag:$0x1] =	stream.indirect_vreg.gather [hbm4b:s4+s2], $0x80, v3, vm0, $0xb8;
	[tilespmem:$0x10200] =	vst v63  }
0x13b: {  	s30 =	simm.s32 $0x3200  }
0x13c: {  	[tilespmem:s30], [sflag:$0x1] =	stream.indirect_vreg.gather [hbm4b:s5+s2], $0x80, v3, vm0, $0xb8;
	[tilespmem:$0x10200] =	vst v63  }
0x13d: {  	s29 =	simm.s32 $0x3A00  }
0x13e: {  	[tilespmem:s29], [sflag:$0x1] =	stream.indirect_vreg.gather [hbm4b:s6+s2], $0x80, v3, vm0, $0xb8;
	[tilespmem:$0x10200] =	vst v63  }
0x13f: {  	v3 =	vld [tilespmem:$0x190];
	_ =	sdelay $0x4  }
0x140: {  	v61 =	vshll.u32 v3, $0x3  }
0x141: {  	v3 =	vand.u32 $0x7, v3;
	v4 =	vand.u32 $0xFFFFFFC0, v61  }
0x142: {  	v3 =	vor.u32 v3, v4  }
0x143: {  	v4 =	vperm.xlane v3, v0;
	_ =	sdelay $0x1  }
0x144: {  	v4 =	vadd.s32 v1, v4;
	_ =	sdelay $0x3  }
0x145: {  	s15 =	simm.s32 $0x4200  }
0x146: {  	[tilespmem:s15], [sflag:$0x1] =	stream.indirect_vreg.gather [hbm4b:s3+s2], $0x80, v4, vm0, $0xb8;
	[tilespmem:$0x10200] =	vst v63  }
0x147: {  	s30 =	simm.s32 $0x4A00;
	v3 =	vperm.xlane v3, v2  }
0x148: {  	[tilespmem:s30], [sflag:$0x1] =	stream.indirect_vreg.gather [hbm4b:s4+s2], $0x80, v4, vm0, $0xb8;
	[tilespmem:$0x10200] =	vst v63  }
0x149: {  	s19 =	simm.s32 $0x5200;
	v3 =	vadd.s32 v1, v3  }
0x14a: {  	[tilespmem:s19], [sflag:$0x1] =	stream.indirect_vreg.gather [hbm4b:s5+s2], $0x80, v4, vm0, $0xb8;
	[tilespmem:$0x10200] =	vst v63  }
0x14b: {  	s16 =	simm.s32 $0x5A00  }
0x14c: {  	[tilespmem:s16], [sflag:$0x1] =	stream.indirect_vreg.gather [hbm4b:s6+s2], $0x80, v4, vm0, $0xb8;
	[tilespmem:$0x10200] =	vst v63  }
0x14d: {  	s0 =	simm.s32 $0x6200  }
0x14e: {  	[tilespmem:s0], [sflag:$0x1] =	stream.indirect_vreg.gather [hbm4b:s3+s2], $0x80, v3, vm0, $0xb8;
	[tilespmem:$0x10200] =	vst v63  }
0x14f: {  	s1 =	simm.s32 $0x6A00  }
0x150: {  	[tilespmem:s1], [sflag:$0x1] =	stream.indirect_vreg.gather [hbm4b:s4+s2], $0x80, v3, vm0, $0xb8;
	[tilespmem:$0x10200] =	vst v63  }
0x151: {  	s8 =	simm.s32 $0x7200  }
0x152: {  	[tilespmem:s8], [sflag:$0x1] =	stream.indirect_vreg.gather [hbm4b:s5+s2], $0x80, v3, vm0, $0xb8;
	[tilespmem:$0x10200] =	vst v63  }
0x153: {  	s12 =	simm.s32 $0x7A00  }
0x154: {  	[tilespmem:s12], [sflag:$0x1] =	stream.indirect_vreg.gather [hbm4b:s6+s2], $0x80, v3, vm0, $0xb8;
	[tilespmem:$0x10200] =	vst v63  }
0x155: {  	v3 =	vld [tilespmem:$0x1A0];
	_ =	sdelay $0x4  }
0x156: {  	v62 =	vshll.u32 v3, $0x3  }
0x157: {  	v3 =	vand.u32 $0x7, v3;
	v4 =	vand.u32 $0xFFFFFFC0, v62  }
0x158: {  	v3 =	vor.u32 v3, v4  }
0x159: {  	v4 =	vperm.xlane v3, v0;
	_ =	sdelay $0x1  }
0x15a: {  	v4 =	vadd.s32 v1, v4;
	_ =	sdelay $0x3  }
0x15b: {  	s13 =	simm.s32 $0x8200  }
0x15c: {  	[tilespmem:s13], [sflag:$0x1] =	stream.indirect_vreg.gather [hbm4b:s3+s2], $0x80, v4, vm0, $0xb8;
	[tilespmem:$0x10200] =	vst v63  }
0x15d: {  	s14 =	simm.s32 $0x8A00;
	v3 =	vperm.xlane v3, v2  }
0x15e: {  	[tilespmem:s14], [sflag:$0x1] =	stream.indirect_vreg.gather [hbm4b:s4+s2], $0x80, v4, vm0, $0xb8;
	[tilespmem:$0x10200] =	vst v63  }
0x15f: {  	s9 =	simm.s32 $0x9200;
	v3 =	vadd.s32 v1, v3  }
0x160: {  	[tilespmem:s9], [sflag:$0x1] =	stream.indirect_vreg.gather [hbm4b:s5+s2], $0x80, v4, vm0, $0xb8;
	[tilespmem:$0x10200] =	vst v63  }
0x161: {  	s10 =	simm.s32 $0x9A00  }
0x162: {  	[tilespmem:s10], [sflag:$0x1] =	stream.indirect_vreg.gather [hbm4b:s6+s2], $0x80, v4, vm0, $0xb8;
	[tilespmem:$0x10200] =	vst v63  }
0x163: {  	s11 =	simm.s32 $0xA200  }
0x164: {  	[tilespmem:s11], [sflag:$0x1] =	stream.indirect_vreg.gather [hbm4b:s3+s2], $0x80, v3, vm0, $0xb8;
	[tilespmem:$0x10200] =	vst v63  }
0x165: {  	s31 =	simm.s32 $0xAA00  }
0x166: {  	[tilespmem:s31], [sflag:$0x1] =	stream.indirect_vreg.gather [hbm4b:s4+s2], $0x80, v3, vm0, $0xb8;
	[tilespmem:$0x10200] =	vst v63  }
0x167: {  	s23 =	simm.s32 $0xB200  }
0x168: {  	[tilespmem:s23], [sflag:$0x1] =	stream.indirect_vreg.gather [hbm4b:s5+s2], $0x80, v3, vm0, $0xb8;
	[tilespmem:$0x10200] =	vst v63  }
0x169: {  	s23 =	simm.s32 $0xBA00  }
0x16a: {  	[tilespmem:s23], [sflag:$0x1] =	stream.indirect_vreg.gather [hbm4b:s6+s2], $0x80, v3, vm0, $0xb8;
	[tilespmem:$0x10200] =	vst v63  }
0x16b: {  	v3 =	vld [tilespmem:$0x1B0];
	_ =	sdelay $0x4  }
0x16c: {  	v63 =	vshll.u32 v3, $0x3  }
0x16d: {  	v3 =	vand.u32 $0x7, v3;
	v4 =	vand.u32 $0xFFFFFFC0, v63  }
0x16e: {  	v3 =	vor.u32 v3, v4  }
0x16f: {  	v4 =	vperm.xlane v3, v0;
	_ =	sdelay $0x1  }
0x170: {  	v4 =	vadd.s32 v1, v4;
	_ =	sdelay $0x3  }
0x171: {  	s29 =	simm.s32 $0xC200  }
0x172: {  	[tilespmem:s29], [sflag:$0x1] =	stream.indirect_vreg.gather [hbm4b:s3+s2], $0x80, v4, vm0, $0xb8;
	[tilespmem:$0x10200] =	vst v63  }
0x173: {  	s30 =	simm.s32 $0xCA00;
	v3 =	vperm.xlane v3, v2  }
0x174: {  	[tilespmem:s30], [sflag:$0x1] =	stream.indirect_vreg.gather [hbm4b:s4+s2], $0x80, v4, vm0, $0xb8;
	[tilespmem:$0x10200] =	vst v63  }
0x175: {  	s25 =	simm.s32 $0xD200;
	v3 =	vadd.s32 v1, v3  }
0x176: {  	[tilespmem:s25], [sflag:$0x1] =	stream.indirect_vreg.gather [hbm4b:s5+s2], $0x80, v4, vm0, $0xb8;
	[tilespmem:$0x10200] =	vst v63  }
0x177: {  	s20 =	simm.s32 $0xDA00  }
0x178: {  	[tilespmem:s20], [sflag:$0x1] =	stream.indirect_vreg.gather [hbm4b:s6+s2], $0x80, v4, vm0, $0xb8;
	[tilespmem:$0x10200] =	vst v63  }
0x179: {  	s21 =	simm.s32 $0xE200  }
0x17a: {  	[tilespmem:s21], [sflag:$0x1] =	stream.indirect_vreg.gather [hbm4b:s3+s2], $0x80, v3, vm0, $0xb8;
	[tilespmem:$0x10200] =	vst v63  }
0x17b: {  	s26 =	simm.s32 $0xEA00  }
0x17c: {  	[tilespmem:s26], [sflag:$0x1] =	stream.indirect_vreg.gather [hbm4b:s4+s2], $0x80, v3, vm0, $0xb8;
	[tilespmem:$0x10200] =	vst v63  }
0x17d: {  	s22 =	simm.s32 $0xF200  }
0x17e: {  	[tilespmem:s22], [sflag:$0x1] =	stream.indirect_vreg.gather [hbm4b:s5+s2], $0x80, v3, vm0, $0xb8;
	[tilespmem:$0x10200] =	vst v63  }
0x17f: {  	s28 =	simm.s32 $0xFA00  }
0x180: {  	[tilespmem:s28], [sflag:$0x1] =	stream.indirect_vreg.gather [hbm4b:s6+s2], $0x80, v3, vm0, $0xb8;
	[tilespmem:$0x10200] =	vst v63  }
0x181: {  	_ =	swait.ge [sflag:s17], $0x10000  }
0x182: {  	p0 =	sne.s32 s7, $0x1;
	[sflag:s17] =	ssyncset.done $0x0  }
.Ltmp0:
0x183: {  	s31 =	rddreg [dreg:$0x6];
	[sflag:s17] =	ssyncadd.s32 $0xFFFF0000;
	(pc) =	sbr.rel @p0 .LBB2_1-.Ltmp0, $4  }
0x184: {  	[hbm4b:s31+s2] =	stream.linear.scatter [tilespmem:s24], [sflag:$0x2], $0x10000, $0x38;
	[tilespmem:$0x10200] =	vst v63  }
0x185: {  	_ =	swait.ge [sflag:s18], $0x10000  }
0x186: {  	[sflag:s18] =	ssyncset.done $0x0  }
0x187: {  	s7 =	sadd.s32 $0xFFFFFFFF, s7;
	[sflag:s18] =	ssyncadd.s32 $0xFFFF0000  }
0x188: {  	_ =	sfence.sel $0x180000  }
0x189: {  	[bflag:$0x0] =	sbarrier.arrive $0xFFFF  }
0x18a: {  	_ =	strace $0x9000004A  }
0x18b: {  	s0 =	stileid.u32;
	[bflag:$0x2] =	sbarrier.arrive $0xFFFF  }
0x18c: {  	p0 =	sne.s32 s0, $0x0;
	s0 =	rddreg [dreg:$0x1]  }
0x18d: {  	s0 =	sadd.s32 @!p0 $0x100000, s0  }
0x18e: {  	[sflag:s0] =	ssyncadd.tile.s32 @!p0 $0x1;
	_ =	shalt  }
.Lfunc_end2:
_tile_overlayer_lowered:
.L_overlay_start_2:
0x18f: {  	(tag) =	ssettag $0x2  }
0x190: {  	s0 =	rddreg [dreg:$0x0];
	s2 =	stileid.u32  }
0x191: {  	s1 =	rddreg [dreg:$0x1];
	p0 =	sne.s32 s2, $0x0  }
0x192: {  	s3 =	rddreg [dreg:$0x2];
	[bflag:$0x3] =	sbarrier.arrive $0xFFFF;
	s2 =	simm.s32 @!p0 $0x1C03  }
0x193: {  	[timem:s3], [sflag:s2] =	dma.local @!p0 [hbm:s0], s1  }
0x194: {  	s0 =	simm.s32 @!p0 $0x3  }
0x195: {  	_ =	swait.ge @!p0 [sflag:s0], s1  }
0x196: {  	s1 =	ssub.s32 @!p0 $0x0, s1;
	[sflag:s0] =	ssyncset.done @!p0 $0x0  }
0x197: {  	[sflag:s0] =	ssyncadd.s32 @!p0 s1  }
0x198: {  	[bflag:$0x3] =	sbarrier.arrive $0xFFFF  }
0x199: {  	_ =	shalt  }

// kernel: kernel.8.cloned.1.call-start
scs
__scs_entry_jumppad:
0x0: {  	(pc) =	sbr.rel $0x88, $3  }
0x1: {  	(tag) =	ssettag $0x0;
	lr =	simm.s32 $0x1  }
0x2: {  	[smem:$0x3F92] =	sst lr;
	_ =	strace $0xD0000000  }
0x3: {  	_ = 	snop  }
0x4: {  	_ = 	snop  }
0x5: {  	_ = 	snop  }
0x6: {  	_ = 	snop  }
0x7: {  	_ = 	snop  }
__scs_overlays_trampoline_lowered:
0x8: {  	[smem:$0x3FA1] =	sst s0  }
0x9: {  	[smem:$0x3FA2] =	sst s1  }
0xa: {  	[smem:$0x3FA3] =	sst s2  }
0xb: {  	[smem:$0x3FA4] =	sst s3  }
0xc: {  	[smem:$0x3FA5] =	sst s4  }
0xd: {  	[smem:$0x3FA6] =	sst s5  }
0xe: {  	[smem:$0x3FA7] =	sst s6  }
0xf: {  	[smem:$0x3FA8] =	sst s7  }
0x10: {  	[smem:$0x3FA9] =	sst s8  }
0x11: {  	[smem:$0x3FAA] =	sst s9;
	s0 =	simm.s32 @!p0 $0x0  }
0x12: {  	s1 =	sld [smem:$0x3F90];
	s0 =	simm.s32 @p0 $0x1  }
0x13: {  	[smem:$0x3FAB] =	sst s0;
	s0 =	simm.s32 @!p1 $0x0  }
0x14: {  	s2 =	sld [smem:$0x3F8F];
	s0 =	simm.s32 @p1 $0x1  }
0x15: {  	[smem:$0x3FAC] =	sst s0;
	s0 =	simm.s32 @!p2 $0x0  }
0x16: {  	s3 =	sld [smem:$0x3FDB];
	s0 =	simm.s32 @p2 $0x1  }
0x17: {  	s4 =	simm.s32 $0x1BF5;
	[smem:$0x3FAE] =	sst s0  }
0x18: {  	s0 =	sld [smem:$0x3F91];
	_ =	swait.ge [sflag:s4], $0x0  }
0x19: {  	s7 =	sld [smem:$0x3F92]  }
0x1a: {  	s8 =	sadd.s32 $0xFFFFE003, lr  }
0x1b: {  	s9 =	sadd.s32 $0xFFFFFEF7, lr;
	s5 =	simm.s32 $0xFFFFFFFF;
	p2 =	slt.u32 s8, $0xFFFFF086  }
0x1c: {  	p1 =	slt.u32 s9, $0xF7A;
	s5 =	simm.s32 @!p2 $0x0  }
0x1d: {  	s5 =	simm.s32 @p1 $0x1;
	p0 =	seq.s32 s7, s2  }
0x1e: {  	s7 =	smul.u32 @!p0 $0xF7A, s2;
	p2 =	seq.s32 @!p0 s5, $0x0  }
0x1f: {  	s9 =	smul.u32 $0xF7A, s1;
	s8 =	simm.s32 @!p0 $0x1BF5;
	p2 =	por !p2, p0  }
0x20: {  	[sflag:s8] =	ssyncset.s32 @!p0 $0xFFFFF086;
	s6 =	sadd.s32 @!p0 s3, s7;
	s7 =	simm.s32 @!p0 $0x108  }
0x21: {  	s3 =	sadd.s32 s3, s9;
	s6 =	sadd.s32 @!p0 $0x88, s6;
	s7 =	simm.s32 @p2 $0x1082  }
0x22: {  	[simem:s7], [sflag:s8] =	dma.local @!p0 [hbm:s6], $0xF7A  }
0x23: {  	s9 =	sor.u32 $0xD0000000, s2;
	s6 =	simm.s32 $0x108;
	_ =	swait.ge @!p0 [sflag:s8], $0x0  }
0x24: {  	s3 =	sadd.s32 $0x88, s3;
	s6 =	simm.s32 @!p1 $0x1082;
	[sflag:s4] =	ssyncset.s32 $0xFFFFF086  }
0x25: {  	[simem:s6], [sflag:s4] =	dma.local [hbm:s3], $0xF7A  }
0x26: {  	[smem:$0x3F92] =	sst s1;
	(tag) =	ssettag s2;
	_ =	strace s9  }
0x27: {  	s1 =	sld [smem:$0x3FA2]  }
0x28: {  	s2 =	sld [smem:$0x3FA3]  }
0x29: {  	s4 =	sld [smem:$0x3FA5]  }
0x2a: {  	p0 =	seq.s32 s5, $0x0;
	s5 =	sld [smem:$0x3FA6]  }
0x2b: {  	s6 =	sld [smem:$0x3FA7]  }
0x2c: {  	s7 =	sld [smem:$0x3FA8]  }
0x2d: {  	s3 =	simm.s32 $0x108;
	s8 =	sld [smem:$0x3FA9]  }
0x2e: {  	s3 =	simm.s32 @!p0 $0x1082;
	s9 =	sld [smem:$0x3FAA]  }
0x2f: {  	lr =	sadd.s32 s0, s3;
	s0 =	sld [smem:$0x3FA1]  }
0x30: {  	s3 =	sld [smem:$0x3FA4]  }
0x31: {  	[smem:$0x3FAD] =	sst s10  }
0x32: {  	s10 =	sld [smem:$0x3FAB];
	_ =	sdelay $0x3  }
0x33: {  	p0 =	seq.s32 s10, $0x1;
	s10 =	sld [smem:$0x3FAD];
	_ =	sdelay $0x3  }
0x34: {  	[smem:$0x3FAD] =	sst s10  }
0x35: {  	s10 =	sld [smem:$0x3FAC];
	_ =	sdelay $0x3  }
0x36: {  	p1 =	seq.s32 s10, $0x1;
	s10 =	sld [smem:$0x3FAD];
	_ =	sdelay $0x3  }
0x37: {  	[smem:$0x3FAD] =	sst s10  }
0x38: {  	s10 =	sld [smem:$0x3FAE]  }
0x39: {  	_ = 	snop;
	(pc) =	sbr.ind lr, $3  }
0x3a: {  	_ = 	snop  }
0x3b: {  	_ = 	snop  }
0x3c: {  	p2 =	seq.s32 s10, $0x1;
	s10 =	sld [smem:$0x3FAD]  }
0x3d: {  	_ =	shalt  }
0x3e: {  	_ =	shalt  }
0x3f: {  	_ =	shalt  }
0x40: {  	_ =	shalt  }
0x41: {  	_ =	shalt  }
0x42: {  	_ =	shalt  }
0x43: {  	_ =	shalt  }
0x44: {  	_ =	shalt  }
0x45: {  	_ =	shalt  }
0x46: {  	_ =	shalt  }
0x47: {  	_ =	shalt  }
0x48: {  	_ =	shalt  }
0x49: {  	_ =	shalt  }
0x4a: {  	_ =	shalt  }
0x4b: {  	_ =	shalt  }
0x4c: {  	_ =	shalt  }
0x4d: {  	_ =	shalt  }
0x4e: {  	_ =	shalt  }
0x4f: {  	_ =	shalt  }
0x50: {  	_ =	shalt  }
0x51: {  	_ =	shalt  }
0x52: {  	_ =	shalt  }
0x53: {  	_ =	shalt  }
0x54: {  	_ =	shalt  }
0x55: {  	_ =	shalt  }
0x56: {  	_ =	shalt  }
0x57: {  	_ =	shalt  }
0x58: {  	_ =	shalt  }
0x59: {  	_ =	shalt  }
0x5a: {  	_ =	shalt  }
0x5b: {  	_ =	shalt  }
0x5c: {  	_ =	shalt  }
0x5d: {  	_ =	shalt  }
0x5e: {  	_ =	shalt  }
0x5f: {  	_ =	shalt  }
0x60: {  	_ =	shalt  }
0x61: {  	_ =	shalt  }
0x62: {  	_ =	shalt  }
0x63: {  	_ =	shalt  }
0x64: {  	_ =	shalt  }
0x65: {  	_ =	shalt  }
0x66: {  	_ =	shalt  }
0x67: {  	_ =	shalt  }
0x68: {  	_ =	shalt  }
0x69: {  	_ =	shalt  }
0x6a: {  	_ =	shalt  }
0x6b: {  	_ =	shalt  }
0x6c: {  	_ =	shalt  }
0x6d: {  	_ =	shalt  }
0x6e: {  	_ =	shalt  }
0x6f: {  	_ =	shalt  }
0x70: {  	_ =	shalt  }
0x71: {  	_ =	shalt  }
0x72: {  	_ =	shalt  }
0x73: {  	_ =	shalt  }
0x74: {  	_ =	shalt  }
0x75: {  	_ =	shalt  }
0x76: {  	_ =	shalt  }
0x77: {  	_ =	shalt  }
0x78: {  	_ =	shalt  }
0x79: {  	_ =	shalt  }
0x7a: {  	_ =	shalt  }
0x7b: {  	_ =	shalt  }
0x7c: {  	_ =	shalt  }
0x7d: {  	_ =	shalt  }
0x7e: {  	_ =	shalt  }
0x7f: {  	_ =	shalt  }
0x80: {  	_ =	shalt  }
0x81: {  	_ =	shalt  }
0x82: {  	_ =	shalt  }
0x83: {  	_ =	shalt  }
0x84: {  	_ =	shalt  }
0x85: {  	_ =	shalt  }
0x86: {  	_ =	shalt  }
0x87: {  	_ =	shalt  }
.Lfunc_end0:
.L_simem_size_0:
called_computation_lowered:
.L_overlay_start_0:
0x88: {  	s2 =	sld [smem:$0x3FD9]  }
0x89: {  	s3 =	sld [smem:$0x3FFE];
	_ =	sdelay $0x1  }
0x8a: {  	s1 =	srdreg.scid  }
0x8b: {  	s0 =	sand.u32 $0x1, s1  }
0x8c: {  	s17 =	sshll.u32 s0, $0xA;
	s2 =	sadd.s32 s3, s2  }
0x8d: {  	s2 =	sadd.s32 s2, s17  }
0x8e: {  	[smem:$0x3FB9] =	sst s2  }
0x8f: {  	_ = 	snop  }
0x90: {  	s2 =	sld [smem:$0x3FC9]  }
0x91: {  	s18 =	sld [smem:$0x3FD0];
	(tm) =	ssettm $0x1  }
0x92: {  	s4 =	sld [smem:$0x3FFB];
	_ =	sdelay $0x3  }
0x93: {  	_ =	strace s4  }
0x94: {  	s4 =	sld [smem:$0x3FFC];
	_ =	sdelay $0x3  }
0x95: {  	_ =	strace s4  }
0x96: {  	s4 =	sld [smem:$0x3FFD];
	_ =	sdelay $0x3  }
0x97: {  	_ =	strace s4  }
0x98: {  	_ =	strace $0x8FFFFFFF  }
0x99: {  	s19 =	sld [smem:$0x3FDB];
	_ =	sdelay $0x1  }
0x9a: {  	s5 =	simm.s32 $_scs_section_size  }
0x9b: {  	s6 =	simm.s32 $_size__tile_overlayer_lowered;
	s7 =	simm.s32 $_tile_overlayer_lowered  }
0x9c: {  	s22 =	simm.s32 $0x1BFF;
	s21 =	sshll.u32 s7, $0x1;
	s4 =	sadd.s32 s5, s19  }
0x9d: {  	s8 =	simm.s32 $0x0;
	s20 =	sshll.u32 s6, $0x1;
	s6 =	sadd.s32 s21, s4  }
0x9e: {  	[timem:s8], [sflag:s22] =	dma.local [hbm:s6], s20  }
0x9f: {  	_ =	swait.ge [sflag:s22], s20  }
0xa0: {  	s5 =	ssub.s32 $0x0, s20;
	[sflag:s22] =	ssyncset.done $0x0  }
0xa1: {  	[sflag:s22] =	ssyncadd.s32 s5;
	_ =	sdelay $0x1  }
0xa2: {  	s23 =	simm.s32 $0x1B8B  }
0xa3: {  	_ =	swait.ge [sflag:s23], $0x1  }
0xa4: {  	[sflag:s23] =	ssyncset.done $0x0  }
0xa5: {  	s25 =	simm.s32 $0x1B8E;
	s24 =	sld [smem:$0x3FFE];
	[sflag:s23] =	ssyncadd.s32 $0xFFFFFFFF  }
0xa6: {  	s26 =	simm.s32 $execute0_lowered;
	[smem:$0x3FD2] =	sst s25  }
0xa7: {  	s6 =	sshll.u32 s26, $0x1;
	_ =	strace $0x80000046;
	[dreg:$0x1] =	wrdreg $0xFFFFFFFF  }
0xa8: {  	s28 =	simm.s32 $_size_execute0_lowered;
	s4 =	sadd.s32 s4, s6;
	[dreg:$0x0] =	wrdreg $0x0  }
0xa9: {  	s6 =	sshll.u32 s28, $0x1;
	[dreg:$0x2] =	wrdreg s4  }
0xaa: {  	[dreg:$0x3] =	wrdreg s6  }
0xab: {  	[dreg:$0x4] =	wrdreg $0xC0  }
0xac: {  	_ =	task [dreg:s8], $0x5FFFF  }
0xad: {  	[dreg:$0x1] =	wrdreg $0xFFFFFFFF  }
0xae: {  	[dreg:$0x0] =	wrdreg $0x60  }
0xaf: {  	[dreg:$0x2] =	wrdreg s2  }
0xb0: {  	[dreg:$0x3] =	wrdreg s18  }
0xb1: {  	[dreg:$0x4] =	wrdreg s24  }
0xb2: {  	[dreg:$0x5] =	wrdreg $0x9  }
0xb3: {  	_ =	task.clear_ibuf [dreg:s8], $0x6FFFF;
	_ =	strace $0x90000046  }
0xb4: {  	s29 =	simm.s32 $0x9;
	_ =	strace $0x80000048  }
0xb5: {  	_ =	swait.ge [sflag:s29], $0x1  }
0xb6: {  	[sflag:s29] =	ssyncadd.s32 $0xFFFFFFFF  }
0xb7: {  	_ =	strace $0x90000048  }
0xb8: {  	_ =	sfence  }
0xb9: {  	s30 =	sld [smem:$0x0];
	_ =	sdelay $0x2  }
0xba: {  	s31 =	sshll.u32 s1, $0xD;
	s1 =	sshrl.u32 s1, $0x2  }
0xbb: {  	s3 =	sand.u32 $0x4000, s31;
	s1 =	sadd.s32 s1, s30  }
0xbc: {  	s0 =	sor.u32 s3, s0;
	s1 =	sshll.u32 s1, $0x11  }
0xbd: {  	s0 =	sor.u32 s1, s0  }
0xbe: {  	s0 =	sadd.s32 $0x8F2B, s0  }
0xbf: {  	[sflag:s0] =	ssyncadd.remote.s32 $0x1  }
0xc0: {  	_ =	sfence.sel $0xFFFF  }
0xc1: {  	[dreg:$0x0] =	wrdreg $0xFFFFFFFF;
	(pc) =	sbr.abs _section_cstart, $3  }
0xc2: {  	[dreg:$0x1] =	wrdreg $0xFFFFFFFF  }
0xc3: {  	_ =	task.clear_ibuf [dreg:s8], $0x2FFFF;
	_ =	strace $0x9FFFFFFF  }
0xc4: {  	(tm) =	ssettm $0x7FFFFFFF  }
0xc5: {  	_ =	shalt  }
tec
execute0_lowered:
.L_overlay_start_1:
0x0: {  	(tag) =	ssettag $0x1  }
0x1: {  	s1 =	rddreg [dreg:$0x0]  }
0x2: {  	s0 =	rddreg [dreg:$0x1]  }
0x3: {  	s2 =	rddreg [dreg:$0x2]  }
0x4: {  	s3 =	srdreg.scid;
	s5 =	stileid.u32;
	s31 =	simm.s32 $0x200  }
0x5: {  	s4 =	sand.u32 $0x1, s3;
	s3 =	simm.s32 $0x0;
	s5 =	sshll.u32 s5, $0x7  }
0x6: {  	s9 =	sadd.s32 $0x14000, s2;
	s10 =	sadd.s32 $0x14100, s2;
	s6 =	sshll.u32 s4, $0x6  }
0x7: {  	[smem:$0x7FF] =	sst s3;
	s7 =	ssub.s32 $0x2, s4;
	s4 =	sadd.s32 $0x13E00, s2  }
0x8: {  	s5 =	sor.u32 s6, s5;
	_ =	strace $0x80000047;
	s8 =	sshrl.u32 s7, $0x1  }
0x9: {  	[dreg:$0x6] =	wrdreg s31;
	s6 =	sadd.s32 s5, s2;
	s0 =	sadd.s32 s0, s5  }
0xa: {  	v2 =	vlaneseq.u32;
	s11 =	ssub.s32 s7, s8;
	s5 =	sadd.s32 $0x100, s1;
	s7 =	sadd.s32 $0x300, s1  }
0xb: {  	vm0 =	vmmov $0xffff;
	v1 =	vshrl.u32 v2, $0x3;
	s8 =	sadd.s32 $0x13F00, s2;
	[dreg:$0x4] =	wrdreg s0;
	s30 =	sadd.s32 $0x13600, s6  }
0xc: {  	v0 =	vand.u32 $0x7, v2;
	v2 =	vor.u32 $0x8, v2;
	v1 =	vmul.u32 $0x8, v1;
	s6 =	sadd.s32 $0x200, s1;
	s22 =	smax.u32 s11, $0x1;
	[dreg:$0x5] =	wrdreg s30  }
.LBB2_1:
0xd: {  	s26 =	rddreg [dreg:$0x4];
	s29 =	simm.s32 $0x3  }
0xe: {  	[tilespmem:s3], [sflag:$0x3] =	stream.linear.gather [hbm4b:s26+s3], $0x200, $0x38;
	[tilespmem:$0x10400] =	vst v63  }
0xf: {  	_ =	swait.ge [sflag:s29], $0x200  }
0x10: {  	s16 =	rddreg [dreg:$0x5];
	[sflag:s29] =	ssyncset.done $0x0  }
0x11: {  	s28 =	rddreg [dreg:$0x6];
	[sflag:s29] =	ssyncadd.s32 $0xFFFFFE00  }
0x12: {  	[tilespmem:s28], [sflag:$0x3] =	stream.linear.gather [hbm4b:s16+s3], $0x200, $0x38;
	[tilespmem:$0x10400] =	vst v63  }
0x13: {  	_ =	swait.ge [sflag:s29], $0x200  }
0x14: {  	[sflag:s29] =	ssyncset.done $0x0  }
0x15: {  	[sflag:s29] =	ssyncadd.s32 $0xFFFFFE00  }
0x16: {  	v3 =	vld [tilespmem:$0x0];
	_ =	sdelay $0x4  }
0x17: {  	v4 =	vshll.u32 v3, $0x3  }
0x18: {  	v3 =	vand.u32 $0x7, v3;
	v4 =	vand.u32 $0xFFFFFFC0, v4  }
0x19: {  	v3 =	vor.u32 v3, v4  }
0x1a: {  	v4 =	vperm.xlane v3, v0;
	_ =	sdelay $0x1  }
0x1b: {  	v4 =	vadd.s32 v1, v4;
	_ =	sdelay $0x3  }
0x1c: {  	s0 =	simm.s32 $0x400  }
0x1d: {  	[tilespmem:s0], [sflag:$0x1] =	stream.indirect_vreg.gather [hbm4b:s1+s3], $0x80, v4, vm0, $0xb8;
	[tilespmem:$0x10400] =	vst v63  }
0x1e: {  	s17 =	simm.s32 $0xC00;
	v3 =	vperm.xlane v3, v2  }
0x1f: {  	[tilespmem:s17], [sflag:$0x1] =	stream.indirect_vreg.gather [hbm4b:s5+s3], $0x80, v4, vm0, $0xb8;
	[tilespmem:$0x10400] =	vst v63  }
0x20: {  	s18 =	simm.s32 $0x1400;
	v3 =	vadd.s32 v1, v3  }
0x21: {  	[tilespmem:s18], [sflag:$0x1] =	stream.indirect_vreg.gather [hbm4b:s6+s3], $0x80, v4, vm0, $0xb8;
	[tilespmem:$0x10400] =	vst v63  }
0x22: {  	s19 =	simm.s32 $0x1C00  }
0x23: {  	[tilespmem:s19], [sflag:$0x1] =	stream.indirect_vreg.gather [hbm4b:s7+s3], $0x80, v4, vm0, $0xb8;
	[tilespmem:$0x10400] =	vst v63  }
0x24: {  	s20 =	simm.s32 $0x2400  }
0x25: {  	[tilespmem:s20], [sflag:$0x1] =	stream.indirect_vreg.gather [hbm4b:s1+s3], $0x80, v3, vm0, $0xb8;
	[tilespmem:$0x10400] =	vst v63  }
0x26: {  	s21 =	simm.s32 $0x2C00  }
0x27: {  	[tilespmem:s21], [sflag:$0x1] =	stream.indirect_vreg.gather [hbm4b:s5+s3], $0x80, v3, vm0, $0xb8;
	[tilespmem:$0x10400] =	vst v63  }
0x28: {  	s24 =	simm.s32 $0x3400  }
0x29: {  	[tilespmem:s24], [sflag:$0x1] =	stream.indirect_vreg.gather [hbm4b:s6+s3], $0x80, v3, vm0, $0xb8;
	[tilespmem:$0x10400] =	vst v63  }
0x2a: {  	s25 =	simm.s32 $0x3C00  }
0x2b: {  	[tilespmem:s25], [sflag:$0x1] =	stream.indirect_vreg.gather [hbm4b:s7+s3], $0x80, v3, vm0, $0xb8;
	[tilespmem:$0x10400] =	vst v63  }
0x2c: {  	v3 =	vld [tilespmem:$0x10];
	_ =	sdelay $0x4  }
0x2d: {  	v33 =	vshll.u32 v3, $0x3  }
0x2e: {  	v3 =	vand.u32 $0x7, v3;
	v4 =	vand.u32 $0xFFFFFFC0, v33  }
0x2f: {  	v3 =	vor.u32 v3, v4  }
0x30: {  	v4 =	vperm.xlane v3, v0;
	_ =	sdelay $0x1  }
0x31: {  	v4 =	vadd.s32 v1, v4;
	_ =	sdelay $0x3  }
0x32: {  	s29 =	simm.s32 $0x4400  }
0x33: {  	[tilespmem:s29], [sflag:$0x1] =	stream.indirect_vreg.gather [hbm4b:s1+s3], $0x80, v4, vm0, $0xb8;
	[tilespmem:$0x10400] =	vst v63  }
0x34: {  	s30 =	simm.s32 $0x4C00;
	v3 =	vperm.xlane v3, v2  }
0x35: {  	[tilespmem:s30], [sflag:$0x1] =	stream.indirect_vreg.gather [hbm4b:s5+s3], $0x80, v4, vm0, $0xb8;
	[tilespmem:$0x10400] =	vst v63  }
0x36: {  	s31 =	simm.s32 $0x5400;
	v3 =	vadd.s32 v1, v3  }
0x37: {  	[tilespmem:s31], [sflag:$0x1] =	stream.indirect_vreg.gather [hbm4b:s6+s3], $0x80, v4, vm0, $0xb8;
	[tilespmem:$0x10400] =	vst v63  }
0x38: {  	s11 =	simm.s32 $0x5C00  }
0x39: {  	[tilespmem:s11], [sflag:$0x1] =	stream.indirect_vreg.gather [hbm4b:s7+s3], $0x80, v4, vm0, $0xb8;
	[tilespmem:$0x10400] =	vst v63  }
0x3a: {  	s13 =	simm.s32 $0x6400  }
0x3b: {  	[tilespmem:s13], [sflag:$0x1] =	stream.indirect_vreg.gather [hbm4b:s1+s3], $0x80, v3, vm0, $0xb8;
	[tilespmem:$0x10400] =	vst v63  }
0x3c: {  	s14 =	simm.s32 $0x6C00  }
0x3d: {  	[tilespmem:s14], [sflag:$0x1] =	stream.indirect_vreg.gather [hbm4b:s5+s3], $0x80, v3, vm0, $0xb8;
	[tilespmem:$0x10400] =	vst v63  }
0x3e: {  	s20 =	simm.s32 $0x7400  }
0x3f: {  	[tilespmem:s20], [sflag:$0x1] =	stream.indirect_vreg.gather [hbm4b:s6+s3], $0x80, v3, vm0, $0xb8;
	[tilespmem:$0x10400] =	vst v63  }
0x40: {  	s21 =	simm.s32 $0x7C00  }
0x41: {  	[tilespmem:s21], [sflag:$0x1] =	stream.indirect_vreg.gather [hbm4b:s7+s3], $0x80, v3, vm0, $0xb8;
	[tilespmem:$0x10400] =	vst v63  }
0x42: {  	v3 =	vld [tilespmem:$0x20];
	_ =	sdelay $0x4  }
0x43: {  	v34 =	vshll.u32 v3, $0x3  }
0x44: {  	v3 =	vand.u32 $0x7, v3;
	v4 =	vand.u32 $0xFFFFFFC0, v34  }
0x45: {  	v3 =	vor.u32 v3, v4  }
0x46: {  	v4 =	vperm.xlane v3, v0;
	_ =	sdelay $0x1  }
0x47: {  	v4 =	vadd.s32 v1, v4;
	_ =	sdelay $0x3  }
0x48: {  	s24 =	simm.s32 $0x8400  }
0x49: {  	[tilespmem:s24], [sflag:$0x1] =	stream.indirect_vreg.gather [hbm4b:s1+s3], $0x80, v4, vm0, $0xb8;
	[tilespmem:$0x10400] =	vst v63  }
0x4a: {  	s25 =	simm.s32 $0x8C00;
	v3 =	vperm.xlane v3, v2  }
0x4b: {  	[tilespmem:s25], [sflag:$0x1] =	stream.indirect_vreg.gather [hbm4b:s5+s3], $0x80, v4, vm0, $0xb8;
	[tilespmem:$0x10400] =	vst v63  }
0x4c: {  	s29 =	simm.s32 $0x9400;
	v3 =	vadd.s32 v1, v3  }
0x4d: {  	[tilespmem:s29], [sflag:$0x1] =	stream.indirect_vreg.gather [hbm4b:s6+s3], $0x80, v4, vm0, $0xb8;
	[tilespmem:$0x10400] =	vst v63  }
0x4e: {  	s30 =	simm.s32 $0x9C00  }
0x4f: {  	[tilespmem:s30], [sflag:$0x1] =	stream.indirect_vreg.gather [hbm4b:s7+s3], $0x80, v4, vm0, $0xb8;
	[tilespmem:$0x10400] =	vst v63  }
0x50: {  	s31 =	simm.s32 $0xA400  }
0x51: {  	[tilespmem:s31], [sflag:$0x1] =	stream.indirect_vreg.gather [hbm4b:s1+s3], $0x80, v3, vm0, $0xb8;
	[tilespmem:$0x10400] =	vst v63  }
0x52: {  	s11 =	simm.s32 $0xAC00  }
0x53: {  	[tilespmem:s11], [sflag:$0x1] =	stream.indirect_vreg.gather [hbm4b:s5+s3], $0x80, v3, vm0, $0xb8;
	[tilespmem:$0x10400] =	vst v63  }
0x54: {  	s13 =	simm.s32 $0xB400  }
0x55: {  	[tilespmem:s13], [sflag:$0x1] =	stream.indirect_vreg.gather [hbm4b:s6+s3], $0x80, v3, vm0, $0xb8;
	[tilespmem:$0x10400] =	vst v63  }
0x56: {  	s14 =	simm.s32 $0xBC00  }
0x57: {  	[tilespmem:s14], [sflag:$0x1] =	stream.indirect_vreg.gather [hbm4b:s7+s3], $0x80, v3, vm0, $0xb8;
	[tilespmem:$0x10400] =	vst v63  }
0x58: {  	v3 =	vld [tilespmem:$0x30];
	_ =	sdelay $0x4  }
0x59: {  	v35 =	vshll.u32 v3, $0x3  }
0x5a: {  	v3 =	vand.u32 $0x7, v3;
	v4 =	vand.u32 $0xFFFFFFC0, v35  }
0x5b: {  	v3 =	vor.u32 v3, v4  }
0x5c: {  	v4 =	vperm.xlane v3, v0;
	_ =	sdelay $0x1  }
0x5d: {  	v4 =	vadd.s32 v1, v4;
	_ =	sdelay $0x3  }
0x5e: {  	s21 =	simm.s32 $0xC400  }
0x5f: {  	[tilespmem:s21], [sflag:$0x1] =	stream.indirect_vreg.gather [hbm4b:s1+s3], $0x80, v4, vm0, $0xb8;
	[tilespmem:$0x10400] =	vst v63  }
0x60: {  	s25 =	simm.s32 $0xCC00;
	v3 =	vperm.xlane v3, v2  }
0x61: {  	[tilespmem:s25], [sflag:$0x1] =	stream.indirect_vreg.gather [hbm4b:s5+s3], $0x80, v4, vm0, $0xb8;
	[tilespmem:$0x10400] =	vst v63  }
0x62: {  	s29 =	simm.s32 $0xD400;
	v3 =	vadd.s32 v1, v3  }
0x63: {  	[tilespmem:s29], [sflag:$0x1] =	stream.indirect_vreg.gather [hbm4b:s6+s3], $0x80, v4, vm0, $0xb8;
	[tilespmem:$0x10400] =	vst v63  }
0x64: {  	s30 =	simm.s32 $0xDC00  }
0x65: {  	[tilespmem:s30], [sflag:$0x1] =	stream.indirect_vreg.gather [hbm4b:s7+s3], $0x80, v4, vm0, $0xb8;
	[tilespmem:$0x10400] =	vst v63  }
0x66: {  	s31 =	simm.s32 $0xE400  }
0x67: {  	[tilespmem:s31], [sflag:$0x1] =	stream.indirect_vreg.gather [hbm4b:s1+s3], $0x80, v3, vm0, $0xb8;
	[tilespmem:$0x10400] =	vst v63  }
0x68: {  	s11 =	simm.s32 $0xEC00  }
0x69: {  	[tilespmem:s11], [sflag:$0x1] =	stream.indirect_vreg.gather [hbm4b:s5+s3], $0x80, v3, vm0, $0xb8;
	[tilespmem:$0x10400] =	vst v63  }
0x6a: {  	s25 =	simm.s32 $0xF400  }
0x6b: {  	[tilespmem:s25], [sflag:$0x1] =	stream.indirect_vreg.gather [hbm4b:s6+s3], $0x80, v3, vm0, $0xb8;
	[tilespmem:$0x10400] =	vst v63  }
0x6c: {  	s29 =	simm.s32 $0xFC00;
	s25 =	simm.s32 $0x1  }
0x6d: {  	[tilespmem:s29], [sflag:$0x1] =	stream.indirect_vreg.gather [hbm4b:s7+s3], $0x80, v3, vm0, $0xb8;
	[tilespmem:$0x10400] =	vst v63  }
0x6e: {  	_ =	swait.ge [sflag:s25], $0x10000  }
0x6f: {  	[sflag:s25] =	ssyncset.done $0x0  }
0x70: {  	[sflag:s25] =	ssyncadd.s32 $0xFFFF0000  }
0x71: {  	v3 =	vld [tilespmem:$0x200];
	_ =	sdelay $0x4  }
0x72: {  	v36 =	vshll.u32 v3, $0x3  }
0x73: {  	v3 =	vand.u32 $0x7, v3;
	v4 =	vand.u32 $0xFFFFFFC0, v36  }
0x74: {  	v3 =	vor.u32 v3, v4  }
0x75: {  	v4 =	vperm.xlane v3, v0;
	_ =	sdelay $0x1  }
0x76: {  	v4 =	vadd.s32 v1, v4;
	_ =	sdelay $0x3  }
0x77: {  	s23 =	simm.s32 $0x400  }
0x78: {  	[hbm4b:s4+s3] =	stream.indirect_vreg.scatter [tilespmem:s23], [sflag:$0x2], $0x80, v4, vm0, $0xb8;
	[tilespmem:$0x10400] =	vst v63  }
0x79: {  	s26 =	simm.s32 $0xC00;
	v3 =	vperm.xlane v3, v2  }
0x7a: {  	[hbm4b:s8+s3] =	stream.indirect_vreg.scatter [tilespmem:s26], [sflag:$0x2], $0x80, v4, vm0, $0xb8;
	[tilespmem:$0x10400] =	vst v63  }
0x7b: {  	s28 =	simm.s32 $0x1400;
	v3 =	vadd.s32 v1, v3  }
0x7c: {  	[hbm4b:s9+s3] =	stream.indirect_vreg.scatter [tilespmem:s28], [sflag:$0x2], $0x80, v4, vm0, $0xb8;
	[tilespmem:$0x10400] =	vst v63  }
0x7d: {  	s2 =	simm.s32 $0x1C00  }
0x7e: {  	[hbm4b:s10+s3] =	stream.indirect_vreg.scatter [tilespmem:s2], [sflag:$0x2], $0x80, v4, vm0, $0xb8;
	[tilespmem:$0x10400] =	vst v63  }
0x7f: {  	s19 =	simm.s32 $0x2400  }
0x80: {  	[hbm4b:s4+s3] =	stream.indirect_vreg.scatter [tilespmem:s19], [sflag:$0x2], $0x80, v3, vm0, $0xb8;
	[tilespmem:$0x10400] =	vst v63  }
0x81: {  	s2 =	simm.s32 $0x2C00  }
0x82: {  	[hbm4b:s8+s3] =	stream.indirect_vreg.scatter [tilespmem:s2], [sflag:$0x2], $0x80, v3, vm0, $0xb8;
	[tilespmem:$0x10400] =	vst v63  }
0x83: {  	s12 =	simm.s32 $0x3400  }
0x84: {  	[hbm4b:s9+s3] =	stream.indirect_vreg.scatter [tilespmem:s12], [sflag:$0x2], $0x80, v3, vm0, $0xb8;
	[tilespmem:$0x10400] =	vst v63  }
0x85: {  	s16 =	simm.s32 $0x3C00  }
0x86: {  	[hbm4b:s10+s3] =	stream.indirect_vreg.scatter [tilespmem:s16], [sflag:$0x2], $0x80, v3, vm0, $0xb8;
	[tilespmem:$0x10400] =	vst v63  }
0x87: {  	v3 =	vld [tilespmem:$0x210];
	_ =	sdelay $0x4  }
0x88: {  	v37 =	vshll.u32 v3, $0x3  }
0x89: {  	v3 =	vand.u32 $0x7, v3;
	v4 =	vand.u32 $0xFFFFFFC0, v37  }
0x8a: {  	v3 =	vor.u32 v3, v4  }
0x8b: {  	v4 =	vperm.xlane v3, v0;
	_ =	sdelay $0x1  }
0x8c: {  	v4 =	vadd.s32 v1, v4;
	_ =	sdelay $0x3  }
0x8d: {  	s17 =	simm.s32 $0x4400  }
0x8e: {  	[hbm4b:s4+s3] =	stream.indirect_vreg.scatter [tilespmem:s17], [sflag:$0x2], $0x80, v4, vm0, $0xb8;
	[tilespmem:$0x10400] =	vst v63  }
0x8f: {  	s18 =	simm.s32 $0x4C00;
	v3 =	vperm.xlane v3, v2  }
0x90: {  	[hbm4b:s8+s3] =	stream.indirect_vreg.scatter [tilespmem:s18], [sflag:$0x2], $0x80, v4, vm0, $0xb8;
	[tilespmem:$0x10400] =	vst v63  }
0x91: {  	s15 =	simm.s32 $0x5400;
	v3 =	vadd.s32 v1, v3  }
0x92: {  	[hbm4b:s9+s3] =	stream.indirect_vreg.scatter [tilespmem:s15], [sflag:$0x2], $0x80, v4, vm0, $0xb8;
	[tilespmem:$0x10400] =	vst v63  }
0x93: {  	s16 =	simm.s32 $0x5C00  }
0x94: {  	[hbm4b:s10+s3] =	stream.indirect_vreg.scatter [tilespmem:s16], [sflag:$0x2], $0x80, v4, vm0, $0xb8;
	[tilespmem:$0x10400] =	vst v63  }
0x95: {  	s17 =	simm.s32 $0x6400  }
0x96: {  	[hbm4b:s4+s3] =	stream.indirect_vreg.scatter [tilespmem:s17], [sflag:$0x2], $0x80, v3, vm0, $0xb8;
	[tilespmem:$0x10400] =	vst v63  }
0x97: {  	s18 =	simm.s32 $0x6C00  }
0x98: {  	[hbm4b:s8+s3] =	stream.indirect_vreg.scatter [tilespmem:s18], [sflag:$0x2], $0x80, v3, vm0, $0xb8;
	[tilespmem:$0x10400] =	vst v63  }
0x99: {  	s19 =	simm.s32 $0x7400  }
0x9a: {  	[hbm4b:s9+s3] =	stream.indirect_vreg.scatter [tilespmem:s19], [sflag:$0x2], $0x80, v3, vm0, $0xb8;
	[tilespmem:$0x10400] =	vst v63  }
0x9b: {  	s23 =	simm.s32 $0x7C00  }
0x9c: {  	[hbm4b:s10+s3] =	stream.indirect_vreg.scatter [tilespmem:s23], [sflag:$0x2], $0x80, v3, vm0, $0xb8;
	[tilespmem:$0x10400] =	vst v63  }
0x9d: {  	v3 =	vld [tilespmem:$0x220];
	_ =	sdelay $0x4  }
0x9e: {  	v38 =	vshll.u32 v3, $0x3  }
0x9f: {  	v3 =	vand.u32 $0x7, v3;
	v4 =	vand.u32 $0xFFFFFFC0, v38  }
0xa0: {  	v3 =	vor.u32 v3, v4  }
0xa1: {  	v4 =	vperm.xlane v3, v0;
	_ =	sdelay $0x1  }
0xa2: {  	v4 =	vadd.s32 v1, v4;
	_ =	sdelay $0x3  }
0xa3: {  	s30 =	simm.s32 $0x8400  }
0xa4: {  	[hbm4b:s4+s3] =	stream.indirect_vreg.scatter [tilespmem:s30], [sflag:$0x2], $0x80, v4, vm0, $0xb8;
	[tilespmem:$0x10400] =	vst v63  }
0xa5: {  	s31 =	simm.s32 $0x8C00;
	v3 =	vperm.xlane v3, v2  }
0xa6: {  	[hbm4b:s8+s3] =	stream.indirect_vreg.scatter [tilespmem:s31], [sflag:$0x2], $0x80, v4, vm0, $0xb8;
	[tilespmem:$0x10400] =	vst v63  }
0xa7: {  	s20 =	simm.s32 $0x9400;
	v3 =	vadd.s32 v1, v3  }
0xa8: {  	[hbm4b:s9+s3] =	stream.indirect_vreg.scatter [tilespmem:s20], [sflag:$0x2], $0x80, v4, vm0, $0xb8;
	[tilespmem:$0x10400] =	vst v63  }
0xa9: {  	s0 =	simm.s32 $0x9C00  }
0xaa: {  	[hbm4b:s10+s3] =	stream.indirect_vreg.scatter [tilespmem:s0], [sflag:$0x2], $0x80, v4, vm0, $0xb8;
	[tilespmem:$0x10400] =	vst v63  }
0xab: {  	s24 =	simm.s32 $0xA400  }
0xac: {  	[hbm4b:s4+s3] =	stream.indirect_vreg.scatter [tilespmem:s24], [sflag:$0x2], $0x80, v3, vm0, $0xb8;
	[tilespmem:$0x10400] =	vst v63  }
0xad: {  	s24 =	simm.s32 $0xAC00  }
0xae: {  	[hbm4b:s8+s3] =	stream.indirect_vreg.scatter [tilespmem:s24], [sflag:$0x2], $0x80, v3, vm0, $0xb8;
	[tilespmem:$0x10400] =	vst v63  }
0xaf: {  	s12 =	simm.s32 $0xB400  }
0xb0: {  	[hbm4b:s9+s3] =	stream.indirect_vreg.scatter [tilespmem:s12], [sflag:$0x2], $0x80, v3, vm0, $0xb8;
	[tilespmem:$0x10400] =	vst v63  }
0xb1: {  	s20 =	simm.s32 $0xBC00  }
0xb2: {  	[hbm4b:s10+s3] =	stream.indirect_vreg.scatter [tilespmem:s20], [sflag:$0x2], $0x80, v3, vm0, $0xb8;
	[tilespmem:$0x10400] =	vst v63  }
0xb3: {  	v3 =	vld [tilespmem:$0x230];
	_ =	sdelay $0x4  }
0xb4: {  	v39 =	vshll.u32 v3, $0x3  }
0xb5: {  	v3 =	vand.u32 $0x7, v3;
	v4 =	vand.u32 $0xFFFFFFC0, v39  }
0xb6: {  	v3 =	vor.u32 v3, v4  }
0xb7: {  	v4 =	vperm.xlane v3, v0;
	_ =	sdelay $0x1  }
0xb8: {  	v4 =	vadd.s32 v1, v4;
	_ =	sdelay $0x3  }
0xb9: {  	s21 =	simm.s32 $0xC400  }
0xba: {  	[hbm4b:s4+s3] =	stream.indirect_vreg.scatter [tilespmem:s21], [sflag:$0x2], $0x80, v4, vm0, $0xb8;
	[tilespmem:$0x10400] =	vst v63  }
0xbb: {  	v3 =	vperm.xlane v3, v2;
	s21 =	simm.s32 $0xCC00  }
0xbc: {  	[hbm4b:s8+s3] =	stream.indirect_vreg.scatter [tilespmem:s21], [sflag:$0x2], $0x80, v4, vm0, $0xb8;
	[tilespmem:$0x10400] =	vst v63  }
0xbd: {  	s13 =	simm.s32 $0xD400;
	v3 =	vadd.s32 v1, v3  }
0xbe: {  	[hbm4b:s9+s3] =	stream.indirect_vreg.scatter [tilespmem:s13], [sflag:$0x2], $0x80, v4, vm0, $0xb8;
	[tilespmem:$0x10400] =	vst v63  }
0xbf: {  	s13 =	simm.s32 $0xDC00  }
0xc0: {  	[hbm4b:s10+s3] =	stream.indirect_vreg.scatter [tilespmem:s13], [sflag:$0x2], $0x80, v4, vm0, $0xb8;
	[tilespmem:$0x10400] =	vst v63  }
0xc1: {  	s14 =	simm.s32 $0xE400  }
0xc2: {  	[hbm4b:s4+s3] =	stream.indirect_vreg.scatter [tilespmem:s14], [sflag:$0x2], $0x80, v3, vm0, $0xb8;
	[tilespmem:$0x10400] =	vst v63  }
0xc3: {  	s14 =	simm.s32 $0xEC00  }
0xc4: {  	[hbm4b:s8+s3] =	stream.indirect_vreg.scatter [tilespmem:s14], [sflag:$0x2], $0x80, v3, vm0, $0xb8;
	[tilespmem:$0x10400] =	vst v63  }
0xc5: {  	s15 =	simm.s32 $0xF400  }
0xc6: {  	[hbm4b:s9+s3] =	stream.indirect_vreg.scatter [tilespmem:s15], [sflag:$0x2], $0x80, v3, vm0, $0xb8;
	[tilespmem:$0x10400] =	vst v63  }
0xc7: {  	s11 =	simm.s32 $0xFC00  }
0xc8: {  	[hbm4b:s10+s3] =	stream.indirect_vreg.scatter [tilespmem:s11], [sflag:$0x2], $0x80, v3, vm0, $0xb8;
	[tilespmem:$0x10400] =	vst v63  }
0xc9: {  	s11 =	simm.s32 $0x2  }
0xca: {  	_ =	swait.ge [sflag:s11], $0x10000  }
0xcb: {  	[sflag:s11] =	ssyncset.done $0x0  }
0xcc: {  	[sflag:s11] =	ssyncadd.s32 $0xFFFF0000  }
0xcd: {  	v3 =	vld [tilespmem:$0x80];
	_ =	sdelay $0x4  }
0xce: {  	v40 =	vshll.u32 v3, $0x3  }
0xcf: {  	v3 =	vand.u32 $0x7, v3;
	v4 =	vand.u32 $0xFFFFFFC0, v40  }
0xd0: {  	v3 =	vor.u32 v3, v4  }
0xd1: {  	v4 =	vperm.xlane v3, v0;
	_ =	sdelay $0x1  }
0xd2: {  	v4 =	vadd.s32 v1, v4;
	_ =	sdelay $0x3  }
0xd3: {  	s26 =	simm.s32 $0x400  }
0xd4: {  	[tilespmem:s26], [sflag:$0x1] =	stream.indirect_vreg.gather [hbm4b:s1+s3], $0x80, v4, vm0, $0xb8;
	[tilespmem:$0x10400] =	vst v63  }
0xd5: {  	v3 =	vperm.xlane v3, v2;
	s26 =	simm.s32 $0xC00  }
0xd6: {  	[tilespmem:s26], [sflag:$0x1] =	stream.indirect_vreg.gather [hbm4b:s5+s3], $0x80, v4, vm0, $0xb8;
	[tilespmem:$0x10400] =	vst v63  }
0xd7: {  	v3 =	vadd.s32 v1, v3;
	s26 =	simm.s32 $0x1400  }
0xd8: {  	[tilespmem:s26], [sflag:$0x1] =	stream.indirect_vreg.gather [hbm4b:s6+s3], $0x80, v4, vm0, $0xb8;
	[tilespmem:$0x10400] =	vst v63  }
0xd9: {  	s26 =	simm.s32 $0x1C00  }
0xda: {  	[tilespmem:s26], [sflag:$0x1] =	stream.indirect_vreg.gather [hbm4b:s7+s3], $0x80, v4, vm0, $0xb8;
	[tilespmem:$0x10400] =	vst v63  }
0xdb: {  	s26 =	simm.s32 $0x2400  }
0xdc: {  	[tilespmem:s26], [sflag:$0x1] =	stream.indirect_vreg.gather [hbm4b:s1+s3], $0x80, v3, vm0, $0xb8;
	[tilespmem:$0x10400] =	vst v63  }
0xdd: {  	_ = 	snop  }
0xde: {  	[tilespmem:s2], [sflag:$0x1] =	stream.indirect_vreg.gather [hbm4b:s5+s3], $0x80, v3, vm0, $0xb8;
	[tilespmem:$0x10400] =	vst v63  }
0xdf: {  	s26 =	simm.s32 $0x3400  }
0xe0: {  	[tilespmem:s26], [sflag:$0x1] =	stream.indirect_vreg.gather [hbm4b:s6+s3], $0x80, v3, vm0, $0xb8;
	[tilespmem:$0x10400] =	vst v63  }
0xe1: {  	s26 =	simm.s32 $0x3C00  }
0xe2: {  	[tilespmem:s26], [sflag:$0x1] =	stream.indirect_vreg.gather [hbm4b:s7+s3], $0x80, v3, vm0, $0xb8;
	[tilespmem:$0x10400] =	vst v63  }
0xe3: {  	v3 =	vld [tilespmem:$0x90];
	_ =	sdelay $0x4  }
0xe4: {  	v41 =	vshll.u32 v3, $0x3  }
0xe5: {  	v3 =	vand.u32 $0x7, v3;
	v4 =	vand.u32 $0xFFFFFFC0, v41  }
0xe6: {  	v3 =	vor.u32 v3, v4  }
0xe7: {  	v4 =	vperm.xlane v3, v0;
	_ =	sdelay $0x1  }
0xe8: {  	v4 =	vadd.s32 v1, v4;
	_ =	sdelay $0x3  }
0xe9: {  	s26 =	simm.s32 $0x4400  }
0xea: {  	[tilespmem:s26], [sflag:$0x1] =	stream.indirect_vreg.gather [hbm4b:s1+s3], $0x80, v4, vm0, $0xb8;
	[tilespmem:$0x10400] =	vst v63  }
0xeb: {  	v3 =	vperm.xlane v3, v2;
	s26 =	simm.s32 $0x4C00  }
0xec: {  	[tilespmem:s26], [sflag:$0x1] =	stream.indirect_vreg.gather [hbm4b:s5+s3], $0x80, v4, vm0, $0xb8;
	[tilespmem:$0x10400] =	vst v63  }
0xed: {  	s28 =	simm.s32 $0x5400;
	v3 =	vadd.s32 v1, v3  }
0xee: {  	[tilespmem:s28], [sflag:$0x1] =	stream.indirect_vreg.gather [hbm4b:s6+s3], $0x80, v4, vm0, $0xb8;
	[tilespmem:$0x10400] =	vst v63  }
0xef: {  	_ = 	snop  }
0xf0: {  	[tilespmem:s16], [sflag:$0x1] =	stream.indirect_vreg.gather [hbm4b:s7+s3], $0x80, v4, vm0, $0xb8;
	[tilespmem:$0x10400] =	vst v63  }
0xf1: {  	_ = 	snop  }
0xf2: {  	[tilespmem:s17], [sflag:$0x1] =	stream.indirect_vreg.gather [hbm4b:s1+s3], $0x80, v3, vm0, $0xb8;
	[tilespmem:$0x10400] =	vst v63  }
0xf3: {  	_ = 	snop  }
0xf4: {  	[tilespmem:s18], [sflag:$0x1] =	stream.indirect_vreg.gather [hbm4b:s5+s3], $0x80, v3, vm0, $0xb8;
	[tilespmem:$0x10400] =	vst v63  }
0xf5: {  	_ = 	snop  }
0xf6: {  	[tilespmem:s19], [sflag:$0x1] =	stream.indirect_vreg.gather [hbm4b:s6+s3], $0x80, v3, vm0, $0xb8;
	[tilespmem:$0x10400] =	vst v63  }
0xf7: {  	_ = 	snop  }
0xf8: {  	[tilespmem:s23], [sflag:$0x1] =	stream.indirect_vreg.gather [hbm4b:s7+s3], $0x80, v3, vm0, $0xb8;
	[tilespmem:$0x10400] =	vst v63  }
0xf9: {  	v3 =	vld [tilespmem:$0xA0];
	_ =	sdelay $0x4  }
0xfa: {  	v42 =	vshll.u32 v3, $0x3  }
0xfb: {  	v3 =	vand.u32 $0x7, v3;
	v4 =	vand.u32 $0xFFFFFFC0, v42  }
0xfc: {  	v3 =	vor.u32 v3, v4  }
0xfd: {  	v4 =	vperm.xlane v3, v0;
	_ =	sdelay $0x1  }
0xfe: {  	v4 =	vadd.s32 v1, v4;
	_ =	sdelay $0x4  }
0xff: {  	[tilespmem:s30], [sflag:$0x1] =	stream.indirect_vreg.gather [hbm4b:s1+s3], $0x80, v4, vm0, $0xb8;
	[tilespmem:$0x10400] =	vst v63  }
0x100: {  	v3 =	vperm.xlane v3, v2  }
0x101: {  	[tilespmem:s31], [sflag:$0x1] =	stream.indirect_vreg.gather [hbm4b:s5+s3], $0x80, v4, vm0, $0xb8;
	[tilespmem:$0x10400] =	vst v63  }
0x102: {  	v3 =	vadd.s32 v1, v3;
	s30 =	simm.s32 $0x9400  }
0x103: {  	[tilespmem:s30], [sflag:$0x1] =	stream.indirect_vreg.gather [hbm4b:s6+s3], $0x80, v4, vm0, $0xb8;
	[tilespmem:$0x10400] =	vst v63  }
0x104: {  	_ = 	snop  }
0x105: {  	[tilespmem:s0], [sflag:$0x1] =	stream.indirect_vreg.gather [hbm4b:s7+s3], $0x80, v4, vm0, $0xb8;
	[tilespmem:$0x10400] =	vst v63  }
0x106: {  	s30 =	simm.s32 $0xA400  }
0x107: {  	[tilespmem:s30], [sflag:$0x1] =	stream.indirect_vreg.gather [hbm4b:s1+s3], $0x80, v3, vm0, $0xb8;
	[tilespmem:$0x10400] =	vst v63  }
0x108: {  	_ = 	snop  }
0x109: {  	[tilespmem:s24], [sflag:$0x1] =	stream.indirect_vreg.gather [hbm4b:s5+s3], $0x80, v3, vm0, $0xb8;
	[tilespmem:$0x10400] =	vst v63  }
0x10a: {  	_ = 	snop  }
0x10b: {  	[tilespmem:s12], [sflag:$0x1] =	stream.indirect_vreg.gather [hbm4b:s6+s3], $0x80, v3, vm0, $0xb8;
	[tilespmem:$0x10400] =	vst v63  }
0x10c: {  	_ = 	snop  }
0x10d: {  	[tilespmem:s20], [sflag:$0x1] =	stream.indirect_vreg.gather [hbm4b:s7+s3], $0x80, v3, vm0, $0xb8;
	[tilespmem:$0x10400] =	vst v63  }
0x10e: {  	v3 =	vld [tilespmem:$0xB0];
	_ =	sdelay $0x4  }
0x10f: {  	v43 =	vshll.u32 v3, $0x3  }
0x110: {  	v3 =	vand.u32 $0x7, v3;
	v4 =	vand.u32 $0xFFFFFFC0, v43  }
0x111: {  	v3 =	vor.u32 v3, v4  }
0x112: {  	v4 =	vperm.xlane v3, v0;
	_ =	sdelay $0x1  }
0x113: {  	v4 =	vadd.s32 v1, v4;
	_ =	sdelay $0x3  }
0x114: {  	s29 =	simm.s32 $0xC400  }
0x115: {  	[tilespmem:s29], [sflag:$0x1] =	stream.indirect_vreg.gather [hbm4b:s1+s3], $0x80, v4, vm0, $0xb8;
	[tilespmem:$0x10400] =	vst v63  }
0x116: {  	v3 =	vperm.xlane v3, v2  }
0x117: {  	[tilespmem:s21], [sflag:$0x1] =	stream.indirect_vreg.gather [hbm4b:s5+s3], $0x80, v4, vm0, $0xb8;
	[tilespmem:$0x10400] =	vst v63  }
0x118: {  	v3 =	vadd.s32 v1, v3;
	s29 =	simm.s32 $0xD400  }
0x119: {  	[tilespmem:s29], [sflag:$0x1] =	stream.indirect_vreg.gather [hbm4b:s6+s3], $0x80, v4, vm0, $0xb8;
	[tilespmem:$0x10400] =	vst v63  }
0x11a: {  	_ = 	snop  }
0x11b: {  	[tilespmem:s13], [sflag:$0x1] =	stream.indirect_vreg.gather [hbm4b:s7+s3], $0x80, v4, vm0, $0xb8;
	[tilespmem:$0x10400] =	vst v63  }
0x11c: {  	s0 =	simm.s32 $0xE400  }
0x11d: {  	[tilespmem:s0], [sflag:$0x1] =	stream.indirect_vreg.gather [hbm4b:s1+s3], $0x80, v3, vm0, $0xb8;
	[tilespmem:$0x10400] =	vst v63  }
0x11e: {  	_ = 	snop  }
0x11f: {  	[tilespmem:s14], [sflag:$0x1] =	stream.indirect_vreg.gather [hbm4b:s5+s3], $0x80, v3, vm0, $0xb8;
	[tilespmem:$0x10400] =	vst v63  }
0x120: {  	_ = 	snop  }
0x121: {  	[tilespmem:s15], [sflag:$0x1] =	stream.indirect_vreg.gather [hbm4b:s6+s3], $0x80, v3, vm0, $0xb8;
	[tilespmem:$0x10400] =	vst v63  }
0x122: {  	s0 =	simm.s32 $0xFC00  }
0x123: {  	[tilespmem:s0], [sflag:$0x1] =	stream.indirect_vreg.gather [hbm4b:s7+s3], $0x80, v3, vm0, $0xb8;
	[tilespmem:$0x10400] =	vst v63  }
0x124: {  	_ =	swait.ge [sflag:s25], $0x10000  }
0x125: {  	[sflag:s25] =	ssyncset.done $0x0  }
0x126: {  	[sflag:s25] =	ssyncadd.s32 $0xFFFF0000  }
0x127: {  	v3 =	vld [tilespmem:$0x280];
	_ =	sdelay $0x4  }
0x128: {  	v44 =	vshll.u32 v3, $0x3  }
0x129: {  	v3 =	vand.u32 $0x7, v3;
	v4 =	vand.u32 $0xFFFFFFC0, v44  }
0x12a: {  	v3 =	vor.u32 v3, v4  }
0x12b: {  	v4 =	vperm.xlane v3, v0;
	_ =	sdelay $0x1  }
0x12c: {  	v4 =	vadd.s32 v1, v4;
	_ =	sdelay $0x3  }
0x12d: {  	s0 =	simm.s32 $0x400  }
0x12e: {  	[hbm4b:s4+s3] =	stream.indirect_vreg.scatter [tilespmem:s0], [sflag:$0x2], $0x80, v4, vm0, $0xb8;
	[tilespmem:$0x10400] =	vst v63  }
0x12f: {  	v3 =	vperm.xlane v3, v2;
	s0 =	simm.s32 $0xC00  }
0x130: {  	[hbm4b:s8+s3] =	stream.indirect_vreg.scatter [tilespmem:s0], [sflag:$0x2], $0x80, v4, vm0, $0xb8;
	[tilespmem:$0x10400] =	vst v63  }
0x131: {  	v3 =	vadd.s32 v1, v3;
	s0 =	simm.s32 $0x1400  }
0x132: {  	[hbm4b:s9+s3] =	stream.indirect_vreg.scatter [tilespmem:s0], [sflag:$0x2], $0x80, v4, vm0, $0xb8;
	[tilespmem:$0x10400] =	vst v63  }
0x133: {  	s0 =	simm.s32 $0x1C00  }
0x134: {  	[hbm4b:s10+s3] =	stream.indirect_vreg.scatter [tilespmem:s0], [sflag:$0x2], $0x80, v4, vm0, $0xb8;
	[tilespmem:$0x10400] =	vst v63  }
0x135: {  	s0 =	simm.s32 $0x2400  }
0x136: {  	[hbm4b:s4+s3] =	stream.indirect_vreg.scatter [tilespmem:s0], [sflag:$0x2], $0x80, v3, vm0, $0xb8;
	[tilespmem:$0x10400] =	vst v63  }
0x137: {  	s2 =	simm.s32 $0x2C00  }
0x138: {  	[hbm4b:s8+s3] =	stream.indirect_vreg.scatter [tilespmem:s2], [sflag:$0x2], $0x80, v3, vm0, $0xb8;
	[tilespmem:$0x10400] =	vst v63  }
0x139: {  	s0 =	simm.s32 $0x3400  }
0x13a: {  	[hbm4b:s9+s3] =	stream.indirect_vreg.scatter [tilespmem:s0], [sflag:$0x2], $0x80, v3, vm0, $0xb8;
	[tilespmem:$0x10400] =	vst v63  }
0x13b: {  	s0 =	simm.s32 $0x3C00  }
0x13c: {  	[hbm4b:s10+s3] =	stream.indirect_vreg.scatter [tilespmem:s0], [sflag:$0x2], $0x80, v3, vm0, $0xb8;
	[tilespmem:$0x10400] =	vst v63  }
0x13d: {  	v3 =	vld [tilespmem:$0x290];
	_ =	sdelay $0x4  }
0x13e: {  	v45 =	vshll.u32 v3, $0x3  }
0x13f: {  	v3 =	vand.u32 $0x7, v3;
	v4 =	vand.u32 $0xFFFFFFC0, v45  }
0x140: {  	v3 =	vor.u32 v3, v4  }
0x141: {  	v4 =	vperm.xlane v3, v0;
	_ =	sdelay $0x1  }
0x142: {  	v4 =	vadd.s32 v1, v4;
	_ =	sdelay $0x3  }
0x143: {  	s0 =	simm.s32 $0x4400  }
0x144: {  	[hbm4b:s4+s3] =	stream.indirect_vreg.scatter [tilespmem:s0], [sflag:$0x2], $0x80, v4, vm0, $0xb8;
	[tilespmem:$0x10400] =	vst v63  }
0x145: {  	v3 =	vperm.xlane v3, v2;
	s0 =	simm.s32 $0x4C00  }
0x146: {  	[hbm4b:s8+s3] =	stream.indirect_vreg.scatter [tilespmem:s0], [sflag:$0x2], $0x80, v4, vm0, $0xb8;
	[tilespmem:$0x10400] =	vst v63  }
0x147: {  	v3 =	vadd.s32 v1, v3;
	s0 =	simm.s32 $0x5400  }
0x148: {  	[hbm4b:s9+s3] =	stream.indirect_vreg.scatter [tilespmem:s0], [sflag:$0x2], $0x80, v4, vm0, $0xb8;
	[tilespmem:$0x10400] =	vst v63  }
0x149: {  	s26 =	simm.s32 $0x5C00  }
0x14a: {  	[hbm4b:s10+s3] =	stream.indirect_vreg.scatter [tilespmem:s26], [sflag:$0x2], $0x80, v4, vm0, $0xb8;
	[tilespmem:$0x10400] =	vst v63  }
0x14b: {  	s17 =	simm.s32 $0x6400  }
0x14c: {  	[hbm4b:s4+s3] =	stream.indirect_vreg.scatter [tilespmem:s17], [sflag:$0x2], $0x80, v3, vm0, $0xb8;
	[tilespmem:$0x10400] =	vst v63  }
0x14d: {  	s18 =	simm.s32 $0x6C00  }
0x14e: {  	[hbm4b:s8+s3] =	stream.indirect_vreg.scatter [tilespmem:s18], [sflag:$0x2], $0x80, v3, vm0, $0xb8;
	[tilespmem:$0x10400] =	vst v63  }
0x14f: {  	s19 =	simm.s32 $0x7400  }
0x150: {  	[hbm4b:s9+s3] =	stream.indirect_vreg.scatter [tilespmem:s19], [sflag:$0x2], $0x80, v3, vm0, $0xb8;
	[tilespmem:$0x10400] =	vst v63  }
0x151: {  	s23 =	simm.s32 $0x7C00  }
0x152: {  	[hbm4b:s10+s3] =	stream.indirect_vreg.scatter [tilespmem:s23], [sflag:$0x2], $0x80, v3, vm0, $0xb8;
	[tilespmem:$0x10400] =	vst v63  }
0x153: {  	v3 =	vld [tilespmem:$0x2A0];
	_ =	sdelay $0x4  }
0x154: {  	v46 =	vshll.u32 v3, $0x3  }
0x155: {  	v3 =	vand.u32 $0x7, v3;
	v4 =	vand.u32 $0xFFFFFFC0, v46  }
0x156: {  	v3 =	vor.u32 v3, v4  }
0x157: {  	v4 =	vperm.xlane v3, v0;
	_ =	sdelay $0x1  }
0x158: {  	v4 =	vadd.s32 v1, v4;
	_ =	sdelay $0x3  }
0x159: {  	s28 =	simm.s32 $0x8400  }
0x15a: {  	[hbm4b:s4+s3] =	stream.indirect_vreg.scatter [tilespmem:s28], [sflag:$0x2], $0x80, v4, vm0, $0xb8;
	[tilespmem:$0x10400] =	vst v63  }
0x15b: {  	s31 =	simm.s32 $0x8C00;
	v3 =	vperm.xlane v3, v2  }
0x15c: {  	[hbm4b:s8+s3] =	stream.indirect_vreg.scatter [tilespmem:s31], [sflag:$0x2], $0x80, v4, vm0, $0xb8;
	[tilespmem:$0x10400] =	vst v63  }
0x15d: {  	s0 =	simm.s32 $0x9400;
	v3 =	vadd.s32 v1, v3  }
0x15e: {  	[hbm4b:s9+s3] =	stream.indirect_vreg.scatter [tilespmem:s0], [sflag:$0x2], $0x80, v4, vm0, $0xb8;
	[tilespmem:$0x10400] =	vst v63  }
0x15f: {  	s16 =	simm.s32 $0x9C00  }
0x160: {  	[hbm4b:s10+s3] =	stream.indirect_vreg.scatter [tilespmem:s16], [sflag:$0x2], $0x80, v4, vm0, $0xb8;
	[tilespmem:$0x10400] =	vst v63  }
0x161: {  	s30 =	simm.s32 $0xA400  }
0x162: {  	[hbm4b:s4+s3] =	stream.indirect_vreg.scatter [tilespmem:s30], [sflag:$0x2], $0x80, v3, vm0, $0xb8;
	[tilespmem:$0x10400] =	vst v63  }
0x163: {  	s28 =	simm.s32 $0xAC00  }
0x164: {  	[hbm4b:s8+s3] =	stream.indirect_vreg.scatter [tilespmem:s28], [sflag:$0x2], $0x80, v3, vm0, $0xb8;
	[tilespmem:$0x10400] =	vst v63  }
0x165: {  	s24 =	simm.s32 $0xB400  }
0x166: {  	[hbm4b:s9+s3] =	stream.indirect_vreg.scatter [tilespmem:s24], [sflag:$0x2], $0x80, v3, vm0, $0xb8;
	[tilespmem:$0x10400] =	vst v63  }
0x167: {  	s20 =	simm.s32 $0xBC00  }
0x168: {  	[hbm4b:s10+s3] =	stream.indirect_vreg.scatter [tilespmem:s20], [sflag:$0x2], $0x80, v3, vm0, $0xb8;
	[tilespmem:$0x10400] =	vst v63  }
0x169: {  	v3 =	vld [tilespmem:$0x2B0];
	_ =	sdelay $0x4  }
0x16a: {  	v47 =	vshll.u32 v3, $0x3  }
0x16b: {  	v3 =	vand.u32 $0x7, v3;
	v4 =	vand.u32 $0xFFFFFFC0, v47  }
0x16c: {  	v3 =	vor.u32 v3, v4  }
0x16d: {  	v4 =	vperm.xlane v3, v0;
	_ =	sdelay $0x1  }
0x16e: {  	v4 =	vadd.s32 v1, v4;
	_ =	sdelay $0x3  }
0x16f: {  	s30 =	simm.s32 $0xC400  }
0x170: {  	[hbm4b:s4+s3] =	stream.indirect_vreg.scatter [tilespmem:s30], [sflag:$0x2], $0x80, v4, vm0, $0xb8;
	[tilespmem:$0x10400] =	vst v63  }
0x171: {  	s21 =	simm.s32 $0xCC00;
	v3 =	vperm.xlane v3, v2  }
0x172: {  	[hbm4b:s8+s3] =	stream.indirect_vreg.scatter [tilespmem:s21], [sflag:$0x2], $0x80, v4, vm0, $0xb8;
	[tilespmem:$0x10400] =	vst v63  }
0x173: {  	s29 =	simm.s32 $0xD400;
	v3 =	vadd.s32 v1, v3  }
0x174: {  	[hbm4b:s9+s3] =	stream.indirect_vreg.scatter [tilespmem:s29], [sflag:$0x2], $0x80, v4, vm0, $0xb8;
	[tilespmem:$0x10400] =	vst v63  }
0x175: {  	s12 =	simm.s32 $0xDC00  }
0x176: {  	[hbm4b:s10+s3] =	stream.indirect_vreg.scatter [tilespmem:s12], [sflag:$0x2], $0x80, v4, vm0, $0xb8;
	[tilespmem:$0x10400] =	vst v63  }
0x177: {  	s30 =	simm.s32 $0xE400  }
0x178: {  	[hbm4b:s4+s3] =	stream.indirect_vreg.scatter [tilespmem:s30], [sflag:$0x2], $0x80, v3, vm0, $0xb8;
	[tilespmem:$0x10400] =	vst v63  }
0x179: {  	s13 =	simm.s32 $0xEC00  }
0x17a: {  	[hbm4b:s8+s3] =	stream.indirect_vreg.scatter [tilespmem:s13], [sflag:$0x2], $0x80, v3, vm0, $0xb8;
	[tilespmem:$0x10400] =	vst v63  }
0x17b: {  	s14 =	simm.s32 $0xF400  }
0x17c: {  	[hbm4b:s9+s3] =	stream.indirect_vreg.scatter [tilespmem:s14], [sflag:$0x2], $0x80, v3, vm0, $0xb8;
	[tilespmem:$0x10400] =	vst v63  }
0x17d: {  	s15 =	simm.s32 $0xFC00  }
0x17e: {  	[hbm4b:s10+s3] =	stream.indirect_vreg.scatter [tilespmem:s15], [sflag:$0x2], $0x80, v3, vm0, $0xb8;
	[tilespmem:$0x10400] =	vst v63  }
0x17f: {  	_ =	swait.ge [sflag:s11], $0x10000  }
0x180: {  	[sflag:s11] =	ssyncset.done $0x0  }
0x181: {  	[sflag:s11] =	ssyncadd.s32 $0xFFFF0000  }
0x182: {  	v3 =	vld [tilespmem:$0x100];
	_ =	sdelay $0x4  }
0x183: {  	v48 =	vshll.u32 v3, $0x3  }
0x184: {  	v3 =	vand.u32 $0x7, v3;
	v4 =	vand.u32 $0xFFFFFFC0, v48  }
0x185: {  	v3 =	vor.u32 v3, v4  }
0x186: {  	v4 =	vperm.xlane v3, v0;
	_ =	sdelay $0x1  }
0x187: {  	v4 =	vadd.s32 v1, v4;
	_ =	sdelay $0x3  }
0x188: {  	s15 =	simm.s32 $0x400  }
0x189: {  	[tilespmem:s15], [sflag:$0x1] =	stream.indirect_vreg.gather [hbm4b:s1+s3], $0x80, v4, vm0, $0xb8;
	[tilespmem:$0x10400] =	vst v63  }
0x18a: {  	v3 =	vperm.xlane v3, v2;
	s15 =	simm.s32 $0xC00  }
0x18b: {  	[tilespmem:s15], [sflag:$0x1] =	stream.indirect_vreg.gather [hbm4b:s5+s3], $0x80, v4, vm0, $0xb8;
	[tilespmem:$0x10400] =	vst v63  }
0x18c: {  	v3 =	vadd.s32 v1, v3;
	s15 =	simm.s32 $0x1400  }
0x18d: {  	[tilespmem:s15], [sflag:$0x1] =	stream.indirect_vreg.gather [hbm4b:s6+s3], $0x80, v4, vm0, $0xb8;
	[tilespmem:$0x10400] =	vst v63  }
0x18e: {  	s15 =	simm.s32 $0x1C00  }
0x18f: {  	[tilespmem:s15], [sflag:$0x1] =	stream.indirect_vreg.gather [hbm4b:s7+s3], $0x80, v4, vm0, $0xb8;
	[tilespmem:$0x10400] =	vst v63  }
0x190: {  	s15 =	simm.s32 $0x2400  }
0x191: {  	[tilespmem:s15], [sflag:$0x1] =	stream.indirect_vreg.gather [hbm4b:s1+s3], $0x80, v3, vm0, $0xb8;
	[tilespmem:$0x10400] =	vst v63  }
0x192: {  	s2 =	simm.s32 $0x2C00  }
0x193: {  	[tilespmem:s2], [sflag:$0x1] =	stream.indirect_vreg.gather [hbm4b:s5+s3], $0x80, v3, vm0, $0xb8;
	[tilespmem:$0x10400] =	vst v63  }
0x194: {  	s15 =	simm.s32 $0x3400  }
0x195: {  	[tilespmem:s15], [sflag:$0x1] =	stream.indirect_vreg.gather [hbm4b:s6+s3], $0x80, v3, vm0, $0xb8;
	[tilespmem:$0x10400] =	vst v63  }
0x196: {  	s15 =	simm.s32 $0x3C00  }
0x197: {  	[tilespmem:s15], [sflag:$0x1] =	stream.indirect_vreg.gather [hbm4b:s7+s3], $0x80, v3, vm0, $0xb8;
	[tilespmem:$0x10400] =	vst v63  }
0x198: {  	v3 =	vld [tilespmem:$0x110];
	_ =	sdelay $0x4  }
0x199: {  	v49 =	vshll.u32 v3, $0x3  }
0x19a: {  	v3 =	vand.u32 $0x7, v3;
	v4 =	vand.u32 $0xFFFFFFC0, v49  }
0x19b: {  	v3 =	vor.u32 v3, v4  }
0x19c: {  	v4 =	vperm.xlane v3, v0;
	_ =	sdelay $0x1  }
0x19d: {  	v4 =	vadd.s32 v1, v4;
	_ =	sdelay $0x3  }
0x19e: {  	s15 =	simm.s32 $0x4400  }
0x19f: {  	[tilespmem:s15], [sflag:$0x1] =	stream.indirect_vreg.gather [hbm4b:s1+s3], $0x80, v4, vm0, $0xb8;
	[tilespmem:$0x10400] =	vst v63  }
0x1a0: {  	v3 =	vperm.xlane v3, v2;
	s15 =	simm.s32 $0x4C00  }
0x1a1: {  	[tilespmem:s15], [sflag:$0x1] =	stream.indirect_vreg.gather [hbm4b:s5+s3], $0x80, v4, vm0, $0xb8;
	[tilespmem:$0x10400] =	vst v63  }
0x1a2: {  	v3 =	vadd.s32 v1, v3;
	s15 =	simm.s32 $0x5400  }
0x1a3: {  	[tilespmem:s15], [sflag:$0x1] =	stream.indirect_vreg.gather [hbm4b:s6+s3], $0x80, v4, vm0, $0xb8;
	[tilespmem:$0x10400] =	vst v63  }
0x1a4: {  	s15 =	simm.s32 $0x5C00  }
0x1a5: {  	[tilespmem:s15], [sflag:$0x1] =	stream.indirect_vreg.gather [hbm4b:s7+s3], $0x80, v4, vm0, $0xb8;
	[tilespmem:$0x10400] =	vst v63  }
0x1a6: {  	s26 =	simm.s32 $0x6400  }
0x1a7: {  	[tilespmem:s26], [sflag:$0x1] =	stream.indirect_vreg.gather [hbm4b:s1+s3], $0x80, v3, vm0, $0xb8;
	[tilespmem:$0x10400] =	vst v63  }
0x1a8: {  	s17 =	simm.s32 $0x6C00  }
0x1a9: {  	[tilespmem:s17], [sflag:$0x1] =	stream.indirect_vreg.gather [hbm4b:s5+s3], $0x80, v3, vm0, $0xb8;
	[tilespmem:$0x10400] =	vst v63  }
0x1aa: {  	s19 =	simm.s32 $0x7400  }
0x1ab: {  	[tilespmem:s19], [sflag:$0x1] =	stream.indirect_vreg.gather [hbm4b:s6+s3], $0x80, v3, vm0, $0xb8;
	[tilespmem:$0x10400] =	vst v63  }
0x1ac: {  	s23 =	simm.s32 $0x7C00  }
0x1ad: {  	[tilespmem:s23], [sflag:$0x1] =	stream.indirect_vreg.gather [hbm4b:s7+s3], $0x80, v3, vm0, $0xb8;
	[tilespmem:$0x10400] =	vst v63  }
0x1ae: {  	v3 =	vld [tilespmem:$0x120];
	_ =	sdelay $0x4  }
0x1af: {  	v50 =	vshll.u32 v3, $0x3  }
0x1b0: {  	v3 =	vand.u32 $0x7, v3;
	v4 =	vand.u32 $0xFFFFFFC0, v50  }
0x1b1: {  	v3 =	vor.u32 v3, v4  }
0x1b2: {  	v4 =	vperm.xlane v3, v0;
	_ =	sdelay $0x1  }
0x1b3: {  	v4 =	vadd.s32 v1, v4;
	_ =	sdelay $0x3  }
0x1b4: {  	s18 =	simm.s32 $0x8400  }
0x1b5: {  	[tilespmem:s18], [sflag:$0x1] =	stream.indirect_vreg.gather [hbm4b:s1+s3], $0x80, v4, vm0, $0xb8;
	[tilespmem:$0x10400] =	vst v63  }
0x1b6: {  	s23 =	simm.s32 $0x8C00;
	v3 =	vperm.xlane v3, v2  }
0x1b7: {  	[tilespmem:s23], [sflag:$0x1] =	stream.indirect_vreg.gather [hbm4b:s5+s3], $0x80, v4, vm0, $0xb8;
	[tilespmem:$0x10400] =	vst v63  }
0x1b8: {  	v3 =	vadd.s32 v1, v3;
	s18 =	simm.s32 $0x9400  }
0x1b9: {  	[tilespmem:s18], [sflag:$0x1] =	stream.indirect_vreg.gather [hbm4b:s6+s3], $0x80, v4, vm0, $0xb8;
	[tilespmem:$0x10400] =	vst v63  }
0x1ba: {  	s16 =	simm.s32 $0x9C00  }
0x1bb: {  	[tilespmem:s16], [sflag:$0x1] =	stream.indirect_vreg.gather [hbm4b:s7+s3], $0x80, v4, vm0, $0xb8;
	[tilespmem:$0x10400] =	vst v63  }
0x1bc: {  	s31 =	simm.s32 $0xA400  }
0x1bd: {  	[tilespmem:s31], [sflag:$0x1] =	stream.indirect_vreg.gather [hbm4b:s1+s3], $0x80, v3, vm0, $0xb8;
	[tilespmem:$0x10400] =	vst v63  }
0x1be: {  	s0 =	simm.s32 $0xAC00  }
0x1bf: {  	[tilespmem:s0], [sflag:$0x1] =	stream.indirect_vreg.gather [hbm4b:s5+s3], $0x80, v3, vm0, $0xb8;
	[tilespmem:$0x10400] =	vst v63  }
0x1c0: {  	s24 =	simm.s32 $0xB400  }
0x1c1: {  	[tilespmem:s24], [sflag:$0x1] =	stream.indirect_vreg.gather [hbm4b:s6+s3], $0x80, v3, vm0, $0xb8;
	[tilespmem:$0x10400] =	vst v63  }
0x1c2: {  	s20 =	simm.s32 $0xBC00  }
0x1c3: {  	[tilespmem:s20], [sflag:$0x1] =	stream.indirect_vreg.gather [hbm4b:s7+s3], $0x80, v3, vm0, $0xb8;
	[tilespmem:$0x10400] =	vst v63  }
0x1c4: {  	v3 =	vld [tilespmem:$0x130];
	_ =	sdelay $0x4  }
0x1c5: {  	v51 =	vshll.u32 v3, $0x3  }
0x1c6: {  	v3 =	vand.u32 $0x7, v3;
	v4 =	vand.u32 $0xFFFFFFC0, v51  }
0x1c7: {  	v3 =	vor.u32 v3, v4  }
0x1c8: {  	v4 =	vperm.xlane v3, v0;
	_ =	sdelay $0x1  }
0x1c9: {  	v4 =	vadd.s32 v1, v4;
	_ =	sdelay $0x3  }
0x1ca: {  	s31 =	simm.s32 $0xC400  }
0x1cb: {  	[tilespmem:s31], [sflag:$0x1] =	stream.indirect_vreg.gather [hbm4b:s1+s3], $0x80, v4, vm0, $0xb8;
	[tilespmem:$0x10400] =	vst v63  }
0x1cc: {  	s21 =	simm.s32 $0xCC00;
	v3 =	vperm.xlane v3, v2  }
0x1cd: {  	[tilespmem:s21], [sflag:$0x1] =	stream.indirect_vreg.gather [hbm4b:s5+s3], $0x80, v4, vm0, $0xb8;
	[tilespmem:$0x10400] =	vst v63  }
0x1ce: {  	s29 =	simm.s32 $0xD400;
	v3 =	vadd.s32 v1, v3  }
0x1cf: {  	[tilespmem:s29], [sflag:$0x1] =	stream.indirect_vreg.gather [hbm4b:s6+s3], $0x80, v4, vm0, $0xb8;
	[tilespmem:$0x10400] =	vst v63  }
0x1d0: {  	s28 =	simm.s32 $0xDC00  }
0x1d1: {  	[tilespmem:s28], [sflag:$0x1] =	stream.indirect_vreg.gather [hbm4b:s7+s3], $0x80, v4, vm0, $0xb8;
	[tilespmem:$0x10400] =	vst v63  }
0x1d2: {  	s30 =	simm.s32 $0xE400  }
0x1d3: {  	[tilespmem:s30], [sflag:$0x1] =	stream.indirect_vreg.gather [hbm4b:s1+s3], $0x80, v3, vm0, $0xb8;
	[tilespmem:$0x10400] =	vst v63  }
0x1d4: {  	s12 =	simm.s32 $0xEC00  }
0x1d5: {  	[tilespmem:s12], [sflag:$0x1] =	stream.indirect_vreg.gather [hbm4b:s5+s3], $0x80, v3, vm0, $0xb8;
	[tilespmem:$0x10400] =	vst v63  }
0x1d6: {  	s13 =	simm.s32 $0xF400  }
0x1d7: {  	[tilespmem:s13], [sflag:$0x1] =	stream.indirect_vreg.gather [hbm4b:s6+s3], $0x80, v3, vm0, $0xb8;
	[tilespmem:$0x10400] =	vst v63  }
0x1d8: {  	s14 =	simm.s32 $0xFC00  }
0x1d9: {  	[tilespmem:s14], [sflag:$0x1] =	stream.indirect_vreg.gather [hbm4b:s7+s3], $0x80, v3, vm0, $0xb8;
	[tilespmem:$0x10400] =	vst v63  }
0x1da: {  	_ =	swait.ge [sflag:s25], $0x10000  }
0x1db: {  	[sflag:s25] =	ssyncset.done $0x0  }
0x1dc: {  	[sflag:s25] =	ssyncadd.s32 $0xFFFF0000  }
0x1dd: {  	v3 =	vld [tilespmem:$0x300];
	_ =	sdelay $0x4  }
0x1de: {  	v52 =	vshll.u32 v3, $0x3  }
0x1df: {  	v3 =	vand.u32 $0x7, v3;
	v4 =	vand.u32 $0xFFFFFFC0, v52  }
0x1e0: {  	v3 =	vor.u32 v3, v4  }
0x1e1: {  	v4 =	vperm.xlane v3, v0;
	_ =	sdelay $0x1  }
0x1e2: {  	v4 =	vadd.s32 v1, v4;
	_ =	sdelay $0x3  }
0x1e3: {  	s30 =	simm.s32 $0x400  }
0x1e4: {  	[hbm4b:s4+s3] =	stream.indirect_vreg.scatter [tilespmem:s30], [sflag:$0x2], $0x80, v4, vm0, $0xb8;
	[tilespmem:$0x10400] =	vst v63  }
0x1e5: {  	v3 =	vperm.xlane v3, v2;
	s30 =	simm.s32 $0xC00  }
0x1e6: {  	[hbm4b:s8+s3] =	stream.indirect_vreg.scatter [tilespmem:s30], [sflag:$0x2], $0x80, v4, vm0, $0xb8;
	[tilespmem:$0x10400] =	vst v63  }
0x1e7: {  	v3 =	vadd.s32 v1, v3;
	s30 =	simm.s32 $0x1400  }
0x1e8: {  	[hbm4b:s9+s3] =	stream.indirect_vreg.scatter [tilespmem:s30], [sflag:$0x2], $0x80, v4, vm0, $0xb8;
	[tilespmem:$0x10400] =	vst v63  }
0x1e9: {  	s30 =	simm.s32 $0x1C00  }
0x1ea: {  	[hbm4b:s10+s3] =	stream.indirect_vreg.scatter [tilespmem:s30], [sflag:$0x2], $0x80, v4, vm0, $0xb8;
	[tilespmem:$0x10400] =	vst v63  }
0x1eb: {  	s30 =	simm.s32 $0x2400  }
0x1ec: {  	[hbm4b:s4+s3] =	stream.indirect_vreg.scatter [tilespmem:s30], [sflag:$0x2], $0x80, v3, vm0, $0xb8;
	[tilespmem:$0x10400] =	vst v63  }
0x1ed: {  	s30 =	simm.s32 $0x2C00  }
0x1ee: {  	[hbm4b:s8+s3] =	stream.indirect_vreg.scatter [tilespmem:s30], [sflag:$0x2], $0x80, v3, vm0, $0xb8;
	[tilespmem:$0x10400] =	vst v63  }
0x1ef: {  	s30 =	simm.s32 $0x3400  }
0x1f0: {  	[hbm4b:s9+s3] =	stream.indirect_vreg.scatter [tilespmem:s30], [sflag:$0x2], $0x80, v3, vm0, $0xb8;
	[tilespmem:$0x10400] =	vst v63  }
0x1f1: {  	s30 =	simm.s32 $0x3C00  }
0x1f2: {  	[hbm4b:s10+s3] =	stream.indirect_vreg.scatter [tilespmem:s30], [sflag:$0x2], $0x80, v3, vm0, $0xb8;
	[tilespmem:$0x10400] =	vst v63  }
0x1f3: {  	v3 =	vld [tilespmem:$0x310];
	_ =	sdelay $0x4  }
0x1f4: {  	v53 =	vshll.u32 v3, $0x3  }
0x1f5: {  	v3 =	vand.u32 $0x7, v3;
	v4 =	vand.u32 $0xFFFFFFC0, v53  }
0x1f6: {  	v3 =	vor.u32 v3, v4  }
0x1f7: {  	v4 =	vperm.xlane v3, v0;
	_ =	sdelay $0x1  }
0x1f8: {  	v4 =	vadd.s32 v1, v4;
	_ =	sdelay $0x3  }
0x1f9: {  	s30 =	simm.s32 $0x4400  }
0x1fa: {  	[hbm4b:s4+s3] =	stream.indirect_vreg.scatter [tilespmem:s30], [sflag:$0x2], $0x80, v4, vm0, $0xb8;
	[tilespmem:$0x10400] =	vst v63  }
0x1fb: {  	v3 =	vperm.xlane v3, v2;
	s30 =	simm.s32 $0x4C00  }
0x1fc: {  	[hbm4b:s8+s3] =	stream.indirect_vreg.scatter [tilespmem:s30], [sflag:$0x2], $0x80, v4, vm0, $0xb8;
	[tilespmem:$0x10400] =	vst v63  }
0x1fd: {  	v3 =	vadd.s32 v1, v3;
	s30 =	simm.s32 $0x5400  }
0x1fe: {  	[hbm4b:s9+s3] =	stream.indirect_vreg.scatter [tilespmem:s30], [sflag:$0x2], $0x80, v4, vm0, $0xb8;
	[tilespmem:$0x10400] =	vst v63  }
0x1ff: {  	s2 =	simm.s32 $0x5C00  }
0x200: {  	[hbm4b:s10+s3] =	stream.indirect_vreg.scatter [tilespmem:s2], [sflag:$0x2], $0x80, v4, vm0, $0xb8;
	[tilespmem:$0x10400] =	vst v63  }
0x201: {  	s30 =	simm.s32 $0x6400  }
0x202: {  	[hbm4b:s4+s3] =	stream.indirect_vreg.scatter [tilespmem:s30], [sflag:$0x2], $0x80, v3, vm0, $0xb8;
	[tilespmem:$0x10400] =	vst v63  }
0x203: {  	s26 =	simm.s32 $0x6C00  }
0x204: {  	[hbm4b:s8+s3] =	stream.indirect_vreg.scatter [tilespmem:s26], [sflag:$0x2], $0x80, v3, vm0, $0xb8;
	[tilespmem:$0x10400] =	vst v63  }
0x205: {  	s15 =	simm.s32 $0x7400  }
0x206: {  	[hbm4b:s9+s3] =	stream.indirect_vreg.scatter [tilespmem:s15], [sflag:$0x2], $0x80, v3, vm0, $0xb8;
	[tilespmem:$0x10400] =	vst v63  }
0x207: {  	s17 =	simm.s32 $0x7C00  }
0x208: {  	[hbm4b:s10+s3] =	stream.indirect_vreg.scatter [tilespmem:s17], [sflag:$0x2], $0x80, v3, vm0, $0xb8;
	[tilespmem:$0x10400] =	vst v63  }
0x209: {  	v3 =	vld [tilespmem:$0x320];
	_ =	sdelay $0x4  }
0x20a: {  	v54 =	vshll.u32 v3, $0x3  }
0x20b: {  	v3 =	vand.u32 $0x7, v3;
	v4 =	vand.u32 $0xFFFFFFC0, v54  }
0x20c: {  	v3 =	vor.u32 v3, v4  }
0x20d: {  	v4 =	vperm.xlane v3, v0;
	_ =	sdelay $0x1  }
0x20e: {  	v4 =	vadd.s32 v1, v4;
	_ =	sdelay $0x3  }
0x20f: {  	s19 =	simm.s32 $0x8400  }
0x210: {  	[hbm4b:s4+s3] =	stream.indirect_vreg.scatter [tilespmem:s19], [sflag:$0x2], $0x80, v4, vm0, $0xb8;
	[tilespmem:$0x10400] =	vst v63  }
0x211: {  	s23 =	simm.s32 $0x8C00;
	v3 =	vperm.xlane v3, v2  }
0x212: {  	[hbm4b:s8+s3] =	stream.indirect_vreg.scatter [tilespmem:s23], [sflag:$0x2], $0x80, v4, vm0, $0xb8;
	[tilespmem:$0x10400] =	vst v63  }
0x213: {  	v3 =	vadd.s32 v1, v3;
	s23 =	simm.s32 $0x9400  }
0x214: {  	[hbm4b:s9+s3] =	stream.indirect_vreg.scatter [tilespmem:s23], [sflag:$0x2], $0x80, v4, vm0, $0xb8;
	[tilespmem:$0x10400] =	vst v63  }
0x215: {  	s16 =	simm.s32 $0x9C00  }
0x216: {  	[hbm4b:s10+s3] =	stream.indirect_vreg.scatter [tilespmem:s16], [sflag:$0x2], $0x80, v4, vm0, $0xb8;
	[tilespmem:$0x10400] =	vst v63  }
0x217: {  	s23 =	simm.s32 $0xA400  }
0x218: {  	[hbm4b:s4+s3] =	stream.indirect_vreg.scatter [tilespmem:s23], [sflag:$0x2], $0x80, v3, vm0, $0xb8;
	[tilespmem:$0x10400] =	vst v63  }
0x219: {  	s0 =	simm.s32 $0xAC00  }
0x21a: {  	[hbm4b:s8+s3] =	stream.indirect_vreg.scatter [tilespmem:s0], [sflag:$0x2], $0x80, v3, vm0, $0xb8;
	[tilespmem:$0x10400] =	vst v63  }
0x21b: {  	s24 =	simm.s32 $0xB400  }
0x21c: {  	[hbm4b:s9+s3] =	stream.indirect_vreg.scatter [tilespmem:s24], [sflag:$0x2], $0x80, v3, vm0, $0xb8;
	[tilespmem:$0x10400] =	vst v63  }
0x21d: {  	s18 =	simm.s32 $0xBC00  }
0x21e: {  	[hbm4b:s10+s3] =	stream.indirect_vreg.scatter [tilespmem:s18], [sflag:$0x2], $0x80, v3, vm0, $0xb8;
	[tilespmem:$0x10400] =	vst v63  }
0x21f: {  	v3 =	vld [tilespmem:$0x330];
	_ =	sdelay $0x4  }
0x220: {  	v55 =	vshll.u32 v3, $0x3  }
0x221: {  	v3 =	vand.u32 $0x7, v3;
	v4 =	vand.u32 $0xFFFFFFC0, v55  }
0x222: {  	v3 =	vor.u32 v3, v4  }
0x223: {  	v4 =	vperm.xlane v3, v0;
	_ =	sdelay $0x1  }
0x224: {  	v4 =	vadd.s32 v1, v4;
	_ =	sdelay $0x3  }
0x225: {  	s24 =	simm.s32 $0xC400  }
0x226: {  	[hbm4b:s4+s3] =	stream.indirect_vreg.scatter [tilespmem:s24], [sflag:$0x2], $0x80, v4, vm0, $0xb8;
	[tilespmem:$0x10400] =	vst v63  }
0x227: {  	s20 =	simm.s32 $0xCC00;
	v3 =	vperm.xlane v3, v2  }
0x228: {  	[hbm4b:s8+s3] =	stream.indirect_vreg.scatter [tilespmem:s20], [sflag:$0x2], $0x80, v4, vm0, $0xb8;
	[tilespmem:$0x10400] =	vst v63  }
0x229: {  	s31 =	simm.s32 $0xD400;
	v3 =	vadd.s32 v1, v3  }
0x22a: {  	[hbm4b:s9+s3] =	stream.indirect_vreg.scatter [tilespmem:s31], [sflag:$0x2], $0x80, v4, vm0, $0xb8;
	[tilespmem:$0x10400] =	vst v63  }
0x22b: {  	s21 =	simm.s32 $0xDC00  }
0x22c: {  	[hbm4b:s10+s3] =	stream.indirect_vreg.scatter [tilespmem:s21], [sflag:$0x2], $0x80, v4, vm0, $0xb8;
	[tilespmem:$0x10400] =	vst v63  }
0x22d: {  	s29 =	simm.s32 $0xE400  }
0x22e: {  	[hbm4b:s4+s3] =	stream.indirect_vreg.scatter [tilespmem:s29], [sflag:$0x2], $0x80, v3, vm0, $0xb8;
	[tilespmem:$0x10400] =	vst v63  }
0x22f: {  	s28 =	simm.s32 $0xEC00  }
0x230: {  	[hbm4b:s8+s3] =	stream.indirect_vreg.scatter [tilespmem:s28], [sflag:$0x2], $0x80, v3, vm0, $0xb8;
	[tilespmem:$0x10400] =	vst v63  }
0x231: {  	s12 =	simm.s32 $0xF400  }
0x232: {  	[hbm4b:s9+s3] =	stream.indirect_vreg.scatter [tilespmem:s12], [sflag:$0x2], $0x80, v3, vm0, $0xb8;
	[tilespmem:$0x10400] =	vst v63  }
0x233: {  	s13 =	simm.s32 $0xFC00  }
0x234: {  	[hbm4b:s10+s3] =	stream.indirect_vreg.scatter [tilespmem:s13], [sflag:$0x2], $0x80, v3, vm0, $0xb8;
	[tilespmem:$0x10400] =	vst v63  }
0x235: {  	_ =	swait.ge [sflag:s11], $0x10000  }
0x236: {  	[sflag:s11] =	ssyncset.done $0x0  }
0x237: {  	[sflag:s11] =	ssyncadd.s32 $0xFFFF0000  }
0x238: {  	v3 =	vld [tilespmem:$0x180];
	_ =	sdelay $0x4  }
0x239: {  	v56 =	vshll.u32 v3, $0x3  }
0x23a: {  	v3 =	vand.u32 $0x7, v3;
	v4 =	vand.u32 $0xFFFFFFC0, v56  }
0x23b: {  	v3 =	vor.u32 v3, v4  }
0x23c: {  	v4 =	vperm.xlane v3, v0;
	_ =	sdelay $0x1  }
0x23d: {  	v4 =	vadd.s32 v1, v4;
	_ =	sdelay $0x3  }
0x23e: {  	s20 =	simm.s32 $0x400  }
0x23f: {  	[tilespmem:s20], [sflag:$0x1] =	stream.indirect_vreg.gather [hbm4b:s1+s3], $0x80, v4, vm0, $0xb8;
	[tilespmem:$0x10400] =	vst v63  }
0x240: {  	s24 =	simm.s32 $0xC00;
	v3 =	vperm.xlane v3, v2  }
0x241: {  	[tilespmem:s24], [sflag:$0x1] =	stream.indirect_vreg.gather [hbm4b:s5+s3], $0x80, v4, vm0, $0xb8;
	[tilespmem:$0x10400] =	vst v63  }
0x242: {  	s28 =	simm.s32 $0x1400;
	v3 =	vadd.s32 v1, v3  }
0x243: {  	[tilespmem:s28], [sflag:$0x1] =	stream.indirect_vreg.gather [hbm4b:s6+s3], $0x80, v4, vm0, $0xb8;
	[tilespmem:$0x10400] =	vst v63  }
0x244: {  	s29 =	simm.s32 $0x1C00  }
0x245: {  	[tilespmem:s29], [sflag:$0x1] =	stream.indirect_vreg.gather [hbm4b:s7+s3], $0x80, v4, vm0, $0xb8;
	[tilespmem:$0x10400] =	vst v63  }
0x246: {  	s13 =	simm.s32 $0x2400  }
0x247: {  	[tilespmem:s13], [sflag:$0x1] =	stream.indirect_vreg.gather [hbm4b:s1+s3], $0x80, v3, vm0, $0xb8;
	[tilespmem:$0x10400] =	vst v63  }
0x248: {  	s14 =	simm.s32 $0x2C00  }
0x249: {  	[tilespmem:s14], [sflag:$0x1] =	stream.indirect_vreg.gather [hbm4b:s5+s3], $0x80, v3, vm0, $0xb8;
	[tilespmem:$0x10400] =	vst v63  }
0x24a: {  	s14 =	simm.s32 $0x3400  }
0x24b: {  	[tilespmem:s14], [sflag:$0x1] =	stream.indirect_vreg.gather [hbm4b:s6+s3], $0x80, v3, vm0, $0xb8;
	[tilespmem:$0x10400] =	vst v63  }
0x24c: {  	s20 =	simm.s32 $0x3C00  }
0x24d: {  	[tilespmem:s20], [sflag:$0x1] =	stream.indirect_vreg.gather [hbm4b:s7+s3], $0x80, v3, vm0, $0xb8;
	[tilespmem:$0x10400] =	vst v63  }
0x24e: {  	v3 =	vld [tilespmem:$0x190];
	_ =	sdelay $0x4  }
0x24f: {  	v57 =	vshll.u32 v3, $0x3  }
0x250: {  	v3 =	vand.u32 $0x7, v3;
	v4 =	vand.u32 $0xFFFFFFC0, v57  }
0x251: {  	v3 =	vor.u32 v3, v4  }
0x252: {  	v4 =	vperm.xlane v3, v0;
	_ =	sdelay $0x1  }
0x253: {  	v4 =	vadd.s32 v1, v4;
	_ =	sdelay $0x3  }
0x254: {  	s24 =	simm.s32 $0x4400  }
0x255: {  	[tilespmem:s24], [sflag:$0x1] =	stream.indirect_vreg.gather [hbm4b:s1+s3], $0x80, v4, vm0, $0xb8;
	[tilespmem:$0x10400] =	vst v63  }
0x256: {  	s28 =	simm.s32 $0x4C00;
	v3 =	vperm.xlane v3, v2  }
0x257: {  	[tilespmem:s28], [sflag:$0x1] =	stream.indirect_vreg.gather [hbm4b:s5+s3], $0x80, v4, vm0, $0xb8;
	[tilespmem:$0x10400] =	vst v63  }
0x258: {  	s29 =	simm.s32 $0x5400;
	v3 =	vadd.s32 v1, v3  }
0x259: {  	[tilespmem:s29], [sflag:$0x1] =	stream.indirect_vreg.gather [hbm4b:s6+s3], $0x80, v4, vm0, $0xb8;
	[tilespmem:$0x10400] =	vst v63  }
0x25a: {  	s2 =	simm.s32 $0x5C00  }
0x25b: {  	[tilespmem:s2], [sflag:$0x1] =	stream.indirect_vreg.gather [hbm4b:s7+s3], $0x80, v4, vm0, $0xb8;
	[tilespmem:$0x10400] =	vst v63  }
0x25c: {  	s30 =	simm.s32 $0x6400  }
0x25d: {  	[tilespmem:s30], [sflag:$0x1] =	stream.indirect_vreg.gather [hbm4b:s1+s3], $0x80, v3, vm0, $0xb8;
	[tilespmem:$0x10400] =	vst v63  }
0x25e: {  	s12 =	simm.s32 $0x6C00  }
0x25f: {  	[tilespmem:s12], [sflag:$0x1] =	stream.indirect_vreg.gather [hbm4b:s5+s3], $0x80, v3, vm0, $0xb8;
	[tilespmem:$0x10400] =	vst v63  }
0x260: {  	s15 =	simm.s32 $0x7400  }
0x261: {  	[tilespmem:s15], [sflag:$0x1] =	stream.indirect_vreg.gather [hbm4b:s6+s3], $0x80, v3, vm0, $0xb8;
	[tilespmem:$0x10400] =	vst v63  }
0x262: {  	s17 =	simm.s32 $0x7C00  }
0x263: {  	[tilespmem:s17], [sflag:$0x1] =	stream.indirect_vreg.gather [hbm4b:s7+s3], $0x80, v3, vm0, $0xb8;
	[tilespmem:$0x10400] =	vst v63  }
0x264: {  	v3 =	vld [tilespmem:$0x1A0];
	_ =	sdelay $0x4  }
0x265: {  	v58 =	vshll.u32 v3, $0x3  }
0x266: {  	v3 =	vand.u32 $0x7, v3;
	v4 =	vand.u32 $0xFFFFFFC0, v58  }
0x267: {  	v3 =	vor.u32 v3, v4  }
0x268: {  	v4 =	vperm.xlane v3, v0;
	_ =	sdelay $0x1  }
0x269: {  	v4 =	vadd.s32 v1, v4;
	_ =	sdelay $0x3  }
0x26a: {  	s26 =	simm.s32 $0x8400  }
0x26b: {  	[tilespmem:s26], [sflag:$0x1] =	stream.indirect_vreg.gather [hbm4b:s1+s3], $0x80, v4, vm0, $0xb8;
	[tilespmem:$0x10400] =	vst v63  }
0x26c: {  	s17 =	simm.s32 $0x8C00;
	v3 =	vperm.xlane v3, v2  }
0x26d: {  	[tilespmem:s17], [sflag:$0x1] =	stream.indirect_vreg.gather [hbm4b:s5+s3], $0x80, v4, vm0, $0xb8;
	[tilespmem:$0x10400] =	vst v63  }
0x26e: {  	s24 =	simm.s32 $0x9400;
	v3 =	vadd.s32 v1, v3  }
0x26f: {  	[tilespmem:s24], [sflag:$0x1] =	stream.indirect_vreg.gather [hbm4b:s6+s3], $0x80, v4, vm0, $0xb8;
	[tilespmem:$0x10400] =	vst v63  }
0x270: {  	s16 =	simm.s32 $0x9C00  }
0x271: {  	[tilespmem:s16], [sflag:$0x1] =	stream.indirect_vreg.gather [hbm4b:s7+s3], $0x80, v4, vm0, $0xb8;
	[tilespmem:$0x10400] =	vst v63  }
0x272: {  	s28 =	simm.s32 $0xA400  }
0x273: {  	[tilespmem:s28], [sflag:$0x1] =	stream.indirect_vreg.gather [hbm4b:s1+s3], $0x80, v3, vm0, $0xb8;
	[tilespmem:$0x10400] =	vst v63  }
0x274: {  	s0 =	simm.s32 $0xAC00  }
0x275: {  	[tilespmem:s0], [sflag:$0x1] =	stream.indirect_vreg.gather [hbm4b:s5+s3], $0x80, v3, vm0, $0xb8;
	[tilespmem:$0x10400] =	vst v63  }
0x276: {  	s16 =	simm.s32 $0xB400  }
0x277: {  	[tilespmem:s16], [sflag:$0x1] =	stream.indirect_vreg.gather [hbm4b:s6+s3], $0x80, v3, vm0, $0xb8;
	[tilespmem:$0x10400] =	vst v63  }
0x278: {  	s18 =	simm.s32 $0xBC00  }
0x279: {  	[tilespmem:s18], [sflag:$0x1] =	stream.indirect_vreg.gather [hbm4b:s7+s3], $0x80, v3, vm0, $0xb8;
	[tilespmem:$0x10400] =	vst v63  }
0x27a: {  	v3 =	vld [tilespmem:$0x1B0];
	_ =	sdelay $0x4  }
0x27b: {  	v59 =	vshll.u32 v3, $0x3  }
0x27c: {  	v3 =	vand.u32 $0x7, v3;
	v4 =	vand.u32 $0xFFFFFFC0, v59  }
0x27d: {  	v3 =	vor.u32 v3, v4  }
0x27e: {  	v4 =	vperm.xlane v3, v0;
	_ =	sdelay $0x1  }
0x27f: {  	v4 =	vadd.s32 v1, v4;
	_ =	sdelay $0x3  }
0x280: {  	s18 =	simm.s32 $0xC400  }
0x281: {  	[tilespmem:s18], [sflag:$0x1] =	stream.indirect_vreg.gather [hbm4b:s1+s3], $0x80, v4, vm0, $0xb8;
	[tilespmem:$0x10400] =	vst v63  }
0x282: {  	s19 =	simm.s32 $0xCC00;
	v3 =	vperm.xlane v3, v2  }
0x283: {  	[tilespmem:s19], [sflag:$0x1] =	stream.indirect_vreg.gather [hbm4b:s5+s3], $0x80, v4, vm0, $0xb8;
	[tilespmem:$0x10400] =	vst v63  }
0x284: {  	v3 =	vadd.s32 v1, v3;
	s19 =	simm.s32 $0xD400  }
0x285: {  	[tilespmem:s19], [sflag:$0x1] =	stream.indirect_vreg.gather [hbm4b:s6+s3], $0x80, v4, vm0, $0xb8;
	[tilespmem:$0x10400] =	vst v63  }
0x286: {  	s21 =	simm.s32 $0xDC00  }
0x287: {  	[tilespmem:s21], [sflag:$0x1] =	stream.indirect_vreg.gather [hbm4b:s7+s3], $0x80, v4, vm0, $0xb8;
	[tilespmem:$0x10400] =	vst v63  }
0x288: {  	s21 =	simm.s32 $0xE400  }
0x289: {  	[tilespmem:s21], [sflag:$0x1] =	stream.indirect_vreg.gather [hbm4b:s1+s3], $0x80, v3, vm0, $0xb8;
	[tilespmem:$0x10400] =	vst v63  }
0x28a: {  	s23 =	simm.s32 $0xEC00  }
0x28b: {  	[tilespmem:s23], [sflag:$0x1] =	stream.indirect_vreg.gather [hbm4b:s5+s3], $0x80, v3, vm0, $0xb8;
	[tilespmem:$0x10400] =	vst v63  }
0x28c: {  	s31 =	simm.s32 $0xF400  }
0x28d: {  	[tilespmem:s31], [sflag:$0x1] =	stream.indirect_vreg.gather [hbm4b:s6+s3], $0x80, v3, vm0, $0xb8;
	[tilespmem:$0x10400] =	vst v63  }
0x28e: {  	s31 =	simm.s32 $0xFC00  }
0x28f: {  	[tilespmem:s31], [sflag:$0x1] =	stream.indirect_vreg.gather [hbm4b:s7+s3], $0x80, v3, vm0, $0xb8;
	[tilespmem:$0x10400] =	vst v63  }
0x290: {  	_ =	swait.ge [sflag:s25], $0x10000  }
0x291: {  	[sflag:s25] =	ssyncset.done $0x0  }
0x292: {  	[sflag:s25] =	ssyncadd.s32 $0xFFFF0000  }
0x293: {  	v3 =	vld [tilespmem:$0x380];
	_ =	sdelay $0x4  }
0x294: {  	v60 =	vshll.u32 v3, $0x3  }
0x295: {  	v3 =	vand.u32 $0x7, v3;
	v4 =	vand.u32 $0xFFFFFFC0, v60  }
0x296: {  	v3 =	vor.u32 v3, v4  }
0x297: {  	v4 =	vperm.xlane v3, v0;
	_ =	sdelay $0x1  }
0x298: {  	v4 =	vadd.s32 v1, v4;
	_ =	sdelay $0x3  }
0x299: {  	s31 =	simm.s32 $0x400  }
0x29a: {  	[hbm4b:s4+s3] =	stream.indirect_vreg.scatter [tilespmem:s31], [sflag:$0x2], $0x80, v4, vm0, $0xb8;
	[tilespmem:$0x10400] =	vst v63  }
0x29b: {  	v3 =	vperm.xlane v3, v2;
	s31 =	simm.s32 $0xC00  }
0x29c: {  	[hbm4b:s8+s3] =	stream.indirect_vreg.scatter [tilespmem:s31], [sflag:$0x2], $0x80, v4, vm0, $0xb8;
	[tilespmem:$0x10400] =	vst v63  }
0x29d: {  	v3 =	vadd.s32 v1, v3;
	s31 =	simm.s32 $0x1400  }
0x29e: {  	[hbm4b:s9+s3] =	stream.indirect_vreg.scatter [tilespmem:s31], [sflag:$0x2], $0x80, v4, vm0, $0xb8;
	[tilespmem:$0x10400] =	vst v63  }
0x29f: {  	s31 =	simm.s32 $0x1C00  }
0x2a0: {  	[hbm4b:s10+s3] =	stream.indirect_vreg.scatter [tilespmem:s31], [sflag:$0x2], $0x80, v4, vm0, $0xb8;
	[tilespmem:$0x10400] =	vst v63  }
0x2a1: {  	s31 =	simm.s32 $0x2400  }
0x2a2: {  	[hbm4b:s4+s3] =	stream.indirect_vreg.scatter [tilespmem:s31], [sflag:$0x2], $0x80, v3, vm0, $0xb8;
	[tilespmem:$0x10400] =	vst v63  }
0x2a3: {  	s13 =	simm.s32 $0x2C00  }
0x2a4: {  	[hbm4b:s8+s3] =	stream.indirect_vreg.scatter [tilespmem:s13], [sflag:$0x2], $0x80, v3, vm0, $0xb8;
	[tilespmem:$0x10400] =	vst v63  }
0x2a5: {  	s25 =	simm.s32 $0x3400  }
0x2a6: {  	[hbm4b:s9+s3] =	stream.indirect_vreg.scatter [tilespmem:s25], [sflag:$0x2], $0x80, v3, vm0, $0xb8;
	[tilespmem:$0x10400] =	vst v63  }
0x2a7: {  	s31 =	simm.s32 $0x3C00  }
0x2a8: {  	[hbm4b:s10+s3] =	stream.indirect_vreg.scatter [tilespmem:s31], [sflag:$0x2], $0x80, v3, vm0, $0xb8;
	[tilespmem:$0x10400] =	vst v63  }
0x2a9: {  	v3 =	vld [tilespmem:$0x390];
	_ =	sdelay $0x4  }
0x2aa: {  	v61 =	vshll.u32 v3, $0x3  }
0x2ab: {  	v3 =	vand.u32 $0x7, v3;
	v4 =	vand.u32 $0xFFFFFFC0, v61  }
0x2ac: {  	v3 =	vor.u32 v3, v4  }
0x2ad: {  	v4 =	vperm.xlane v3, v0;
	_ =	sdelay $0x1  }
0x2ae: {  	v4 =	vadd.s32 v1, v4;
	_ =	sdelay $0x3  }
0x2af: {  	s25 =	simm.s32 $0x4400  }
0x2b0: {  	[hbm4b:s4+s3] =	stream.indirect_vreg.scatter [tilespmem:s25], [sflag:$0x2], $0x80, v4, vm0, $0xb8;
	[tilespmem:$0x10400] =	vst v63  }
0x2b1: {  	s31 =	simm.s32 $0x4C00;
	v3 =	vperm.xlane v3, v2  }
0x2b2: {  	[hbm4b:s8+s3] =	stream.indirect_vreg.scatter [tilespmem:s31], [sflag:$0x2], $0x80, v4, vm0, $0xb8;
	[tilespmem:$0x10400] =	vst v63  }
0x2b3: {  	v3 =	vadd.s32 v1, v3;
	s25 =	simm.s32 $0x5400  }
0x2b4: {  	[hbm4b:s9+s3] =	stream.indirect_vreg.scatter [tilespmem:s25], [sflag:$0x2], $0x80, v4, vm0, $0xb8;
	[tilespmem:$0x10400] =	vst v63  }
0x2b5: {  	s14 =	simm.s32 $0x5C00  }
0x2b6: {  	[hbm4b:s10+s3] =	stream.indirect_vreg.scatter [tilespmem:s14], [sflag:$0x2], $0x80, v4, vm0, $0xb8;
	[tilespmem:$0x10400] =	vst v63  }
0x2b7: {  	s29 =	simm.s32 $0x6400  }
0x2b8: {  	[hbm4b:s4+s3] =	stream.indirect_vreg.scatter [tilespmem:s29], [sflag:$0x2], $0x80, v3, vm0, $0xb8;
	[tilespmem:$0x10400] =	vst v63  }
0x2b9: {  	s20 =	simm.s32 $0x6C00  }
0x2ba: {  	[hbm4b:s8+s3] =	stream.indirect_vreg.scatter [tilespmem:s20], [sflag:$0x2], $0x80, v3, vm0, $0xb8;
	[tilespmem:$0x10400] =	vst v63  }
0x2bb: {  	s30 =	simm.s32 $0x7400  }
0x2bc: {  	[hbm4b:s9+s3] =	stream.indirect_vreg.scatter [tilespmem:s30], [sflag:$0x2], $0x80, v3, vm0, $0xb8;
	[tilespmem:$0x10400] =	vst v63  }
0x2bd: {  	s15 =	simm.s32 $0x7C00  }
0x2be: {  	[hbm4b:s10+s3] =	stream.indirect_vreg.scatter [tilespmem:s15], [sflag:$0x2], $0x80, v3, vm0, $0xb8;
	[tilespmem:$0x10400] =	vst v63  }
0x2bf: {  	v3 =	vld [tilespmem:$0x3A0];
	_ =	sdelay $0x4  }
0x2c0: {  	v62 =	vshll.u32 v3, $0x3  }
0x2c1: {  	v3 =	vand.u32 $0x7, v3;
	v4 =	vand.u32 $0xFFFFFFC0, v62  }
0x2c2: {  	v3 =	vor.u32 v3, v4  }
0x2c3: {  	v4 =	vperm.xlane v3, v0;
	_ =	sdelay $0x1  }
0x2c4: {  	v4 =	vadd.s32 v1, v4;
	_ =	sdelay $0x3  }
0x2c5: {  	s12 =	simm.s32 $0x8400  }
0x2c6: {  	[hbm4b:s4+s3] =	stream.indirect_vreg.scatter [tilespmem:s12], [sflag:$0x2], $0x80, v4, vm0, $0xb8;
	[tilespmem:$0x10400] =	vst v63  }
0x2c7: {  	s26 =	simm.s32 $0x8C00;
	v3 =	vperm.xlane v3, v2  }
0x2c8: {  	[hbm4b:s8+s3] =	stream.indirect_vreg.scatter [tilespmem:s26], [sflag:$0x2], $0x80, v4, vm0, $0xb8;
	[tilespmem:$0x10400] =	vst v63  }
0x2c9: {  	v3 =	vadd.s32 v1, v3;
	s26 =	simm.s32 $0x9400  }
0x2ca: {  	[hbm4b:s9+s3] =	stream.indirect_vreg.scatter [tilespmem:s26], [sflag:$0x2], $0x80, v4, vm0, $0xb8;
	[tilespmem:$0x10400] =	vst v63  }
0x2cb: {  	s17 =	simm.s32 $0x9C00  }
0x2cc: {  	[hbm4b:s10+s3] =	stream.indirect_vreg.scatter [tilespmem:s17], [sflag:$0x2], $0x80, v4, vm0, $0xb8;
	[tilespmem:$0x10400] =	vst v63  }
0x2cd: {  	s24 =	simm.s32 $0xA400  }
0x2ce: {  	[hbm4b:s4+s3] =	stream.indirect_vreg.scatter [tilespmem:s24], [sflag:$0x2], $0x80, v3, vm0, $0xb8;
	[tilespmem:$0x10400] =	vst v63  }
0x2cf: {  	s2 =	simm.s32 $0xAC00  }
0x2d0: {  	[hbm4b:s8+s3] =	stream.indirect_vreg.scatter [tilespmem:s2], [sflag:$0x2], $0x80, v3, vm0, $0xb8;
	[tilespmem:$0x10400] =	vst v63  }
0x2d1: {  	s28 =	simm.s32 $0xB400  }
0x2d2: {  	[hbm4b:s9+s3] =	stream.indirect_vreg.scatter [tilespmem:s28], [sflag:$0x2], $0x80, v3, vm0, $0xb8;
	[tilespmem:$0x10400] =	vst v63  }
0x2d3: {  	s0 =	simm.s32 $0xBC00  }
0x2d4: {  	[hbm4b:s10+s3] =	stream.indirect_vreg.scatter [tilespmem:s0], [sflag:$0x2], $0x80, v3, vm0, $0xb8;
	[tilespmem:$0x10400] =	vst v63  }
0x2d5: {  	v3 =	vld [tilespmem:$0x3B0];
	_ =	sdelay $0x4  }
0x2d6: {  	v63 =	vshll.u32 v3, $0x3  }
0x2d7: {  	v3 =	vand.u32 $0x7, v3;
	v4 =	vand.u32 $0xFFFFFFC0, v63  }
0x2d8: {  	v3 =	vor.u32 v3, v4  }
0x2d9: {  	v4 =	vperm.xlane v3, v0;
	_ =	sdelay $0x1  }
0x2da: {  	v4 =	vadd.s32 v1, v4;
	_ =	sdelay $0x3  }
0x2db: {  	s29 =	simm.s32 $0xC400  }
0x2dc: {  	[hbm4b:s4+s3] =	stream.indirect_vreg.scatter [tilespmem:s29], [sflag:$0x2], $0x80, v4, vm0, $0xb8;
	[tilespmem:$0x10400] =	vst v63  }
0x2dd: {  	s16 =	simm.s32 $0xCC00;
	v3 =	vperm.xlane v3, v2  }
0x2de: {  	[hbm4b:s8+s3] =	stream.indirect_vreg.scatter [tilespmem:s16], [sflag:$0x2], $0x80, v4, vm0, $0xb8;
	[tilespmem:$0x10400] =	vst v63  }
0x2df: {  	s30 =	simm.s32 $0xD400;
	v3 =	vadd.s32 v1, v3  }
0x2e0: {  	[hbm4b:s9+s3] =	stream.indirect_vreg.scatter [tilespmem:s30], [sflag:$0x2], $0x80, v4, vm0, $0xb8;
	[tilespmem:$0x10400] =	vst v63  }
0x2e1: {  	s18 =	simm.s32 $0xDC00  }
0x2e2: {  	[hbm4b:s10+s3] =	stream.indirect_vreg.scatter [tilespmem:s18], [sflag:$0x2], $0x80, v4, vm0, $0xb8;
	[tilespmem:$0x10400] =	vst v63  }
0x2e3: {  	s31 =	simm.s32 $0xE400  }
0x2e4: {  	[hbm4b:s4+s3] =	stream.indirect_vreg.scatter [tilespmem:s31], [sflag:$0x2], $0x80, v3, vm0, $0xb8;
	[tilespmem:$0x10400] =	vst v63  }
0x2e5: {  	s19 =	simm.s32 $0xEC00  }
0x2e6: {  	[hbm4b:s8+s3] =	stream.indirect_vreg.scatter [tilespmem:s19], [sflag:$0x2], $0x80, v3, vm0, $0xb8;
	[tilespmem:$0x10400] =	vst v63  }
0x2e7: {  	p0 =	sne.s32 s22, $0x1;
	s21 =	simm.s32 $0xF400  }
0x2e8: {  	[hbm4b:s9+s3] =	stream.indirect_vreg.scatter [tilespmem:s21], [sflag:$0x2], $0x80, v3, vm0, $0xb8;
	[tilespmem:$0x10400] =	vst v63  }
.Ltmp0:
0x2e9: {  	s23 =	simm.s32 $0xFC00;
	(pc) =	sbr.rel @p0 .LBB2_1-.Ltmp0, $4  }
0x2ea: {  	[hbm4b:s10+s3] =	stream.indirect_vreg.scatter [tilespmem:s23], [sflag:$0x2], $0x80, v3, vm0, $0xb8;
	[tilespmem:$0x10400] =	vst v63  }
0x2eb: {  	_ =	swait.ge [sflag:s11], $0x10000  }
0x2ec: {  	[sflag:s11] =	ssyncset.done $0x0  }
0x2ed: {  	s22 =	sadd.s32 $0xFFFFFFFF, s22;
	[sflag:s11] =	ssyncadd.s32 $0xFFFF0000  }
0x2ee: {  	_ =	sfence.sel $0x180000  }
0x2ef: {  	[bflag:$0x0] =	sbarrier.arrive $0xFFFF  }
0x2f0: {  	_ =	strace $0x90000047  }
0x2f1: {  	s0 =	stileid.u32;
	[bflag:$0x2] =	sbarrier.arrive $0xFFFF  }
0x2f2: {  	p0 =	sne.s32 s0, $0x0;
	s0 =	rddreg [dreg:$0x3]  }
0x2f3: {  	s0 =	sadd.s32 @!p0 $0x100000, s0  }
0x2f4: {  	[sflag:s0] =	ssyncadd.tile.s32 @!p0 $0x1;
	_ =	shalt  }
.Lfunc_end2:
_tile_overlayer_lowered:
.L_overlay_start_2:
0x2f5: {  	(tag) =	ssettag $0x2  }
0x2f6: {  	s0 =	rddreg [dreg:$0x0];
	s2 =	stileid.u32  }
0x2f7: {  	s1 =	rddreg [dreg:$0x1];
	p0 =	sne.s32 s2, $0x0  }
0x2f8: {  	s3 =	rddreg [dreg:$0x2];
	[bflag:$0x3] =	sbarrier.arrive $0xFFFF;
	s2 =	simm.s32 @!p0 $0x1C03  }
0x2f9: {  	[timem:s3], [sflag:s2] =	dma.local @!p0 [hbm:s0], s1  }
0x2fa: {  	s0 =	simm.s32 @!p0 $0x3  }
0x2fb: {  	_ =	swait.ge @!p0 [sflag:s0], s1  }
0x2fc: {  	s1 =	ssub.s32 @!p0 $0x0, s1;
	[sflag:s0] =	ssyncset.done @!p0 $0x0  }
0x2fd: {  	[sflag:s0] =	ssyncadd.s32 @!p0 s1  }
0x2fe: {  	[bflag:$0x3] =	sbarrier.arrive $0xFFFF  }
0x2ff: {  	_ =	shalt  }

</sc_bundles>
